<compile_context>
chip_gen: v7x
topology: tpu7x:2x2x1
jax: 0.10.2.dev20260603
libtpu: 0.0.44.dev20260713+nightly
codegen_flags: <defaults>
</compile_context>

<pallas_src>
import functools

import jax
import jax.numpy as jnp
from jax import lax
from jax.experimental import pallas as pl
from jax.experimental.pallas import tpu as pltpu
from jax.experimental.pallas import tpu_sc as plsc

_B = 1024
_DNUM = 32
_NCAT = 8
_CARD = 1000
_DT = 1024
_DH = 675
_NTOK = _DNUM + 1
_T = 41
_E = 8
_MID = 512
_EPS = 1e-5
_BC = 128
_SQRT_HALF = 0.7071067811865476
_NEG = -3.4e38


def _gelu(x):
    return 0.5 * x * (1.0 + lax.erf(x * _SQRT_HALF))


_GCH = 64


def _sc_gather(table, idx):
    info = plsc.get_sparse_core_info()
    nc, ns = info.num_cores, info.num_subcores
    nw = nc * ns
    n = idx.shape[0]
    bpw = n // nw
    mesh = plsc.VectorSubcoreMesh(core_axis_name="c", subcore_axis_name="s")

    @functools.partial(
        pl.kernel,
        mesh=mesh,
        out_type=jax.ShapeDtypeStruct((n, _DT), jnp.float32),
        scratch_types=[
            pltpu.VMEM((_GCH,), jnp.int32),
            pltpu.VMEM((_GCH, _DT), jnp.float32),
            pltpu.SemaphoreType.DMA,
        ],
    )
    def k(table_hbm, idx_hbm, out_hbm, idx_v, rows_v, sem):
        wid = lax.axis_index("s") * nc + lax.axis_index("c")
        base = wid * bpw
        for c in range(bpw // _GCH):
            off = base + c * _GCH
            pltpu.sync_copy(idx_hbm.at[pl.ds(off, _GCH)], idx_v)
            pltpu.async_copy(table_hbm.at[idx_v], rows_v, sem).wait()
            pltpu.sync_copy(rows_v, out_hbm.at[pl.ds(off, _GCH)])

    return k(table, idx)


def _s1_body(xn_ref, emb_ref, stats_ref, s0_ref, uv_ref, vv_ref, cvv_ref,
             catb_ref, lng_ref, lnb_ref, w0vt_ref, b0v_ref, sgug_ref,
             vconst_ref, w1ut_ref, cout_ref, hid_ref):
    xn = xn_ref[...]
    vw = stats_ref[0:1, :]
    cv_ = stats_ref[1:2, :]
    vc = stats_ref[2:3, :]
    rsig = lax.rsqrt(xn * xn * vw + 2.0 * xn * cv_ + vc + _EPS)
    alm = xn * rsig
    cvv = cvv_ref[...]
    bc = xn.shape[0]
    acc = jnp.zeros((bc, _DH), jnp.float32)
    for t in range(_NTOK):
        h = (alm[:, t:t + 1] * uv_ref[t:t + 1, :]
             + rsig[:, t:t + 1] * vv_ref[t:t + 1, :] + cvv)
        g = _gelu(h)
        mu = jnp.mean(g, axis=1, keepdims=True)
        s2 = jnp.mean(g * g, axis=1, keepdims=True)
        inv = lax.rsqrt(s2 - mu * mu + _EPS)
        acc = acc + s0_ref[0, t] * ((g - mu) * inv)
    lng = lng_ref[...]
    lnb = lnb_ref[...]
    xls = []
    for j in range(_NCAT):
        xc = emb_ref[:, j, :] + catb_ref[j:j + 1, :]
        m = jnp.mean(xc, axis=1, keepdims=True)
        v2 = jnp.mean(xc * xc, axis=1, keepdims=True) - m * m
        xls.append((xc - m) * lax.rsqrt(v2 + _EPS) * lng + lnb)
    xl2 = jnp.concatenate(xls, axis=0).astype(jnp.bfloat16)
    h2 = jnp.dot(xl2, w0vt_ref[...],
                 preferred_element_type=jnp.float32) + b0v_ref[...]
    g2 = _gelu(h2)
    mu2 = jnp.mean(g2, axis=1, keepdims=True)
    s22 = jnp.mean(g2 * g2, axis=1, keepdims=True)
    inv2 = lax.rsqrt(s22 - mu2 * mu2 + _EPS)
    n2 = (g2 - mu2) * inv2
    for j in range(_NCAT):
        acc = acc + s0_ref[0, _NTOK + j] * n2[j * bc:(j + 1) * bc, :]
    v0 = (acc * sgug_ref[...] + vconst_ref[...]).astype(jnp.bfloat16)
    hp = jnp.dot(v0, w1ut_ref[...],
                 preferred_element_type=jnp.float32) + cout_ref[...]
    m3 = jnp.mean(hp, axis=1, keepdims=True)
    v3 = jnp.mean(hp * hp, axis=1, keepdims=True) - m3 * m3
    hid_ref[...] = (hp - m3) * lax.rsqrt(v3 + _EPS) * lng + lnb


def _rep(shape):
    nd = len(shape)
    return pl.BlockSpec(shape, lambda i: (0,) * nd)


_S1_IN_SPECS = [
    pl.BlockSpec((_BC, _NTOK), lambda i: (i, 0)),
    pl.BlockSpec((_BC, _NCAT, _DT), lambda i: (i, 0, 0)),
    _rep((3, _NTOK)),
    pl.BlockSpec(memory_space=pltpu.SMEM),
    _rep((_NTOK, _DH)),
    _rep((_NTOK, _DH)),
    _rep((1, _DH)),
    _rep((_NCAT, _DT)),
    _rep((1, _DT)),
    _rep((1, _DT)),
    _rep((_DT, _DH)),
    _rep((1, _DH)),
    _rep((1, _DH)),
    _rep((1, _DH)),
    _rep((_DH, _DT)),
    _rep((1, _DT)),
]
_S1_OUT_SPEC = pl.BlockSpec((_BC, _DT), lambda i: (i, 0))
_S1_OUT_SHAPE = jax.ShapeDtypeStruct((_B, _DT), jnp.float32)


def _s2_body(hid_ref, wh1_ref, rw1t_ref, hb1_ref, rb1_ref, ew1t_ref,
             eb1f_ref, ew2f_ref, eb2_ref, rw2t_ref, rb2_ref, gw2_ref,
             aw2_ref, sc2_ref, o_ref):
    hid = hid_ref[...]
    hid_bf = hid.astype(jnp.bfloat16)
    o1 = jnp.dot(hid_bf, wh1_ref[...],
                 preferred_element_type=jnp.float32) + hb1_ref[...]
    gpre = o1[:, 0:_MID]
    apre = o1[:, _MID:_MID + 256]
    base = o1[:, _MID + 256:_MID + 257]
    rpre = jnp.dot(hid, rw1t_ref[...],
                   preferred_element_type=jnp.float32) + rb1_ref[...]
    g2o = jnp.dot(jnp.maximum(gpre, 0.0), gw2_ref[...],
                  preferred_element_type=jnp.float32)
    rl = jnp.dot(jnp.maximum(rpre, 0.0), rw2t_ref[...],
                 preferred_element_type=jnp.float32) + rb2_ref[...]
    a = jnp.dot(jnp.maximum(apre, 0.0), aw2_ref[...],
                preferred_element_type=jnp.float32) + sc2_ref[0, 1]
    alpha = 1.0 / (1.0 + jnp.exp(-a))
    eh = jnp.maximum(jnp.dot(hid_bf, ew1t_ref[...],
                             preferred_element_type=jnp.float32)
                     + eb1f_ref[...], 0.0)
    prod = eh * ew2f_ref[...]
    eos = [jnp.sum(prod[:, e * _MID:(e + 1) * _MID], axis=1, keepdims=True)
           for e in range(_E)]
    eo = jnp.concatenate(eos, axis=1) + eb2_ref[...]
    ids = lax.broadcasted_iota(jnp.int32, rl.shape, 1)
    m1 = jnp.max(rl, axis=1, keepdims=True)
    i1 = jnp.min(jnp.where(rl == m1, ids, _E), axis=1, keepdims=True)
    rl2 = jnp.where(ids == i1, _NEG, rl)
    m2 = jnp.max(rl2, axis=1, keepdims=True)
    i2 = jnp.min(jnp.where(rl2 == m2, ids, _E), axis=1, keepdims=True)
    e_ = jnp.exp(m2 - m1)
    w1 = 1.0 / (1.0 + e_)
    w2 = e_ * w1
    sel1 = jnp.sum(jnp.where(ids == i1, eo, 0.0), axis=1, keepdims=True)
    sel2 = jnp.sum(jnp.where(ids == i2, eo, 0.0), axis=1, keepdims=True)
    mix = w1 * sel1 + w2 * sel2
    o_ref[...] = base + g2o + sc2_ref[0, 0] + alpha * mix


_S2_IN_SPECS = [
    pl.BlockSpec((_BC, _DT), lambda i: (i, 0)),
    _rep((_DT, _MID + 257)),
    _rep((_DT, 256)),
    _rep((1, _MID + 257)),
    _rep((1, 256)),
    _rep((_DT, _E * _MID)),
    _rep((1, _E * _MID)),
    _rep((1, _E * _MID)),
    _rep((1, _E)),
    _rep((256, _E)),
    _rep((1, _E)),
    _rep((_MID, 1)),
    _rep((256, 1)),
    pl.BlockSpec(memory_space=pltpu.SMEM),
]
_S2_OUT_SPEC = pl.BlockSpec((_BC, 1), lambda i: (i, 0))
_S2_OUT_SHAPE = jax.ShapeDtypeStruct((_B, 1), jnp.float32)

_CPARAMS = pltpu.CompilerParams(dimension_semantics=("parallel",))

_s1_call = pl.pallas_call(
    _s1_body, grid=(_B // _BC,), in_specs=_S1_IN_SPECS,
    out_specs=_S1_OUT_SPEC, out_shape=_S1_OUT_SHAPE,
    compiler_params=_CPARAMS)

_s2_call = pl.pallas_call(
    _s2_body, grid=(_B // _BC,), in_specs=_S2_IN_SPECS,
    out_specs=_S2_OUT_SPEC, out_shape=_S2_OUT_SHAPE,
    compiler_params=_CPARAMS)


def _prep(p):
    w0v = p['W0'][_DH:, :]
    b0v = p['b0'][_DH:]
    w0u = p['W0'][:_DH, :]
    b0u = p['b0'][:_DH]
    w = p['tok_weight']
    c = jnp.concatenate(
        [jnp.zeros((1, _DT), jnp.float32), p['tok_bias'][:_DNUM]], axis=0)
    wt = w - w.mean(1, keepdims=True)
    ct = c - c.mean(1, keepdims=True)
    stats = jnp.stack([(wt * wt).mean(1), (wt * ct).mean(1),
                       (ct * ct).mean(1)])
    lng = p['ln_g']
    lnb = p['ln_b']
    uv = (wt * lng) @ w0v.T
    vv = (ct * lng) @ w0v.T
    cvv = (lnb @ w0v.T + b0v)[None]
    x0 = w[0]
    xln0 = (x0 - x0.mean()) / jnp.sqrt(x0.var() + _EPS) * lng + lnb
    u0 = _gelu(xln0 @ w0u.T + b0u)
    w1ut = (p['W1'] * u0[None, :]).T
    cout = (p['b1'] + w[0])[None]
    s0 = p['sgu_W'][0]
    vconst = (s0.sum() * p['sgu_ln_b'] + p['sgu_b'][0])[None]
    wh1 = jnp.concatenate(
        [p['gW1'].T, p['aW1'].T, p['base_W'].T],
        axis=1).astype(jnp.bfloat16)
    rw1t = p['rW1'].T
    hb1 = jnp.concatenate(
        [p['gb1'], p['ab1'], jnp.zeros((1,), jnp.float32)])[None]
    rb1 = p['rb1'][None]
    ew1t = p['eW1'].reshape(_E * _MID, _DT).T.astype(jnp.bfloat16)
    eb1f = p['eb1'].reshape(-1)[None]
    ew2f = p['eW2'].reshape(-1)[None]
    sc2 = jnp.stack([p['base_b'][0] + p['gb2'][0], p['ab2'][0]])[None]
    return dict(
        stats=stats, s0=s0[None], uv=uv, vv=vv, cvv=cvv,
        catb=p['tok_bias'][_DNUM:], lng=lng[None], lnb=lnb[None],
        w0vt=w0v.T.astype(jnp.bfloat16), b0v=b0v[None],
        sgug=p['sgu_ln_g'][None],
        vconst=vconst, w1ut=w1ut.astype(jnp.bfloat16), cout=cout,
        wh1=wh1, rw1t=rw1t, hb1=hb1, rb1=rb1,
        ew1t=ew1t, eb1f=eb1f, ew2f=ew2f,
        eb2=p['eb2'][None], rw2t=p['rW2'].T, rb2=p['rb2'][None],
        gw2=p['gW2'].T, aw2=p['aW2'].T, sc2=sc2)


def kernel(x_num, x_cat, params):
    b = x_num.shape[0]
    q = _prep(params)
    offs = (jnp.arange(_NCAT, dtype=jnp.int32) * _CARD)[None]
    idx = (x_cat.astype(jnp.int32) + offs).reshape(-1)
    emb = _sc_gather(params['cat_emb'], idx).reshape(b, _NCAT, _DT)
    xn = jnp.concatenate([jnp.ones((b, 1), jnp.float32), x_num], axis=1)
    hid = _s1_call(xn, emb, q['stats'], q['s0'], q['uv'], q['vv'], q['cvv'],
                   q['catb'], q['lng'], q['lnb'], q['w0vt'], q['b0v'],
                   q['sgug'], q['vconst'], q['w1ut'], q['cout'])
    out = _s2_call(hid, q['wh1'], q['rw1t'], q['hb1'], q['rb1'], q['ew1t'],
                   q['eb1f'], q['ew2f'], q['eb2'], q['rw2t'], q['rb2'],
                   q['gw2'], q['aw2'], q['sc2'])
    return out[:, 0]

# --- scband reference (transcript-rebuilt; emitter-appended) ---
"""Pipeline reference for scband-hretmlp-11897059410390 (READ-ONLY COPY).

The authoritative reference and input builder live on the scoring server;
editing this copy changes nothing except your own understanding.
"""

import jax, jax.numpy as jnp
import numpy as np

B = 1024
D_NUM = 32
N_CAT = 8
CARD = 1000
D_TOKEN = 1024
D_HIDDEN = int(D_TOKEN * 0.66)  # 675
T = D_NUM + 1 + N_CAT  # 41 tokens
E = 8
TOP_K = 2
R_HID = max(D_TOKEN // 4, 16)  # 256
MID = max(D_TOKEN // 2, 16)  # 512


def _ln(x, g, b, eps=1e-5):
    m = x.mean(axis=-1, keepdims=True)
    v = x.var(axis=-1, keepdims=True)
    return (x - m) / jnp.sqrt(v + eps) * g + b


def setup_inputs(seed: int = 0) -> dict:
    key = jax.random.key(seed)
    ks = jax.random.split(key, 20)
    x_num = jax.random.normal(ks[0], (B, D_NUM), dtype=jnp.float32)
    x_cat = jax.random.randint(ks[1], (B, N_CAT), 0, CARD)

    def rn(k, shape, scale=0.02):
        return jax.random.normal(k, shape, dtype=jnp.float32) * scale

    params = {
        'tok_weight': rn(ks[2], (D_NUM + 1, D_TOKEN), 0.05),
        'tok_bias': rn(ks[3], (D_NUM + N_CAT, D_TOKEN), 0.05),
        'cat_emb': rn(ks[4], (N_CAT * CARD, D_TOKEN), 0.05),
        'ln_g': jnp.ones((D_TOKEN,), jnp.float32),
        'ln_b': jnp.zeros((D_TOKEN,), jnp.float32),
        'W0': rn(ks[5], (2 * D_HIDDEN, D_TOKEN)),
        'b0': jnp.zeros((2 * D_HIDDEN,), jnp.float32),
        'sgu_ln_g': jnp.ones((D_HIDDEN,), jnp.float32),
        'sgu_ln_b': jnp.zeros((D_HIDDEN,), jnp.float32),
        'sgu_W': rn(ks[6], (T, T), 0.05),
        'sgu_b': jnp.zeros((T,), jnp.float32),
        'W1': rn(ks[7], (D_TOKEN, D_HIDDEN)),
        'b1': jnp.zeros((D_TOKEN,), jnp.float32),
        'base_W': rn(ks[8], (1, D_TOKEN)),
        'base_b': jnp.zeros((1,), jnp.float32),
        'gW1': rn(ks[9], (MID, D_TOKEN), 0.001),
        'gb1': jnp.zeros((MID,), jnp.float32),
        'gW2': rn(ks[10], (1, MID), 0.001),
        'gb2': jnp.zeros((1,), jnp.float32),
        'eW1': rn(ks[11], (E, MID, D_TOKEN), 0.001),
        'eb1': jnp.zeros((E, MID), jnp.float32),
        'eW2': rn(ks[12], (E, MID), 0.001),
        'eb2': jnp.zeros((E,), jnp.float32),
        'rW1': rn(ks[13], (R_HID, D_TOKEN)),
        'rb1': jnp.zeros((R_HID,), jnp.float32),
        'rW2': rn(ks[14], (E, R_HID)),
        'rb2': jnp.zeros((E,), jnp.float32),
        'aW1': rn(ks[15], (R_HID, D_TOKEN)),
        'ab1': jnp.zeros((R_HID,), jnp.float32),
        'aW2': rn(ks[16], (1, R_HID)),
        'ab2': jnp.full((1,), -4.0, jnp.float32),
    }
    return {'x_num': x_num, 'x_cat': x_cat, 'params': params}


def _forward(x_num, x_cat, p):
    # Tokenizer
    offsets = jnp.arange(N_CAT, dtype=x_cat.dtype) * CARD
    ones = jnp.ones((x_num.shape[0], 1), jnp.float32)
    xn = jnp.concatenate([ones, x_num], axis=1)  # [B, D_NUM+1]
    x = p['tok_weight'][None] * xn[:, :, None]  # [B, D_NUM+1, D_TOKEN]
    emb = jnp.take(p['cat_emb'], x_cat + offsets[None], axis=0)  # [B, N_CAT, D_TOKEN]
    x = jnp.concatenate([x, emb], axis=1)  # [B, T, D_TOKEN]
    bias = jnp.concatenate([jnp.zeros((1, D_TOKEN), jnp.float32), p['tok_bias']], axis=0)
    x = x + bias[None]
    # single gMLP-style layer (n_layers=1); dropout disabled (eval)
    x_residual = x
    x = _ln(x, p['ln_g'], p['ln_b'])
    x = x @ p['W0'].T + p['b0']  # [B, T, 2*D_HIDDEN]
    x = jax.nn.gelu(x, approximate=False)
    u, v = jnp.split(x, 2, axis=-1)
    v = _ln(v, p['sgu_ln_g'], p['sgu_ln_b'])
    v = jnp.transpose(v, (0, 2, 1))  # [B, D_HIDDEN, T]
    v = v @ p['sgu_W'].T + p['sgu_b']
    v = jnp.transpose(v, (0, 2, 1))  # [B, T, D_HIDDEN]
    x = u * v
    x = x @ p['W1'].T + p['b1']
    x = x + x_residual
    hidden = x[:, 0]  # [B, D_TOKEN]
    hidden = _ln(hidden, p['ln_g'], p['ln_b'])  # shared LayerNorm instance
    # base head
    base = (hidden @ p['base_W'].T + p['base_b'])[:, 0]
    # global residual head
    g = jax.nn.relu(hidden @ p['gW1'].T + p['gb1'])
    g = (g @ p['gW2'].T + p['gb2'])[:, 0]
    # local experts (dense compute, top-k combine)
    eh = jnp.einsum('bd,emd->bem', hidden, p['eW1']) + p['eb1'][None]
    eh = jax.nn.relu(eh)
    eo = jnp.einsum('bem,em->be', eh, p['eW2']) + p['eb2'][None]  # [B, E]
    # router: top-k softmax routing
    rl = jax.nn.relu(hidden @ p['rW1'].T + p['rb1']) @ p['rW2'].T + p['rb2']  # [B, E]
    vals, idx = jax.lax.top_k(rl, TOP_K)
    w = jax.nn.softmax(vals, axis=-1)
    sel = jnp.take_along_axis(eo, idx, axis=1)
    mix = jnp.sum(w * sel, axis=1)
    # alpha gate
    a = jax.nn.relu(hidden @ p['aW1'].T + p['ab1']) @ p['aW2'].T + p['ab2']
    alpha = jax.nn.sigmoid(a)[:, 0]
    return base + g + alpha * mix


def reference(x_num, x_cat, params):
    return _forward(x_num, x_cat, params)

if __name__ == "__main__":
    import jax
    _d = setup_inputs()
    print(jax.jit(kernel)(*tuple(_d.values())))

</pallas_src>

<mosaic_0001>
#map = affine_map<(d0, d1) -> (0, 0)>
#map1 = affine_map<(d0, d1) -> (0)>
module attributes {stable_mosaic.version = 14 : i64} {
  func.func @k(%arg0: i32, %arg1: i32, %arg2: memref<8000x1024xf32, #tpu.memory_space<hbm>>, %arg3: memref<8192xi32, #tpu.memory_space<hbm>>, %arg4: memref<8192x1024xf32, #tpu.memory_space<hbm>>, %arg5: memref<64xi32, #tpu.memory_space<vmem>>, %arg6: memref<64x1024xf32, #tpu.memory_space<vmem>>, %arg7: memref<!tpu.dma_semaphore, #tpu.memory_space<semaphore_mem>>) attributes {dimension_semantics = [#tpu.dimension_semantics<core_parallel>, #tpu.dimension_semantics<subcore_parallel>], iteration_bounds = array<i64: 2, 16>, scalar_prefetch = 0 : i64, scratch_operands = 3 : i64, tpu.core_type = #tpu.core_type<sc_vector_subcore>, window_params = [{transform_indices = #map}, {transform_indices = #map1}, {transform_indices = #map}]} {
    %mul3A = arith.constant 2 : i32
    %mul3A_0 = arith.muli %arg1, %mul3A : i32
    %add3A = arith.addi %mul3A_0, %arg0 : i32
    %mul3A_1 = arith.constant 256 : i32
    %mul3A_2 = arith.muli %add3A, %mul3A_1 : i32
    %add3A_3 = arith.constant 0 : i32
    %add3A_4 = arith.addi %mul3A_2, %add3A_3 : i32
    "tpu.region"() ({
      %run_scoped3A = tpu.sem_alloc : memref<!tpu.dma_semaphore, #tpu.memory_space<semaphore_mem>>
      %dma_start3A_33 = tpu.memref_slice %arg3[%add3A_4] : memref<8192xi32, #tpu.memory_space<hbm>> -> memref<64xi32, #tpu.memory_space<hbm>>
      %dma_start3A_34 = tpu.memref_slice %arg3[%add3A_4] : memref<8192xi32, #tpu.memory_space<hbm>> -> memref<64xi32, #tpu.memory_space<hbm>>
      tpu.enqueue_dma source(%dma_start3A_34 : memref<64xi32, #tpu.memory_space<hbm>>) target(%arg5 : memref<64xi32, #tpu.memory_space<vmem>>) target_semaphore(%run_scoped3A : memref<!tpu.dma_semaphore, #tpu.memory_space<semaphore_mem>>)
      %dma_wait3A_35 = tpu.memref_slice %arg3[%add3A_4] : memref<8192xi32, #tpu.memory_space<hbm>> -> memref<64xi32, #tpu.memory_space<hbm>>
      %dma_wait3A_36 = tpu.memref_slice %arg3[%add3A_4] : memref<8192xi32, #tpu.memory_space<hbm>> -> memref<64xi32, #tpu.memory_space<hbm>>
      tpu.wait_dma2 semaphore(%run_scoped3A : memref<!tpu.dma_semaphore, #tpu.memory_space<semaphore_mem>>) src(%dma_wait3A_36 : memref<64xi32, #tpu.memory_space<hbm>>) dst(%arg5 : memref<64xi32, #tpu.memory_space<vmem>>)
      tpu.yield
    }) : () -> ()
    %dma_start3A = arith.constant 0 : i32
    %dma_start3A_5 = arith.constant 0 : i32
    %dma_start3A_6 = tpu.memref_slice %arg2[%dma_start3A, %dma_start3A_5] : memref<8000x1024xf32, #tpu.memory_space<hbm>> -> memref<8000x1024xf32, #tpu.memory_space<hbm>>
    tpu.enqueue_indirect_dma source(%dma_start3A_6 : memref<8000x1024xf32, #tpu.memory_space<hbm>>) target(%arg6 : memref<64x1024xf32, #tpu.memory_space<vmem>>) offsets(%arg5 : memref<64xi32, #tpu.memory_space<vmem>>) semaphore(%arg7 : memref<!tpu.dma_semaphore, #tpu.memory_space<semaphore_mem>>)
    %dma_wait3A = arith.constant 0 : i32
    %dma_wait3A_7 = arith.constant 0 : i32
    %dma_wait3A_8 = tpu.memref_slice %arg2[%dma_wait3A, %dma_wait3A_7] : memref<8000x1024xf32, #tpu.memory_space<hbm>> -> memref<8000x1024xf32, #tpu.memory_space<hbm>>
    tpu.wait_indirect_dma semaphore(%arg7 : memref<!tpu.dma_semaphore, #tpu.memory_space<semaphore_mem>>) src(%dma_wait3A_8 : memref<8000x1024xf32, #tpu.memory_space<hbm>>) dst(%arg6 : memref<64x1024xf32, #tpu.memory_space<vmem>>)
    "tpu.region"() ({
      %run_scoped3A = tpu.sem_alloc : memref<!tpu.dma_semaphore, #tpu.memory_space<semaphore_mem>>
      %dma_start3A_33 = arith.constant 0 : i32
      %dma_start3A_34 = tpu.memref_slice %arg4[%add3A_4, %dma_start3A_33] : memref<8192x1024xf32, #tpu.memory_space<hbm>> -> memref<64x1024xf32, #tpu.memory_space<hbm>>
      %dma_start3A_35 = arith.constant 0 : i32
      %dma_start3A_36 = tpu.memref_slice %arg4[%add3A_4, %dma_start3A_35] : memref<8192x1024xf32, #tpu.memory_space<hbm>> -> memref<64x1024xf32, #tpu.memory_space<hbm>>
      tpu.enqueue_dma source(%arg6 : memref<64x1024xf32, #tpu.memory_space<vmem>>) target(%dma_start3A_36 : memref<64x1024xf32, #tpu.memory_space<hbm>>) target_semaphore(%run_scoped3A : memref<!tpu.dma_semaphore, #tpu.memory_space<semaphore_mem>>)
      %dma_wait3A_37 = arith.constant 0 : i32
      %dma_wait3A_38 = tpu.memref_slice %arg4[%add3A_4, %dma_wait3A_37] : memref<8192x1024xf32, #tpu.memory_space<hbm>> -> memref<64x1024xf32, #tpu.memory_space<hbm>>
      %dma_wait3A_39 = arith.constant 0 : i32
      %dma_wait3A_40 = tpu.memref_slice %arg4[%add3A_4, %dma_wait3A_39] : memref<8192x1024xf32, #tpu.memory_space<hbm>> -> memref<64x1024xf32, #tpu.memory_space<hbm>>
      tpu.wait_dma2 semaphore(%run_scoped3A : memref<!tpu.dma_semaphore, #tpu.memory_space<semaphore_mem>>) src(%arg6 : memref<64x1024xf32, #tpu.memory_space<vmem>>) dst(%dma_wait3A_40 : memref<64x1024xf32, #tpu.memory_space<hbm>>)
      tpu.yield
    }) : () -> ()
    %add3A_9 = arith.constant 64 : i32
    %add3A_10 = arith.addi %mul3A_2, %add3A_9 : i32
    "tpu.region"() ({
      %run_scoped3A = tpu.sem_alloc : memref<!tpu.dma_semaphore, #tpu.memory_space<semaphore_mem>>
      %dma_start3A_33 = tpu.memref_slice %arg3[%add3A_10] : memref<8192xi32, #tpu.memory_space<hbm>> -> memref<64xi32, #tpu.memory_space<hbm>>
      %dma_start3A_34 = tpu.memref_slice %arg3[%add3A_10] : memref<8192xi32, #tpu.memory_space<hbm>> -> memref<64xi32, #tpu.memory_space<hbm>>
      tpu.enqueue_dma source(%dma_start3A_34 : memref<64xi32, #tpu.memory_space<hbm>>) target(%arg5 : memref<64xi32, #tpu.memory_space<vmem>>) target_semaphore(%run_scoped3A : memref<!tpu.dma_semaphore, #tpu.memory_space<semaphore_mem>>)
      %dma_wait3A_35 = tpu.memref_slice %arg3[%add3A_10] : memref<8192xi32, #tpu.memory_space<hbm>> -> memref<64xi32, #tpu.memory_space<hbm>>
      %dma_wait3A_36 = tpu.memref_slice %arg3[%add3A_10] : memref<8192xi32, #tpu.memory_space<hbm>> -> memref<64xi32, #tpu.memory_space<hbm>>
      tpu.wait_dma2 semaphore(%run_scoped3A : memref<!tpu.dma_semaphore, #tpu.memory_space<semaphore_mem>>) src(%dma_wait3A_36 : memref<64xi32, #tpu.memory_space<hbm>>) dst(%arg5 : memref<64xi32, #tpu.memory_space<vmem>>)
      tpu.yield
    }) : () -> ()
    %dma_start3A_11 = arith.constant 0 : i32
    %dma_start3A_12 = arith.constant 0 : i32
    %dma_start3A_13 = tpu.memref_slice %arg2[%dma_start3A_11, %dma_start3A_12] : memref<8000x1024xf32, #tpu.memory_space<hbm>> -> memref<8000x1024xf32, #tpu.memory_space<hbm>>
    tpu.enqueue_indirect_dma source(%dma_start3A_13 : memref<8000x1024xf32, #tpu.memory_space<hbm>>) target(%arg6 : memref<64x1024xf32, #tpu.memory_space<vmem>>) offsets(%arg5 : memref<64xi32, #tpu.memory_space<vmem>>) semaphore(%arg7 : memref<!tpu.dma_semaphore, #tpu.memory_space<semaphore_mem>>)
    %dma_wait3A_14 = arith.constant 0 : i32
    %dma_wait3A_15 = arith.constant 0 : i32
    %dma_wait3A_16 = tpu.memref_slice %arg2[%dma_wait3A_14, %dma_wait3A_15] : memref<8000x1024xf32, #tpu.memory_space<hbm>> -> memref<8000x1024xf32, #tpu.memory_space<hbm>>
    tpu.wait_indirect_dma semaphore(%arg7 : memref<!tpu.dma_semaphore, #tpu.memory_space<semaphore_mem>>) src(%dma_wait3A_16 : memref<8000x1024xf32, #tpu.memory_space<hbm>>) dst(%arg6 : memref<64x1024xf32, #tpu.memory_space<vmem>>)
    "tpu.region"() ({
      %run_scoped3A = tpu.sem_alloc : memref<!tpu.dma_semaphore, #tpu.memory_space<semaphore_mem>>
      %dma_start3A_33 = arith.constant 0 : i32
      %dma_start3A_34 = tpu.memref_slice %arg4[%add3A_10, %dma_start3A_33] : memref<8192x1024xf32, #tpu.memory_space<hbm>> -> memref<64x1024xf32, #tpu.memory_space<hbm>>
      %dma_start3A_35 = arith.constant 0 : i32
      %dma_start3A_36 = tpu.memref_slice %arg4[%add3A_10, %dma_start3A_35] : memref<8192x1024xf32, #tpu.memory_space<hbm>> -> memref<64x1024xf32, #tpu.memory_space<hbm>>
      tpu.enqueue_dma source(%arg6 : memref<64x1024xf32, #tpu.memory_space<vmem>>) target(%dma_start3A_36 : memref<64x1024xf32, #tpu.memory_space<hbm>>) target_semaphore(%run_scoped3A : memref<!tpu.dma_semaphore, #tpu.memory_space<semaphore_mem>>)
      %dma_wait3A_37 = arith.constant 0 : i32
      %dma_wait3A_38 = tpu.memref_slice %arg4[%add3A_10, %dma_wait3A_37] : memref<8192x1024xf32, #tpu.memory_space<hbm>> -> memref<64x1024xf32, #tpu.memory_space<hbm>>
      %dma_wait3A_39 = arith.constant 0 : i32
      %dma_wait3A_40 = tpu.memref_slice %arg4[%add3A_10, %dma_wait3A_39] : memref<8192x1024xf32, #tpu.memory_space<hbm>> -> memref<64x1024xf32, #tpu.memory_space<hbm>>
      tpu.wait_dma2 semaphore(%run_scoped3A : memref<!tpu.dma_semaphore, #tpu.memory_space<semaphore_mem>>) src(%arg6 : memref<64x1024xf32, #tpu.memory_space<vmem>>) dst(%dma_wait3A_40 : memref<64x1024xf32, #tpu.memory_space<hbm>>)
      tpu.yield
    }) : () -> ()
    %add3A_17 = arith.constant 128 : i32
    %add3A_18 = arith.addi %mul3A_2, %add3A_17 : i32
    "tpu.region"() ({
      %run_scoped3A = tpu.sem_alloc : memref<!tpu.dma_semaphore, #tpu.memory_space<semaphore_mem>>
      %dma_start3A_33 = tpu.memref_slice %arg3[%add3A_18] : memref<8192xi32, #tpu.memory_space<hbm>> -> memref<64xi32, #tpu.memory_space<hbm>>
      %dma_start3A_34 = tpu.memref_slice %arg3[%add3A_18] : memref<8192xi32, #tpu.memory_space<hbm>> -> memref<64xi32, #tpu.memory_space<hbm>>
      tpu.enqueue_dma source(%dma_start3A_34 : memref<64xi32, #tpu.memory_space<hbm>>) target(%arg5 : memref<64xi32, #tpu.memory_space<vmem>>) target_semaphore(%run_scoped3A : memref<!tpu.dma_semaphore, #tpu.memory_space<semaphore_mem>>)
      %dma_wait3A_35 = tpu.memref_slice %arg3[%add3A_18] : memref<8192xi32, #tpu.memory_space<hbm>> -> memref<64xi32, #tpu.memory_space<hbm>>
      %dma_wait3A_36 = tpu.memref_slice %arg3[%add3A_18] : memref<8192xi32, #tpu.memory_space<hbm>> -> memref<64xi32, #tpu.memory_space<hbm>>
      tpu.wait_dma2 semaphore(%run_scoped3A : memref<!tpu.dma_semaphore, #tpu.memory_space<semaphore_mem>>) src(%dma_wait3A_36 : memref<64xi32, #tpu.memory_space<hbm>>) dst(%arg5 : memref<64xi32, #tpu.memory_space<vmem>>)
      tpu.yield
    }) : () -> ()
    %dma_start3A_19 = arith.constant 0 : i32
    %dma_start3A_20 = arith.constant 0 : i32
    %dma_start3A_21 = tpu.memref_slice %arg2[%dma_start3A_19, %dma_start3A_20] : memref<8000x1024xf32, #tpu.memory_space<hbm>> -> memref<8000x1024xf32, #tpu.memory_space<hbm>>
    tpu.enqueue_indirect_dma source(%dma_start3A_21 : memref<8000x1024xf32, #tpu.memory_space<hbm>>) target(%arg6 : memref<64x1024xf32, #tpu.memory_space<vmem>>) offsets(%arg5 : memref<64xi32, #tpu.memory_space<vmem>>) semaphore(%arg7 : memref<!tpu.dma_semaphore, #tpu.memory_space<semaphore_mem>>)
    %dma_wait3A_22 = arith.constant 0 : i32
    %dma_wait3A_23 = arith.constant 0 : i32
    %dma_wait3A_24 = tpu.memref_slice %arg2[%dma_wait3A_22, %dma_wait3A_23] : memref<8000x1024xf32, #tpu.memory_space<hbm>> -> memref<8000x1024xf32, #tpu.memory_space<hbm>>
    tpu.wait_indirect_dma semaphore(%arg7 : memref<!tpu.dma_semaphore, #tpu.memory_space<semaphore_mem>>) src(%dma_wait3A_24 : memref<8000x1024xf32, #tpu.memory_space<hbm>>) dst(%arg6 : memref<64x1024xf32, #tpu.memory_space<vmem>>)
    "tpu.region"() ({
      %run_scoped3A = tpu.sem_alloc : memref<!tpu.dma_semaphore, #tpu.memory_space<semaphore_mem>>
      %dma_start3A_33 = arith.constant 0 : i32
      %dma_start3A_34 = tpu.memref_slice %arg4[%add3A_18, %dma_start3A_33] : memref<8192x1024xf32, #tpu.memory_space<hbm>> -> memref<64x1024xf32, #tpu.memory_space<hbm>>
      %dma_start3A_35 = arith.constant 0 : i32
      %dma_start3A_36 = tpu.memref_slice %arg4[%add3A_18, %dma_start3A_35] : memref<8192x1024xf32, #tpu.memory_space<hbm>> -> memref<64x1024xf32, #tpu.memory_space<hbm>>
      tpu.enqueue_dma source(%arg6 : memref<64x1024xf32, #tpu.memory_space<vmem>>) target(%dma_start3A_36 : memref<64x1024xf32, #tpu.memory_space<hbm>>) target_semaphore(%run_scoped3A : memref<!tpu.dma_semaphore, #tpu.memory_space<semaphore_mem>>)
      %dma_wait3A_37 = arith.constant 0 : i32
      %dma_wait3A_38 = tpu.memref_slice %arg4[%add3A_18, %dma_wait3A_37] : memref<8192x1024xf32, #tpu.memory_space<hbm>> -> memref<64x1024xf32, #tpu.memory_space<hbm>>
      %dma_wait3A_39 = arith.constant 0 : i32
      %dma_wait3A_40 = tpu.memref_slice %arg4[%add3A_18, %dma_wait3A_39] : memref<8192x1024xf32, #tpu.memory_space<hbm>> -> memref<64x1024xf32, #tpu.memory_space<hbm>>
      tpu.wait_dma2 semaphore(%run_scoped3A : memref<!tpu.dma_semaphore, #tpu.memory_space<semaphore_mem>>) src(%arg6 : memref<64x1024xf32, #tpu.memory_space<vmem>>) dst(%dma_wait3A_40 : memref<64x1024xf32, #tpu.memory_space<hbm>>)
      tpu.yield
    }) : () -> ()
    %add3A_25 = arith.constant 192 : i32
    %add3A_26 = arith.addi %mul3A_2, %add3A_25 : i32
    "tpu.region"() ({
      %run_scoped3A = tpu.sem_alloc : memref<!tpu.dma_semaphore, #tpu.memory_space<semaphore_mem>>
      %dma_start3A_33 = tpu.memref_slice %arg3[%add3A_26] : memref<8192xi32, #tpu.memory_space<hbm>> -> memref<64xi32, #tpu.memory_space<hbm>>
      %dma_start3A_34 = tpu.memref_slice %arg3[%add3A_26] : memref<8192xi32, #tpu.memory_space<hbm>> -> memref<64xi32, #tpu.memory_space<hbm>>
      tpu.enqueue_dma source(%dma_start3A_34 : memref<64xi32, #tpu.memory_space<hbm>>) target(%arg5 : memref<64xi32, #tpu.memory_space<vmem>>) target_semaphore(%run_scoped3A : memref<!tpu.dma_semaphore, #tpu.memory_space<semaphore_mem>>)
      %dma_wait3A_35 = tpu.memref_slice %arg3[%add3A_26] : memref<8192xi32, #tpu.memory_space<hbm>> -> memref<64xi32, #tpu.memory_space<hbm>>
      %dma_wait3A_36 = tpu.memref_slice %arg3[%add3A_26] : memref<8192xi32, #tpu.memory_space<hbm>> -> memref<64xi32, #tpu.memory_space<hbm>>
      tpu.wait_dma2 semaphore(%run_scoped3A : memref<!tpu.dma_semaphore, #tpu.memory_space<semaphore_mem>>) src(%dma_wait3A_36 : memref<64xi32, #tpu.memory_space<hbm>>) dst(%arg5 : memref<64xi32, #tpu.memory_space<vmem>>)
      tpu.yield
    }) : () -> ()
    %dma_start3A_27 = arith.constant 0 : i32
    %dma_start3A_28 = arith.constant 0 : i32
    %dma_start3A_29 = tpu.memref_slice %arg2[%dma_start3A_27, %dma_start3A_28] : memref<8000x1024xf32, #tpu.memory_space<hbm>> -> memref<8000x1024xf32, #tpu.memory_space<hbm>>
    tpu.enqueue_indirect_dma source(%dma_start3A_29 : memref<8000x1024xf32, #tpu.memory_space<hbm>>) target(%arg6 : memref<64x1024xf32, #tpu.memory_space<vmem>>) offsets(%arg5 : memref<64xi32, #tpu.memory_space<vmem>>) semaphore(%arg7 : memref<!tpu.dma_semaphore, #tpu.memory_space<semaphore_mem>>)
    %dma_wait3A_30 = arith.constant 0 : i32
    %dma_wait3A_31 = arith.constant 0 : i32
    %dma_wait3A_32 = tpu.memref_slice %arg2[%dma_wait3A_30, %dma_wait3A_31] : memref<8000x1024xf32, #tpu.memory_space<hbm>> -> memref<8000x1024xf32, #tpu.memory_space<hbm>>
    tpu.wait_indirect_dma semaphore(%arg7 : memref<!tpu.dma_semaphore, #tpu.memory_space<semaphore_mem>>) src(%dma_wait3A_32 : memref<8000x1024xf32, #tpu.memory_space<hbm>>) dst(%arg6 : memref<64x1024xf32, #tpu.memory_space<vmem>>)
    "tpu.region"() ({
      %run_scoped3A = tpu.sem_alloc : memref<!tpu.dma_semaphore, #tpu.memory_space<semaphore_mem>>
      %dma_start3A_33 = arith.constant 0 : i32
      %dma_start3A_34 = tpu.memref_slice %arg4[%add3A_26, %dma_start3A_33] : memref<8192x1024xf32, #tpu.memory_space<hbm>> -> memref<64x1024xf32, #tpu.memory_space<hbm>>
      %dma_start3A_35 = arith.constant 0 : i32
      %dma_start3A_36 = tpu.memref_slice %arg4[%add3A_26, %dma_start3A_35] : memref<8192x1024xf32, #tpu.memory_space<hbm>> -> memref<64x1024xf32, #tpu.memory_space<hbm>>
      tpu.enqueue_dma source(%arg6 : memref<64x1024xf32, #tpu.memory_space<vmem>>) target(%dma_start3A_36 : memref<64x1024xf32, #tpu.memory_space<hbm>>) target_semaphore(%run_scoped3A : memref<!tpu.dma_semaphore, #tpu.memory_space<semaphore_mem>>)
      %dma_wait3A_37 = arith.constant 0 : i32
      %dma_wait3A_38 = tpu.memref_slice %arg4[%add3A_26, %dma_wait3A_37] : memref<8192x1024xf32, #tpu.memory_space<hbm>> -> memref<64x1024xf32, #tpu.memory_space<hbm>>
      %dma_wait3A_39 = arith.constant 0 : i32
      %dma_wait3A_40 = tpu.memref_slice %arg4[%add3A_26, %dma_wait3A_39] : memref<8192x1024xf32, #tpu.memory_space<hbm>> -> memref<64x1024xf32, #tpu.memory_space<hbm>>
      tpu.wait_dma2 semaphore(%run_scoped3A : memref<!tpu.dma_semaphore, #tpu.memory_space<semaphore_mem>>) src(%arg6 : memref<64x1024xf32, #tpu.memory_space<vmem>>) dst(%dma_wait3A_40 : memref<64x1024xf32, #tpu.memory_space<hbm>>)
      tpu.yield
    }) : () -> ()
    return
  }
}

module attributes {stable_mosaic.version = 14 : i64} {
  func.func @_s1_body(%arg0: i32, %arg1: memref<128x33xf32, #tpu.memory_space<vmem>>, %arg2: memref<128x8x1024xf32, #tpu.memory_space<vmem>>, %arg3: memref<3x33xf32, #tpu.memory_space<vmem>>, %arg4: memref<1x41xf32, #tpu.memory_space<smem>>, %arg5: memref<33x675xf32, #tpu.memory_space<vmem>>, %arg6: memref<33x675xf32, #tpu.memory_space<vmem>>, %arg7: memref<1x675xf32, #tpu.memory_space<vmem>>, %arg8: memref<8x1024xf32, #tpu.memory_space<vmem>>, %arg9: memref<1x1024xf32, #tpu.memory_space<vmem>>, %arg10: memref<1x1024xf32, #tpu.memory_space<vmem>>, %arg11: memref<1024x675xbf16, #tpu.memory_space<vmem>>, %arg12: memref<1x675xf32, #tpu.memory_space<vmem>>, %arg13: memref<1x675xf32, #tpu.memory_space<vmem>>, %arg14: memref<1x675xf32, #tpu.memory_space<vmem>>, %arg15: memref<675x1024xbf16, #tpu.memory_space<vmem>>, %arg16: memref<1x1024xf32, #tpu.memory_space<vmem>>, %arg17: memref<128x1024xf32, #tpu.memory_space<vmem>>) attributes {dimension_semantics = [#tpu.dimension_semantics<parallel>], iteration_bounds = array<i64: 8>, scalar_prefetch = 0 : i64, scratch_operands = 0 : i64, tpu.core_type = #tpu.core_type<tc>, window_params = [{transform_indices = @transform_0, window_bounds = array<i64: 128, 33>}, {transform_indices = @transform_1, window_bounds = array<i64: 128, 8, 1024>}, {pipeline_mode = #tpu.pipeline_mode<synchronous>, transform_indices = @transform_2, window_bounds = array<i64: 3, 33>}, {transform_indices = @transform_3, window_bounds = array<i64: 1, 41>}, {pipeline_mode = #tpu.pipeline_mode<synchronous>, transform_indices = @transform_4, window_bounds = array<i64: 33, 675>}, {pipeline_mode = #tpu.pipeline_mode<synchronous>, transform_indices = @transform_5, window_bounds = array<i64: 33, 675>}, {pipeline_mode = #tpu.pipeline_mode<synchronous>, transform_indices = @transform_6, window_bounds = array<i64: 1, 675>}, {pipeline_mode = #tpu.pipeline_mode<synchronous>, transform_indices = @transform_7, window_bounds = array<i64: 8, 1024>}, {pipeline_mode = #tpu.pipeline_mode<synchronous>, transform_indices = @transform_8, window_bounds = array<i64: 1, 1024>}, {pipeline_mode = #tpu.pipeline_mode<synchronous>, transform_indices = @transform_9, window_bounds = array<i64: 1, 1024>}, {pipeline_mode = #tpu.pipeline_mode<synchronous>, transform_indices = @transform_10, window_bounds = array<i64: 1024, 675>}, {pipeline_mode = #tpu.pipeline_mode<synchronous>, transform_indices = @transform_11, window_bounds = array<i64: 1, 675>}, {pipeline_mode = #tpu.pipeline_mode<synchronous>, transform_indices = @transform_12, window_bounds = array<i64: 1, 675>}, {pipeline_mode = #tpu.pipeline_mode<synchronous>, transform_indices = @transform_13, window_bounds = array<i64: 1, 675>}, {pipeline_mode = #tpu.pipeline_mode<synchronous>, transform_indices = @transform_14, window_bounds = array<i64: 675, 1024>}, {pipeline_mode = #tpu.pipeline_mode<synchronous>, transform_indices = @transform_15, window_bounds = array<i64: 1, 1024>}, {transform_indices = @transform_16, window_bounds = array<i64: 128, 1024>}]} {
    %get3A = arith.constant 0 : index
    %get3A_0 = arith.constant 0 : index
    %get3A_1 = vector.load %arg1[%get3A, %get3A_0] : memref<128x33xf32, #tpu.memory_space<vmem>>, vector<128x33xf32>
    %get3A_2 = arith.constant 0 : index
    %get3A_3 = arith.constant 0 : index
    %get3A_4 = vector.load %arg3[%get3A_2, %get3A_3] : memref<3x33xf32, #tpu.memory_space<vmem>>, vector<1x33xf32>
    %get3A_5 = arith.constant 1 : index
    %get3A_6 = arith.constant 0 : index
    %get3A_7 = vector.load %arg3[%get3A_5, %get3A_6] : memref<3x33xf32, #tpu.memory_space<vmem>>, vector<1x33xf32>
    %get3A_8 = arith.constant 2 : index
    %get3A_9 = arith.constant 0 : index
    %get3A_10 = vector.load %arg3[%get3A_8, %get3A_9] : memref<3x33xf32, #tpu.memory_space<vmem>>, vector<1x33xf32>
    %mul3A = arith.mulf %get3A_1, %get3A_1 : vector<128x33xf32>
    %mul3A_11 = vector.broadcast %get3A_4 : vector<1x33xf32> to vector<128x33xf32>
    %mul3A_12 = arith.mulf %mul3A, %mul3A_11 : vector<128x33xf32>
    %mul3A_13 = arith.constant 2.000000e+00 : f32
    %mul3A_14 = vector.broadcast %mul3A_13 : f32 to vector<128x33xf32>
    %mul3A_15 = arith.mulf %mul3A_14, %get3A_1 : vector<128x33xf32>
    %mul3A_16 = vector.broadcast %get3A_7 : vector<1x33xf32> to vector<128x33xf32>
    %mul3A_17 = arith.mulf %mul3A_15, %mul3A_16 : vector<128x33xf32>
    %add3A = arith.addf %mul3A_12, %mul3A_17 : vector<128x33xf32>
    %add3A_18 = vector.broadcast %get3A_10 : vector<1x33xf32> to vector<128x33xf32>
    %add3A_19 = arith.addf %add3A, %add3A_18 : vector<128x33xf32>
    %add3A_20 = arith.constant 9.99999974E-6 : f32
    %add3A_21 = vector.broadcast %add3A_20 : f32 to vector<128x33xf32>
    %add3A_22 = arith.addf %add3A_19, %add3A_21 : vector<128x33xf32>
    %rsqrt3A = math.rsqrt %add3A_22 : vector<128x33xf32>
    %mul3A_23 = arith.mulf %get3A_1, %rsqrt3A : vector<128x33xf32>
    %get3A_24 = arith.constant 0 : index
    %get3A_25 = arith.constant 0 : index
    %get3A_26 = vector.load %arg7[%get3A_24, %get3A_25] : memref<1x675xf32, #tpu.memory_space<vmem>>, vector<1x675xf32>
    %broadcast_in_dim3A = arith.constant 0.000000e+00 : f32
    %broadcast_in_dim3A_27 = vector.broadcast %broadcast_in_dim3A : f32 to vector<128x675xf32>
    %slice3A = vector.extract_strided_slice %mul3A_23 {offsets = [0, 0], sizes = [128, 1], strides = [1, 1]} : vector<128x33xf32> to vector<128x1xf32>
    %get3A_28 = arith.constant 0 : index
    %get3A_29 = arith.constant 0 : index
    %get3A_30 = vector.load %arg5[%get3A_28, %get3A_29] : memref<33x675xf32, #tpu.memory_space<vmem>>, vector<1x675xf32>
    %mul3A_31 = vector.broadcast %slice3A : vector<128x1xf32> to vector<128x675xf32>
    %mul3A_32 = vector.broadcast %get3A_30 : vector<1x675xf32> to vector<128x675xf32>
    %mul3A_33 = arith.mulf %mul3A_31, %mul3A_32 : vector<128x675xf32>
    %slice3A_34 = vector.extract_strided_slice %rsqrt3A {offsets = [0, 0], sizes = [128, 1], strides = [1, 1]} : vector<128x33xf32> to vector<128x1xf32>
    %get3A_35 = arith.constant 0 : index
    %get3A_36 = arith.constant 0 : index
    %get3A_37 = vector.load %arg6[%get3A_35, %get3A_36] : memref<33x675xf32, #tpu.memory_space<vmem>>, vector<1x675xf32>
    %mul3A_38 = vector.broadcast %slice3A_34 : vector<128x1xf32> to vector<128x675xf32>
    %mul3A_39 = vector.broadcast %get3A_37 : vector<1x675xf32> to vector<128x675xf32>
    %mul3A_40 = arith.mulf %mul3A_38, %mul3A_39 : vector<128x675xf32>
    %add3A_41 = arith.addf %mul3A_33, %mul3A_40 : vector<128x675xf32>
    %add3A_42 = vector.broadcast %get3A_26 : vector<1x675xf32> to vector<128x675xf32>
    %add3A_43 = arith.addf %add3A_41, %add3A_42 : vector<128x675xf32>
    %mul3A_44 = arith.constant 5.000000e-01 : f32
    %mul3A_45 = vector.broadcast %mul3A_44 : f32 to vector<128x675xf32>
    %mul3A_46 = arith.mulf %mul3A_45, %add3A_43 : vector<128x675xf32>
    %mul3A_47 = arith.constant 0.707106769 : f32
    %mul3A_48 = vector.broadcast %mul3A_47 : f32 to vector<128x675xf32>
    %mul3A_49 = arith.mulf %add3A_43, %mul3A_48 : vector<128x675xf32>
    %erf3A = math.erf %mul3A_49 : vector<128x675xf32>
    %add3A_50 = arith.constant 1.000000e+00 : f32
    %add3A_51 = vector.broadcast %add3A_50 : f32 to vector<128x675xf32>
    %add3A_52 = arith.addf %add3A_51, %erf3A : vector<128x675xf32>
    %mul3A_53 = arith.mulf %mul3A_46, %add3A_52 : vector<128x675xf32>
    %reduce_sum3A = arith.constant dense<0.000000e+00> : vector<128xf32>
    %reduce_sum3A_54 = vector.multi_reduction <add>, %mul3A_53, %reduce_sum3A [1] : vector<128x675xf32> to vector<128xf32>
    %broadcast_in_dim3A_55 = vector.shape_cast %reduce_sum3A_54 : vector<128xf32> to vector<128x1xf32>
    %div3A = arith.constant 6.750000e+02 : f32
    %div3A_56 = vector.broadcast %div3A : f32 to vector<128x1xf32>
    %div3A_57 = arith.divf %broadcast_in_dim3A_55, %div3A_56 : vector<128x1xf32>
    %mul3A_58 = arith.mulf %mul3A_53, %mul3A_53 : vector<128x675xf32>
    %reduce_sum3A_59 = arith.constant dense<0.000000e+00> : vector<128xf32>
    %reduce_sum3A_60 = vector.multi_reduction <add>, %mul3A_58, %reduce_sum3A_59 [1] : vector<128x675xf32> to vector<128xf32>
    %broadcast_in_dim3A_61 = vector.shape_cast %reduce_sum3A_60 : vector<128xf32> to vector<128x1xf32>
    %div3A_62 = arith.constant 6.750000e+02 : f32
    %div3A_63 = vector.broadcast %div3A_62 : f32 to vector<128x1xf32>
    %div3A_64 = arith.divf %broadcast_in_dim3A_61, %div3A_63 : vector<128x1xf32>
    %mul3A_65 = arith.mulf %div3A_57, %div3A_57 : vector<128x1xf32>
    %sub3A = arith.subf %div3A_64, %mul3A_65 : vector<128x1xf32>
    %add3A_66 = arith.constant 9.99999974E-6 : f32
    %add3A_67 = vector.broadcast %add3A_66 : f32 to vector<128x1xf32>
    %add3A_68 = arith.addf %sub3A, %add3A_67 : vector<128x1xf32>
    %rsqrt3A_69 = math.rsqrt %add3A_68 : vector<128x1xf32>
    %get3A_70 = arith.constant 0 : index
    %get3A_71 = arith.constant 0 : index
    %get3A_72 = memref.load %arg4[%get3A_70, %get3A_71] : memref<1x41xf32, #tpu.memory_space<smem>>
    %sub3A_73 = vector.broadcast %div3A_57 : vector<128x1xf32> to vector<128x675xf32>
    %sub3A_74 = arith.subf %mul3A_53, %sub3A_73 : vector<128x675xf32>
    %mul3A_75 = vector.broadcast %rsqrt3A_69 : vector<128x1xf32> to vector<128x675xf32>
    %mul3A_76 = arith.mulf %sub3A_74, %mul3A_75 : vector<128x675xf32>
    %mul3A_77 = vector.broadcast %get3A_72 : f32 to vector<128x675xf32>
    %mul3A_78 = arith.mulf %mul3A_77, %mul3A_76 : vector<128x675xf32>
    %add3A_79 = arith.addf %broadcast_in_dim3A_27, %mul3A_78 : vector<128x675xf32>
    %slice3A_80 = vector.extract_strided_slice %mul3A_23 {offsets = [0, 1], sizes = [128, 1], strides = [1, 1]} : vector<128x33xf32> to vector<128x1xf32>
    %get3A_81 = arith.constant 1 : index
    %get3A_82 = arith.constant 0 : index
    %get3A_83 = vector.load %arg5[%get3A_81, %get3A_82] : memref<33x675xf32, #tpu.memory_space<vmem>>, vector<1x675xf32>
    %mul3A_84 = vector.broadcast %slice3A_80 : vector<128x1xf32> to vector<128x675xf32>
    %mul3A_85 = vector.broadcast %get3A_83 : vector<1x675xf32> to vector<128x675xf32>
    %mul3A_86 = arith.mulf %mul3A_84, %mul3A_85 : vector<128x675xf32>
    %slice3A_87 = vector.extract_strided_slice %rsqrt3A {offsets = [0, 1], sizes = [128, 1], strides = [1, 1]} : vector<128x33xf32> to vector<128x1xf32>
    %get3A_88 = arith.constant 1 : index
    %get3A_89 = arith.constant 0 : index
    %get3A_90 = vector.load %arg6[%get3A_88, %get3A_89] : memref<33x675xf32, #tpu.memory_space<vmem>>, vector<1x675xf32>
    %mul3A_91 = vector.broadcast %slice3A_87 : vector<128x1xf32> to vector<128x675xf32>
    %mul3A_92 = vector.broadcast %get3A_90 : vector<1x675xf32> to vector<128x675xf32>
    %mul3A_93 = arith.mulf %mul3A_91, %mul3A_92 : vector<128x675xf32>
    %add3A_94 = arith.addf %mul3A_86, %mul3A_93 : vector<128x675xf32>
    %add3A_95 = vector.broadcast %get3A_26 : vector<1x675xf32> to vector<128x675xf32>
    %add3A_96 = arith.addf %add3A_94, %add3A_95 : vector<128x675xf32>
    %mul3A_97 = arith.constant 5.000000e-01 : f32
    %mul3A_98 = vector.broadcast %mul3A_97 : f32 to vector<128x675xf32>
    %mul3A_99 = arith.mulf %mul3A_98, %add3A_96 : vector<128x675xf32>
    %mul3A_100 = arith.constant 0.707106769 : f32
    %mul3A_101 = vector.broadcast %mul3A_100 : f32 to vector<128x675xf32>
    %mul3A_102 = arith.mulf %add3A_96, %mul3A_101 : vector<128x675xf32>
    %erf3A_103 = math.erf %mul3A_102 : vector<128x675xf32>
    %add3A_104 = arith.constant 1.000000e+00 : f32
    %add3A_105 = vector.broadcast %add3A_104 : f32 to vector<128x675xf32>
    %add3A_106 = arith.addf %add3A_105, %erf3A_103 : vector<128x675xf32>
    %mul3A_107 = arith.mulf %mul3A_99, %add3A_106 : vector<128x675xf32>
    %reduce_sum3A_108 = arith.constant dense<0.000000e+00> : vector<128xf32>
    %reduce_sum3A_109 = vector.multi_reduction <add>, %mul3A_107, %reduce_sum3A_108 [1] : vector<128x675xf32> to vector<128xf32>
    %broadcast_in_dim3A_110 = vector.shape_cast %reduce_sum3A_109 : vector<128xf32> to vector<128x1xf32>
    %div3A_111 = arith.constant 6.750000e+02 : f32
    %div3A_112 = vector.broadcast %div3A_111 : f32 to vector<128x1xf32>
    %div3A_113 = arith.divf %broadcast_in_dim3A_110, %div3A_112 : vector<128x1xf32>
    %mul3A_114 = arith.mulf %mul3A_107, %mul3A_107 : vector<128x675xf32>
    %reduce_sum3A_115 = arith.constant dense<0.000000e+00> : vector<128xf32>
    %reduce_sum3A_116 = vector.multi_reduction <add>, %mul3A_114, %reduce_sum3A_115 [1] : vector<128x675xf32> to vector<128xf32>
    %broadcast_in_dim3A_117 = vector.shape_cast %reduce_sum3A_116 : vector<128xf32> to vector<128x1xf32>
    %div3A_118 = arith.constant 6.750000e+02 : f32
    %div3A_119 = vector.broadcast %div3A_118 : f32 to vector<128x1xf32>
    %div3A_120 = arith.divf %broadcast_in_dim3A_117, %div3A_119 : vector<128x1xf32>
    %mul3A_121 = arith.mulf %div3A_113, %div3A_113 : vector<128x1xf32>
    %sub3A_122 = arith.subf %div3A_120, %mul3A_121 : vector<128x1xf32>
    %add3A_123 = arith.constant 9.99999974E-6 : f32
    %add3A_124 = vector.broadcast %add3A_123 : f32 to vector<128x1xf32>
    %add3A_125 = arith.addf %sub3A_122, %add3A_124 : vector<128x1xf32>
    %rsqrt3A_126 = math.rsqrt %add3A_125 : vector<128x1xf32>
    %get3A_127 = arith.constant 0 : index
    %get3A_128 = arith.constant 1 : index
    %get3A_129 = memref.load %arg4[%get3A_127, %get3A_128] : memref<1x41xf32, #tpu.memory_space<smem>>
    %sub3A_130 = vector.broadcast %div3A_113 : vector<128x1xf32> to vector<128x675xf32>
    %sub3A_131 = arith.subf %mul3A_107, %sub3A_130 : vector<128x675xf32>
    %mul3A_132 = vector.broadcast %rsqrt3A_126 : vector<128x1xf32> to vector<128x675xf32>
    %mul3A_133 = arith.mulf %sub3A_131, %mul3A_132 : vector<128x675xf32>
    %mul3A_134 = vector.broadcast %get3A_129 : f32 to vector<128x675xf32>
    %mul3A_135 = arith.mulf %mul3A_134, %mul3A_133 : vector<128x675xf32>
    %add3A_136 = arith.addf %add3A_79, %mul3A_135 : vector<128x675xf32>
    %slice3A_137 = vector.extract_strided_slice %mul3A_23 {offsets = [0, 2], sizes = [128, 1], strides = [1, 1]} : vector<128x33xf32> to vector<128x1xf32>
    %get3A_138 = arith.constant 2 : index
    %get3A_139 = arith.constant 0 : index
    %get3A_140 = vector.load %arg5[%get3A_138, %get3A_139] : memref<33x675xf32, #tpu.memory_space<vmem>>, vector<1x675xf32>
    %mul3A_141 = vector.broadcast %slice3A_137 : vector<128x1xf32> to vector<128x675xf32>
    %mul3A_142 = vector.broadcast %get3A_140 : vector<1x675xf32> to vector<128x675xf32>
    %mul3A_143 = arith.mulf %mul3A_141, %mul3A_142 : vector<128x675xf32>
    %slice3A_144 = vector.extract_strided_slice %rsqrt3A {offsets = [0, 2], sizes = [128, 1], strides = [1, 1]} : vector<128x33xf32> to vector<128x1xf32>
    %get3A_145 = arith.constant 2 : index
    %get3A_146 = arith.constant 0 : index
    %get3A_147 = vector.load %arg6[%get3A_145, %get3A_146] : memref<33x675xf32, #tpu.memory_space<vmem>>, vector<1x675xf32>
    %mul3A_148 = vector.broadcast %slice3A_144 : vector<128x1xf32> to vector<128x675xf32>
    %mul3A_149 = vector.broadcast %get3A_147 : vector<1x675xf32> to vector<128x675xf32>
    %mul3A_150 = arith.mulf %mul3A_148, %mul3A_149 : vector<128x675xf32>
    %add3A_151 = arith.addf %mul3A_143, %mul3A_150 : vector<128x675xf32>
    %add3A_152 = vector.broadcast %get3A_26 : vector<1x675xf32> to vector<128x675xf32>
    %add3A_153 = arith.addf %add3A_151, %add3A_152 : vector<128x675xf32>
    %mul3A_154 = arith.constant 5.000000e-01 : f32
    %mul3A_155 = vector.broadcast %mul3A_154 : f32 to vector<128x675xf32>
    %mul3A_156 = arith.mulf %mul3A_155, %add3A_153 : vector<128x675xf32>
    %mul3A_157 = arith.constant 0.707106769 : f32
    %mul3A_158 = vector.broadcast %mul3A_157 : f32 to vector<128x675xf32>
    %mul3A_159 = arith.mulf %add3A_153, %mul3A_158 : vector<128x675xf32>
    %erf3A_160 = math.erf %mul3A_159 : vector<128x675xf32>
    %add3A_161 = arith.constant 1.000000e+00 : f32
    %add3A_162 = vector.broadcast %add3A_161 : f32 to vector<128x675xf32>
    %add3A_163 = arith.addf %add3A_162, %erf3A_160 : vector<128x675xf32>
    %mul3A_164 = arith.mulf %mul3A_156, %add3A_163 : vector<128x675xf32>
    %reduce_sum3A_165 = arith.constant dense<0.000000e+00> : vector<128xf32>
    %reduce_sum3A_166 = vector.multi_reduction <add>, %mul3A_164, %reduce_sum3A_165 [1] : vector<128x675xf32> to vector<128xf32>
    %broadcast_in_dim3A_167 = vector.shape_cast %reduce_sum3A_166 : vector<128xf32> to vector<128x1xf32>
    %div3A_168 = arith.constant 6.750000e+02 : f32
    %div3A_169 = vector.broadcast %div3A_168 : f32 to vector<128x1xf32>
    %div3A_170 = arith.divf %broadcast_in_dim3A_167, %div3A_169 : vector<128x1xf32>
    %mul3A_171 = arith.mulf %mul3A_164, %mul3A_164 : vector<128x675xf32>
    %reduce_sum3A_172 = arith.constant dense<0.000000e+00> : vector<128xf32>
    %reduce_sum3A_173 = vector.multi_reduction <add>, %mul3A_171, %reduce_sum3A_172 [1] : vector<128x675xf32> to vector<128xf32>
    %broadcast_in_dim3A_174 = vector.shape_cast %reduce_sum3A_173 : vector<128xf32> to vector<128x1xf32>
    %div3A_175 = arith.constant 6.750000e+02 : f32
    %div3A_176 = vector.broadcast %div3A_175 : f32 to vector<128x1xf32>
    %div3A_177 = arith.divf %broadcast_in_dim3A_174, %div3A_176 : vector<128x1xf32>
    %mul3A_178 = arith.mulf %div3A_170, %div3A_170 : vector<128x1xf32>
    %sub3A_179 = arith.subf %div3A_177, %mul3A_178 : vector<128x1xf32>
    %add3A_180 = arith.constant 9.99999974E-6 : f32
    %add3A_181 = vector.broadcast %add3A_180 : f32 to vector<128x1xf32>
    %add3A_182 = arith.addf %sub3A_179, %add3A_181 : vector<128x1xf32>
    %rsqrt3A_183 = math.rsqrt %add3A_182 : vector<128x1xf32>
    %get3A_184 = arith.constant 0 : index
    %get3A_185 = arith.constant 2 : index
    %get3A_186 = memref.load %arg4[%get3A_184, %get3A_185] : memref<1x41xf32, #tpu.memory_space<smem>>
    %sub3A_187 = vector.broadcast %div3A_170 : vector<128x1xf32> to vector<128x675xf32>
    %sub3A_188 = arith.subf %mul3A_164, %sub3A_187 : vector<128x675xf32>
    %mul3A_189 = vector.broadcast %rsqrt3A_183 : vector<128x1xf32> to vector<128x675xf32>
    %mul3A_190 = arith.mulf %sub3A_188, %mul3A_189 : vector<128x675xf32>
    %mul3A_191 = vector.broadcast %get3A_186 : f32 to vector<128x675xf32>
    %mul3A_192 = arith.mulf %mul3A_191, %mul3A_190 : vector<128x675xf32>
    %add3A_193 = arith.addf %add3A_136, %mul3A_192 : vector<128x675xf32>
    %slice3A_194 = vector.extract_strided_slice %mul3A_23 {offsets = [0, 3], sizes = [128, 1], strides = [1, 1]} : vector<128x33xf32> to vector<128x1xf32>
    %get3A_195 = arith.constant 3 : index
    %get3A_196 = arith.constant 0 : index
    %get3A_197 = vector.load %arg5[%get3A_195, %get3A_196] : memref<33x675xf32, #tpu.memory_space<vmem>>, vector<1x675xf32>
    %mul3A_198 = vector.broadcast %slice3A_194 : vector<128x1xf32> to vector<128x675xf32>
    %mul3A_199 = vector.broadcast %get3A_197 : vector<1x675xf32> to vector<128x675xf32>
    %mul3A_200 = arith.mulf %mul3A_198, %mul3A_199 : vector<128x675xf32>
    %slice3A_201 = vector.extract_strided_slice %rsqrt3A {offsets = [0, 3], sizes = [128, 1], strides = [1, 1]} : vector<128x33xf32> to vector<128x1xf32>
    %get3A_202 = arith.constant 3 : index
    %get3A_203 = arith.constant 0 : index
    %get3A_204 = vector.load %arg6[%get3A_202, %get3A_203] : memref<33x675xf32, #tpu.memory_space<vmem>>, vector<1x675xf32>
    %mul3A_205 = vector.broadcast %slice3A_201 : vector<128x1xf32> to vector<128x675xf32>
    %mul3A_206 = vector.broadcast %get3A_204 : vector<1x675xf32> to vector<128x675xf32>
    %mul3A_207 = arith.mulf %mul3A_205, %mul3A_206 : vector<128x675xf32>
    %add3A_208 = arith.addf %mul3A_200, %mul3A_207 : vector<128x675xf32>
    %add3A_209 = vector.broadcast %get3A_26 : vector<1x675xf32> to vector<128x675xf32>
    %add3A_210 = arith.addf %add3A_208, %add3A_209 : vector<128x675xf32>
    %mul3A_211 = arith.constant 5.000000e-01 : f32
    %mul3A_212 = vector.broadcast %mul3A_211 : f32 to vector<128x675xf32>
    %mul3A_213 = arith.mulf %mul3A_212, %add3A_210 : vector<128x675xf32>
    %mul3A_214 = arith.constant 0.707106769 : f32
    %mul3A_215 = vector.broadcast %mul3A_214 : f32 to vector<128x675xf32>
    %mul3A_216 = arith.mulf %add3A_210, %mul3A_215 : vector<128x675xf32>
    %erf3A_217 = math.erf %mul3A_216 : vector<128x675xf32>
    %add3A_218 = arith.constant 1.000000e+00 : f32
    %add3A_219 = vector.broadcast %add3A_218 : f32 to vector<128x675xf32>
    %add3A_220 = arith.addf %add3A_219, %erf3A_217 : vector<128x675xf32>
    %mul3A_221 = arith.mulf %mul3A_213, %add3A_220 : vector<128x675xf32>
    %reduce_sum3A_222 = arith.constant dense<0.000000e+00> : vector<128xf32>
    %reduce_sum3A_223 = vector.multi_reduction <add>, %mul3A_221, %reduce_sum3A_222 [1] : vector<128x675xf32> to vector<128xf32>
    %broadcast_in_dim3A_224 = vector.shape_cast %reduce_sum3A_223 : vector<128xf32> to vector<128x1xf32>
    %div3A_225 = arith.constant 6.750000e+02 : f32
    %div3A_226 = vector.broadcast %div3A_225 : f32 to vector<128x1xf32>
    %div3A_227 = arith.divf %broadcast_in_dim3A_224, %div3A_226 : vector<128x1xf32>
    %mul3A_228 = arith.mulf %mul3A_221, %mul3A_221 : vector<128x675xf32>
    %reduce_sum3A_229 = arith.constant dense<0.000000e+00> : vector<128xf32>
    %reduce_sum3A_230 = vector.multi_reduction <add>, %mul3A_228, %reduce_sum3A_229 [1] : vector<128x675xf32> to vector<128xf32>
    %broadcast_in_dim3A_231 = vector.shape_cast %reduce_sum3A_230 : vector<128xf32> to vector<128x1xf32>
    %div3A_232 = arith.constant 6.750000e+02 : f32
    %div3A_233 = vector.broadcast %div3A_232 : f32 to vector<128x1xf32>
    %div3A_234 = arith.divf %broadcast_in_dim3A_231, %div3A_233 : vector<128x1xf32>
    %mul3A_235 = arith.mulf %div3A_227, %div3A_227 : vector<128x1xf32>
    %sub3A_236 = arith.subf %div3A_234, %mul3A_235 : vector<128x1xf32>
    %add3A_237 = arith.constant 9.99999974E-6 : f32
    %add3A_238 = vector.broadcast %add3A_237 : f32 to vector<128x1xf32>
    %add3A_239 = arith.addf %sub3A_236, %add3A_238 : vector<128x1xf32>
    %rsqrt3A_240 = math.rsqrt %add3A_239 : vector<128x1xf32>
    %get3A_241 = arith.constant 0 : index
    %get3A_242 = arith.constant 3 : index
    %get3A_243 = memref.load %arg4[%get3A_241, %get3A_242] : memref<1x41xf32, #tpu.memory_space<smem>>
    %sub3A_244 = vector.broadcast %div3A_227 : vector<128x1xf32> to vector<128x675xf32>
    %sub3A_245 = arith.subf %mul3A_221, %sub3A_244 : vector<128x675xf32>
    %mul3A_246 = vector.broadcast %rsqrt3A_240 : vector<128x1xf32> to vector<128x675xf32>
    %mul3A_247 = arith.mulf %sub3A_245, %mul3A_246 : vector<128x675xf32>
    %mul3A_248 = vector.broadcast %get3A_243 : f32 to vector<128x675xf32>
    %mul3A_249 = arith.mulf %mul3A_248, %mul3A_247 : vector<128x675xf32>
    %add3A_250 = arith.addf %add3A_193, %mul3A_249 : vector<128x675xf32>
    %slice3A_251 = vector.extract_strided_slice %mul3A_23 {offsets = [0, 4], sizes = [128, 1], strides = [1, 1]} : vector<128x33xf32> to vector<128x1xf32>
    %get3A_252 = arith.constant 4 : index
    %get3A_253 = arith.constant 0 : index
    %get3A_254 = vector.load %arg5[%get3A_252, %get3A_253] : memref<33x675xf32, #tpu.memory_space<vmem>>, vector<1x675xf32>
    %mul3A_255 = vector.broadcast %slice3A_251 : vector<128x1xf32> to vector<128x675xf32>
    %mul3A_256 = vector.broadcast %get3A_254 : vector<1x675xf32> to vector<128x675xf32>
    %mul3A_257 = arith.mulf %mul3A_255, %mul3A_256 : vector<128x675xf32>
    %slice3A_258 = vector.extract_strided_slice %rsqrt3A {offsets = [0, 4], sizes = [128, 1], strides = [1, 1]} : vector<128x33xf32> to vector<128x1xf32>
    %get3A_259 = arith.constant 4 : index
    %get3A_260 = arith.constant 0 : index
    %get3A_261 = vector.load %arg6[%get3A_259, %get3A_260] : memref<33x675xf32, #tpu.memory_space<vmem>>, vector<1x675xf32>
    %mul3A_262 = vector.broadcast %slice3A_258 : vector<128x1xf32> to vector<128x675xf32>
    %mul3A_263 = vector.broadcast %get3A_261 : vector<1x675xf32> to vector<128x675xf32>
    %mul3A_264 = arith.mulf %mul3A_262, %mul3A_263 : vector<128x675xf32>
    %add3A_265 = arith.addf %mul3A_257, %mul3A_264 : vector<128x675xf32>
    %add3A_266 = vector.broadcast %get3A_26 : vector<1x675xf32> to vector<128x675xf32>
    %add3A_267 = arith.addf %add3A_265, %add3A_266 : vector<128x675xf32>
    %mul3A_268 = arith.constant 5.000000e-01 : f32
    %mul3A_269 = vector.broadcast %mul3A_268 : f32 to vector<128x675xf32>
    %mul3A_270 = arith.mulf %mul3A_269, %add3A_267 : vector<128x675xf32>
    %mul3A_271 = arith.constant 0.707106769 : f32
    %mul3A_272 = vector.broadcast %mul3A_271 : f32 to vector<128x675xf32>
    %mul3A_273 = arith.mulf %add3A_267, %mul3A_272 : vector<128x675xf32>
    %erf3A_274 = math.erf %mul3A_273 : vector<128x675xf32>
    %add3A_275 = arith.constant 1.000000e+00 : f32
    %add3A_276 = vector.broadcast %add3A_275 : f32 to vector<128x675xf32>
    %add3A_277 = arith.addf %add3A_276, %erf3A_274 : vector<128x675xf32>
    %mul3A_278 = arith.mulf %mul3A_270, %add3A_277 : vector<128x675xf32>
    %reduce_sum3A_279 = arith.constant dense<0.000000e+00> : vector<128xf32>
    %reduce_sum3A_280 = vector.multi_reduction <add>, %mul3A_278, %reduce_sum3A_279 [1] : vector<128x675xf32> to vector<128xf32>
    %broadcast_in_dim3A_281 = vector.shape_cast %reduce_sum3A_280 : vector<128xf32> to vector<128x1xf32>
    %div3A_282 = arith.constant 6.750000e+02 : f32
    %div3A_283 = vector.broadcast %div3A_282 : f32 to vector<128x1xf32>
    %div3A_284 = arith.divf %broadcast_in_dim3A_281, %div3A_283 : vector<128x1xf32>
    %mul3A_285 = arith.mulf %mul3A_278, %mul3A_278 : vector<128x675xf32>
    %reduce_sum3A_286 = arith.constant dense<0.000000e+00> : vector<128xf32>
    %reduce_sum3A_287 = vector.multi_reduction <add>, %mul3A_285, %reduce_sum3A_286 [1] : vector<128x675xf32> to vector<128xf32>
    %broadcast_in_dim3A_288 = vector.shape_cast %reduce_sum3A_287 : vector<128xf32> to vector<128x1xf32>
    %div3A_289 = arith.constant 6.750000e+02 : f32
    %div3A_290 = vector.broadcast %div3A_289 : f32 to vector<128x1xf32>
    %div3A_291 = arith.divf %broadcast_in_dim3A_288, %div3A_290 : vector<128x1xf32>
    %mul3A_292 = arith.mulf %div3A_284, %div3A_284 : vector<128x1xf32>
    %sub3A_293 = arith.subf %div3A_291, %mul3A_292 : vector<128x1xf32>
    %add3A_294 = arith.constant 9.99999974E-6 : f32
    %add3A_295 = vector.broadcast %add3A_294 : f32 to vector<128x1xf32>
    %add3A_296 = arith.addf %sub3A_293, %add3A_295 : vector<128x1xf32>
    %rsqrt3A_297 = math.rsqrt %add3A_296 : vector<128x1xf32>
    %get3A_298 = arith.constant 0 : index
    %get3A_299 = arith.constant 4 : index
    %get3A_300 = memref.load %arg4[%get3A_298, %get3A_299] : memref<1x41xf32, #tpu.memory_space<smem>>
    %sub3A_301 = vector.broadcast %div3A_284 : vector<128x1xf32> to vector<128x675xf32>
    %sub3A_302 = arith.subf %mul3A_278, %sub3A_301 : vector<128x675xf32>
    %mul3A_303 = vector.broadcast %rsqrt3A_297 : vector<128x1xf32> to vector<128x675xf32>
    %mul3A_304 = arith.mulf %sub3A_302, %mul3A_303 : vector<128x675xf32>
    %mul3A_305 = vector.broadcast %get3A_300 : f32 to vector<128x675xf32>
    %mul3A_306 = arith.mulf %mul3A_305, %mul3A_304 : vector<128x675xf32>
    %add3A_307 = arith.addf %add3A_250, %mul3A_306 : vector<128x675xf32>
    %slice3A_308 = vector.extract_strided_slice %mul3A_23 {offsets = [0, 5], sizes = [128, 1], strides = [1, 1]} : vector<128x33xf32> to vector<128x1xf32>
    %get3A_309 = arith.constant 5 : index
    %get3A_310 = arith.constant 0 : index
    %get3A_311 = vector.load %arg5[%get3A_309, %get3A_310] : memref<33x675xf32, #tpu.memory_space<vmem>>, vector<1x675xf32>
    %mul3A_312 = vector.broadcast %slice3A_308 : vector<128x1xf32> to vector<128x675xf32>
    %mul3A_313 = vector.broadcast %get3A_311 : vector<1x675xf32> to vector<128x675xf32>
    %mul3A_314 = arith.mulf %mul3A_312, %mul3A_313 : vector<128x675xf32>
    %slice3A_315 = vector.extract_strided_slice %rsqrt3A {offsets = [0, 5], sizes = [128, 1], strides = [1, 1]} : vector<128x33xf32> to vector<128x1xf32>
    %get3A_316 = arith.constant 5 : index
    %get3A_317 = arith.constant 0 : index
    %get3A_318 = vector.load %arg6[%get3A_316, %get3A_317] : memref<33x675xf32, #tpu.memory_space<vmem>>, vector<1x675xf32>
    %mul3A_319 = vector.broadcast %slice3A_315 : vector<128x1xf32> to vector<128x675xf32>
    %mul3A_320 = vector.broadcast %get3A_318 : vector<1x675xf32> to vector<128x675xf32>
    %mul3A_321 = arith.mulf %mul3A_319, %mul3A_320 : vector<128x675xf32>
    %add3A_322 = arith.addf %mul3A_314, %mul3A_321 : vector<128x675xf32>
    %add3A_323 = vector.broadcast %get3A_26 : vector<1x675xf32> to vector<128x675xf32>
    %add3A_324 = arith.addf %add3A_322, %add3A_323 : vector<128x675xf32>
    %mul3A_325 = arith.constant 5.000000e-01 : f32
    %mul3A_326 = vector.broadcast %mul3A_325 : f32 to vector<128x675xf32>
    %mul3A_327 = arith.mulf %mul3A_326, %add3A_324 : vector<128x675xf32>
    %mul3A_328 = arith.constant 0.707106769 : f32
    %mul3A_329 = vector.broadcast %mul3A_328 : f32 to vector<128x675xf32>
    %mul3A_330 = arith.mulf %add3A_324, %mul3A_329 : vector<128x675xf32>
    %erf3A_331 = math.erf %mul3A_330 : vector<128x675xf32>
    %add3A_332 = arith.constant 1.000000e+00 : f32
    %add3A_333 = vector.broadcast %add3A_332 : f32 to vector<128x675xf32>
    %add3A_334 = arith.addf %add3A_333, %erf3A_331 : vector<128x675xf32>
    %mul3A_335 = arith.mulf %mul3A_327, %add3A_334 : vector<128x675xf32>
    %reduce_sum3A_336 = arith.constant dense<0.000000e+00> : vector<128xf32>
    %reduce_sum3A_337 = vector.multi_reduction <add>, %mul3A_335, %reduce_sum3A_336 [1] : vector<128x675xf32> to vector<128xf32>
    %broadcast_in_dim3A_338 = vector.shape_cast %reduce_sum3A_337 : vector<128xf32> to vector<128x1xf32>
    %div3A_339 = arith.constant 6.750000e+02 : f32
    %div3A_340 = vector.broadcast %div3A_339 : f32 to vector<128x1xf32>
    %div3A_341 = arith.divf %broadcast_in_dim3A_338, %div3A_340 : vector<128x1xf32>
    %mul3A_342 = arith.mulf %mul3A_335, %mul3A_335 : vector<128x675xf32>
    %reduce_sum3A_343 = arith.constant dense<0.000000e+00> : vector<128xf32>
    %reduce_sum3A_344 = vector.multi_reduction <add>, %mul3A_342, %reduce_sum3A_343 [1] : vector<128x675xf32> to vector<128xf32>
    %broadcast_in_dim3A_345 = vector.shape_cast %reduce_sum3A_344 : vector<128xf32> to vector<128x1xf32>
    %div3A_346 = arith.constant 6.750000e+02 : f32
    %div3A_347 = vector.broadcast %div3A_346 : f32 to vector<128x1xf32>
    %div3A_348 = arith.divf %broadcast_in_dim3A_345, %div3A_347 : vector<128x1xf32>
    %mul3A_349 = arith.mulf %div3A_341, %div3A_341 : vector<128x1xf32>
    %sub3A_350 = arith.subf %div3A_348, %mul3A_349 : vector<128x1xf32>
    %add3A_351 = arith.constant 9.99999974E-6 : f32
    %add3A_352 = vector.broadcast %add3A_351 : f32 to vector<128x1xf32>
    %add3A_353 = arith.addf %sub3A_350, %add3A_352 : vector<128x1xf32>
    %rsqrt3A_354 = math.rsqrt %add3A_353 : vector<128x1xf32>
    %get3A_355 = arith.constant 0 : index
    %get3A_356 = arith.constant 5 : index
    %get3A_357 = memref.load %arg4[%get3A_355, %get3A_356] : memref<1x41xf32, #tpu.memory_space<smem>>
    %sub3A_358 = vector.broadcast %div3A_341 : vector<128x1xf32> to vector<128x675xf32>
    %sub3A_359 = arith.subf %mul3A_335, %sub3A_358 : vector<128x675xf32>
    %mul3A_360 = vector.broadcast %rsqrt3A_354 : vector<128x1xf32> to vector<128x675xf32>
    %mul3A_361 = arith.mulf %sub3A_359, %mul3A_360 : vector<128x675xf32>
    %mul3A_362 = vector.broadcast %get3A_357 : f32 to vector<128x675xf32>
    %mul3A_363 = arith.mulf %mul3A_362, %mul3A_361 : vector<128x675xf32>
    %add3A_364 = arith.addf %add3A_307, %mul3A_363 : vector<128x675xf32>
    %slice3A_365 = vector.extract_strided_slice %mul3A_23 {offsets = [0, 6], sizes = [128, 1], strides = [1, 1]} : vector<128x33xf32> to vector<128x1xf32>
    %get3A_366 = arith.constant 6 : index
    %get3A_367 = arith.constant 0 : index
    %get3A_368 = vector.load %arg5[%get3A_366, %get3A_367] : memref<33x675xf32, #tpu.memory_space<vmem>>, vector<1x675xf32>
    %mul3A_369 = vector.broadcast %slice3A_365 : vector<128x1xf32> to vector<128x675xf32>
    %mul3A_370 = vector.broadcast %get3A_368 : vector<1x675xf32> to vector<128x675xf32>
    %mul3A_371 = arith.mulf %mul3A_369, %mul3A_370 : vector<128x675xf32>
    %slice3A_372 = vector.extract_strided_slice %rsqrt3A {offsets = [0, 6], sizes = [128, 1], strides = [1, 1]} : vector<128x33xf32> to vector<128x1xf32>
    %get3A_373 = arith.constant 6 : index
    %get3A_374 = arith.constant 0 : index
    %get3A_375 = vector.load %arg6[%get3A_373, %get3A_374] : memref<33x675xf32, #tpu.memory_space<vmem>>, vector<1x675xf32>
    %mul3A_376 = vector.broadcast %slice3A_372 : vector<128x1xf32> to vector<128x675xf32>
    %mul3A_377 = vector.broadcast %get3A_375 : vector<1x675xf32> to vector<128x675xf32>
    %mul3A_378 = arith.mulf %mul3A_376, %mul3A_377 : vector<128x675xf32>
    %add3A_379 = arith.addf %mul3A_371, %mul3A_378 : vector<128x675xf32>
    %add3A_380 = vector.broadcast %get3A_26 : vector<1x675xf32> to vector<128x675xf32>
    %add3A_381 = arith.addf %add3A_379, %add3A_380 : vector<128x675xf32>
    %mul3A_382 = arith.constant 5.000000e-01 : f32
    %mul3A_383 = vector.broadcast %mul3A_382 : f32 to vector<128x675xf32>
    %mul3A_384 = arith.mulf %mul3A_383, %add3A_381 : vector<128x675xf32>
    %mul3A_385 = arith.constant 0.707106769 : f32
    %mul3A_386 = vector.broadcast %mul3A_385 : f32 to vector<128x675xf32>
    %mul3A_387 = arith.mulf %add3A_381, %mul3A_386 : vector<128x675xf32>
    %erf3A_388 = math.erf %mul3A_387 : vector<128x675xf32>
    %add3A_389 = arith.constant 1.000000e+00 : f32
    %add3A_390 = vector.broadcast %add3A_389 : f32 to vector<128x675xf32>
    %add3A_391 = arith.addf %add3A_390, %erf3A_388 : vector<128x675xf32>
    %mul3A_392 = arith.mulf %mul3A_384, %add3A_391 : vector<128x675xf32>
    %reduce_sum3A_393 = arith.constant dense<0.000000e+00> : vector<128xf32>
    %reduce_sum3A_394 = vector.multi_reduction <add>, %mul3A_392, %reduce_sum3A_393 [1] : vector<128x675xf32> to vector<128xf32>
    %broadcast_in_dim3A_395 = vector.shape_cast %reduce_sum3A_394 : vector<128xf32> to vector<128x1xf32>
    %div3A_396 = arith.constant 6.750000e+02 : f32
    %div3A_397 = vector.broadcast %div3A_396 : f32 to vector<128x1xf32>
    %div3A_398 = arith.divf %broadcast_in_dim3A_395, %div3A_397 : vector<128x1xf32>
    %mul3A_399 = arith.mulf %mul3A_392, %mul3A_392 : vector<128x675xf32>
    %reduce_sum3A_400 = arith.constant dense<0.000000e+00> : vector<128xf32>
    %reduce_sum3A_401 = vector.multi_reduction <add>, %mul3A_399, %reduce_sum3A_400 [1] : vector<128x675xf32> to vector<128xf32>
    %broadcast_in_dim3A_402 = vector.shape_cast %reduce_sum3A_401 : vector<128xf32> to vector<128x1xf32>
    %div3A_403 = arith.constant 6.750000e+02 : f32
    %div3A_404 = vector.broadcast %div3A_403 : f32 to vector<128x1xf32>
    %div3A_405 = arith.divf %broadcast_in_dim3A_402, %div3A_404 : vector<128x1xf32>
    %mul3A_406 = arith.mulf %div3A_398, %div3A_398 : vector<128x1xf32>
    %sub3A_407 = arith.subf %div3A_405, %mul3A_406 : vector<128x1xf32>
    %add3A_408 = arith.constant 9.99999974E-6 : f32
    %add3A_409 = vector.broadcast %add3A_408 : f32 to vector<128x1xf32>
    %add3A_410 = arith.addf %sub3A_407, %add3A_409 : vector<128x1xf32>
    %rsqrt3A_411 = math.rsqrt %add3A_410 : vector<128x1xf32>
    %get3A_412 = arith.constant 0 : index
    %get3A_413 = arith.constant 6 : index
    %get3A_414 = memref.load %arg4[%get3A_412, %get3A_413] : memref<1x41xf32, #tpu.memory_space<smem>>
    %sub3A_415 = vector.broadcast %div3A_398 : vector<128x1xf32> to vector<128x675xf32>
    %sub3A_416 = arith.subf %mul3A_392, %sub3A_415 : vector<128x675xf32>
    %mul3A_417 = vector.broadcast %rsqrt3A_411 : vector<128x1xf32> to vector<128x675xf32>
    %mul3A_418 = arith.mulf %sub3A_416, %mul3A_417 : vector<128x675xf32>
    %mul3A_419 = vector.broadcast %get3A_414 : f32 to vector<128x675xf32>
    %mul3A_420 = arith.mulf %mul3A_419, %mul3A_418 : vector<128x675xf32>
    %add3A_421 = arith.addf %add3A_364, %mul3A_420 : vector<128x675xf32>
    %slice3A_422 = vector.extract_strided_slice %mul3A_23 {offsets = [0, 7], sizes = [128, 1], strides = [1, 1]} : vector<128x33xf32> to vector<128x1xf32>
    %get3A_423 = arith.constant 7 : index
    %get3A_424 = arith.constant 0 : index
    %get3A_425 = vector.load %arg5[%get3A_423, %get3A_424] : memref<33x675xf32, #tpu.memory_space<vmem>>, vector<1x675xf32>
    %mul3A_426 = vector.broadcast %slice3A_422 : vector<128x1xf32> to vector<128x675xf32>
    %mul3A_427 = vector.broadcast %get3A_425 : vector<1x675xf32> to vector<128x675xf32>
    %mul3A_428 = arith.mulf %mul3A_426, %mul3A_427 : vector<128x675xf32>
    %slice3A_429 = vector.extract_strided_slice %rsqrt3A {offsets = [0, 7], sizes = [128, 1], strides = [1, 1]} : vector<128x33xf32> to vector<128x1xf32>
    %get3A_430 = arith.constant 7 : index
    %get3A_431 = arith.constant 0 : index
    %get3A_432 = vector.load %arg6[%get3A_430, %get3A_431] : memref<33x675xf32, #tpu.memory_space<vmem>>, vector<1x675xf32>
    %mul3A_433 = vector.broadcast %slice3A_429 : vector<128x1xf32> to vector<128x675xf32>
    %mul3A_434 = vector.broadcast %get3A_432 : vector<1x675xf32> to vector<128x675xf32>
    %mul3A_435 = arith.mulf %mul3A_433, %mul3A_434 : vector<128x675xf32>
    %add3A_436 = arith.addf %mul3A_428, %mul3A_435 : vector<128x675xf32>
    %add3A_437 = vector.broadcast %get3A_26 : vector<1x675xf32> to vector<128x675xf32>
    %add3A_438 = arith.addf %add3A_436, %add3A_437 : vector<128x675xf32>
    %mul3A_439 = arith.constant 5.000000e-01 : f32
    %mul3A_440 = vector.broadcast %mul3A_439 : f32 to vector<128x675xf32>
    %mul3A_441 = arith.mulf %mul3A_440, %add3A_438 : vector<128x675xf32>
    %mul3A_442 = arith.constant 0.707106769 : f32
    %mul3A_443 = vector.broadcast %mul3A_442 : f32 to vector<128x675xf32>
    %mul3A_444 = arith.mulf %add3A_438, %mul3A_443 : vector<128x675xf32>
    %erf3A_445 = math.erf %mul3A_444 : vector<128x675xf32>
    %add3A_446 = arith.constant 1.000000e+00 : f32
    %add3A_447 = vector.broadcast %add3A_446 : f32 to vector<128x675xf32>
    %add3A_448 = arith.addf %add3A_447, %erf3A_445 : vector<128x675xf32>
    %mul3A_449 = arith.mulf %mul3A_441, %add3A_448 : vector<128x675xf32>
    %reduce_sum3A_450 = arith.constant dense<0.000000e+00> : vector<128xf32>
    %reduce_sum3A_451 = vector.multi_reduction <add>, %mul3A_449, %reduce_sum3A_450 [1] : vector<128x675xf32> to vector<128xf32>
    %broadcast_in_dim3A_452 = vector.shape_cast %reduce_sum3A_451 : vector<128xf32> to vector<128x1xf32>
    %div3A_453 = arith.constant 6.750000e+02 : f32
    %div3A_454 = vector.broadcast %div3A_453 : f32 to vector<128x1xf32>
    %div3A_455 = arith.divf %broadcast_in_dim3A_452, %div3A_454 : vector<128x1xf32>
    %mul3A_456 = arith.mulf %mul3A_449, %mul3A_449 : vector<128x675xf32>
    %reduce_sum3A_457 = arith.constant dense<0.000000e+00> : vector<128xf32>
    %reduce_sum3A_458 = vector.multi_reduction <add>, %mul3A_456, %reduce_sum3A_457 [1] : vector<128x675xf32> to vector<128xf32>
    %broadcast_in_dim3A_459 = vector.shape_cast %reduce_sum3A_458 : vector<128xf32> to vector<128x1xf32>
    %div3A_460 = arith.constant 6.750000e+02 : f32
    %div3A_461 = vector.broadcast %div3A_460 : f32 to vector<128x1xf32>
    %div3A_462 = arith.divf %broadcast_in_dim3A_459, %div3A_461 : vector<128x1xf32>
    %mul3A_463 = arith.mulf %div3A_455, %div3A_455 : vector<128x1xf32>
    %sub3A_464 = arith.subf %div3A_462, %mul3A_463 : vector<128x1xf32>
    %add3A_465 = arith.constant 9.99999974E-6 : f32
    %add3A_466 = vector.broadcast %add3A_465 : f32 to vector<128x1xf32>
    %add3A_467 = arith.addf %sub3A_464, %add3A_466 : vector<128x1xf32>
    %rsqrt3A_468 = math.rsqrt %add3A_467 : vector<128x1xf32>
    %get3A_469 = arith.constant 0 : index
    %get3A_470 = arith.constant 7 : index
    %get3A_471 = memref.load %arg4[%get3A_469, %get3A_470] : memref<1x41xf32, #tpu.memory_space<smem>>
    %sub3A_472 = vector.broadcast %div3A_455 : vector<128x1xf32> to vector<128x675xf32>
    %sub3A_473 = arith.subf %mul3A_449, %sub3A_472 : vector<128x675xf32>
    %mul3A_474 = vector.broadcast %rsqrt3A_468 : vector<128x1xf32> to vector<128x675xf32>
    %mul3A_475 = arith.mulf %sub3A_473, %mul3A_474 : vector<128x675xf32>
    %mul3A_476 = vector.broadcast %get3A_471 : f32 to vector<128x675xf32>
    %mul3A_477 = arith.mulf %mul3A_476, %mul3A_475 : vector<128x675xf32>
    %add3A_478 = arith.addf %add3A_421, %mul3A_477 : vector<128x675xf32>
    %slice3A_479 = vector.extract_strided_slice %mul3A_23 {offsets = [0, 8], sizes = [128, 1], strides = [1, 1]} : vector<128x33xf32> to vector<128x1xf32>
    %get3A_480 = arith.constant 8 : index
    %get3A_481 = arith.constant 0 : index
    %get3A_482 = vector.load %arg5[%get3A_480, %get3A_481] : memref<33x675xf32, #tpu.memory_space<vmem>>, vector<1x675xf32>
    %mul3A_483 = vector.broadcast %slice3A_479 : vector<128x1xf32> to vector<128x675xf32>
    %mul3A_484 = vector.broadcast %get3A_482 : vector<1x675xf32> to vector<128x675xf32>
    %mul3A_485 = arith.mulf %mul3A_483, %mul3A_484 : vector<128x675xf32>
    %slice3A_486 = vector.extract_strided_slice %rsqrt3A {offsets = [0, 8], sizes = [128, 1], strides = [1, 1]} : vector<128x33xf32> to vector<128x1xf32>
    %get3A_487 = arith.constant 8 : index
    %get3A_488 = arith.constant 0 : index
    %get3A_489 = vector.load %arg6[%get3A_487, %get3A_488] : memref<33x675xf32, #tpu.memory_space<vmem>>, vector<1x675xf32>
    %mul3A_490 = vector.broadcast %slice3A_486 : vector<128x1xf32> to vector<128x675xf32>
    %mul3A_491 = vector.broadcast %get3A_489 : vector<1x675xf32> to vector<128x675xf32>
    %mul3A_492 = arith.mulf %mul3A_490, %mul3A_491 : vector<128x675xf32>
    %add3A_493 = arith.addf %mul3A_485, %mul3A_492 : vector<128x675xf32>
    %add3A_494 = vector.broadcast %get3A_26 : vector<1x675xf32> to vector<128x675xf32>
    %add3A_495 = arith.addf %add3A_493, %add3A_494 : vector<128x675xf32>
    %mul3A_496 = arith.constant 5.000000e-01 : f32
    %mul3A_497 = vector.broadcast %mul3A_496 : f32 to vector<128x675xf32>
    %mul3A_498 = arith.mulf %mul3A_497, %add3A_495 : vector<128x675xf32>
    %mul3A_499 = arith.constant 0.707106769 : f32
    %mul3A_500 = vector.broadcast %mul3A_499 : f32 to vector<128x675xf32>
    %mul3A_501 = arith.mulf %add3A_495, %mul3A_500 : vector<128x675xf32>
    %erf3A_502 = math.erf %mul3A_501 : vector<128x675xf32>
    %add3A_503 = arith.constant 1.000000e+00 : f32
    %add3A_504 = vector.broadcast %add3A_503 : f32 to vector<128x675xf32>
    %add3A_505 = arith.addf %add3A_504, %erf3A_502 : vector<128x675xf32>
    %mul3A_506 = arith.mulf %mul3A_498, %add3A_505 : vector<128x675xf32>
    %reduce_sum3A_507 = arith.constant dense<0.000000e+00> : vector<128xf32>
    %reduce_sum3A_508 = vector.multi_reduction <add>, %mul3A_506, %reduce_sum3A_507 [1] : vector<128x675xf32> to vector<128xf32>
    %broadcast_in_dim3A_509 = vector.shape_cast %reduce_sum3A_508 : vector<128xf32> to vector<128x1xf32>
    %div3A_510 = arith.constant 6.750000e+02 : f32
    %div3A_511 = vector.broadcast %div3A_510 : f32 to vector<128x1xf32>
    %div3A_512 = arith.divf %broadcast_in_dim3A_509, %div3A_511 : vector<128x1xf32>
    %mul3A_513 = arith.mulf %mul3A_506, %mul3A_506 : vector<128x675xf32>
    %reduce_sum3A_514 = arith.constant dense<0.000000e+00> : vector<128xf32>
    %reduce_sum3A_515 = vector.multi_reduction <add>, %mul3A_513, %reduce_sum3A_514 [1] : vector<128x675xf32> to vector<128xf32>
    %broadcast_in_dim3A_516 = vector.shape_cast %reduce_sum3A_515 : vector<128xf32> to vector<128x1xf32>
    %div3A_517 = arith.constant 6.750000e+02 : f32
    %div3A_518 = vector.broadcast %div3A_517 : f32 to vector<128x1xf32>
    %div3A_519 = arith.divf %broadcast_in_dim3A_516, %div3A_518 : vector<128x1xf32>
    %mul3A_520 = arith.mulf %div3A_512, %div3A_512 : vector<128x1xf32>
    %sub3A_521 = arith.subf %div3A_519, %mul3A_520 : vector<128x1xf32>
    %add3A_522 = arith.constant 9.99999974E-6 : f32
    %add3A_523 = vector.broadcast %add3A_522 : f32 to vector<128x1xf32>
    %add3A_524 = arith.addf %sub3A_521, %add3A_523 : vector<128x1xf32>
    %rsqrt3A_525 = math.rsqrt %add3A_524 : vector<128x1xf32>
    %get3A_526 = arith.constant 0 : index
    %get3A_527 = arith.constant 8 : index
    %get3A_528 = memref.load %arg4[%get3A_526, %get3A_527] : memref<1x41xf32, #tpu.memory_space<smem>>
    %sub3A_529 = vector.broadcast %div3A_512 : vector<128x1xf32> to vector<128x675xf32>
    %sub3A_530 = arith.subf %mul3A_506, %sub3A_529 : vector<128x675xf32>
    %mul3A_531 = vector.broadcast %rsqrt3A_525 : vector<128x1xf32> to vector<128x675xf32>
    %mul3A_532 = arith.mulf %sub3A_530, %mul3A_531 : vector<128x675xf32>
    %mul3A_533 = vector.broadcast %get3A_528 : f32 to vector<128x675xf32>
    %mul3A_534 = arith.mulf %mul3A_533, %mul3A_532 : vector<128x675xf32>
    %add3A_535 = arith.addf %add3A_478, %mul3A_534 : vector<128x675xf32>
    %slice3A_536 = vector.extract_strided_slice %mul3A_23 {offsets = [0, 9], sizes = [128, 1], strides = [1, 1]} : vector<128x33xf32> to vector<128x1xf32>
    %get3A_537 = arith.constant 9 : index
    %get3A_538 = arith.constant 0 : index
    %get3A_539 = vector.load %arg5[%get3A_537, %get3A_538] : memref<33x675xf32, #tpu.memory_space<vmem>>, vector<1x675xf32>
    %mul3A_540 = vector.broadcast %slice3A_536 : vector<128x1xf32> to vector<128x675xf32>
    %mul3A_541 = vector.broadcast %get3A_539 : vector<1x675xf32> to vector<128x675xf32>
    %mul3A_542 = arith.mulf %mul3A_540, %mul3A_541 : vector<128x675xf32>
    %slice3A_543 = vector.extract_strided_slice %rsqrt3A {offsets = [0, 9], sizes = [128, 1], strides = [1, 1]} : vector<128x33xf32> to vector<128x1xf32>
    %get3A_544 = arith.constant 9 : index
    %get3A_545 = arith.constant 0 : index
    %get3A_546 = vector.load %arg6[%get3A_544, %get3A_545] : memref<33x675xf32, #tpu.memory_space<vmem>>, vector<1x675xf32>
    %mul3A_547 = vector.broadcast %slice3A_543 : vector<128x1xf32> to vector<128x675xf32>
    %mul3A_548 = vector.broadcast %get3A_546 : vector<1x675xf32> to vector<128x675xf32>
    %mul3A_549 = arith.mulf %mul3A_547, %mul3A_548 : vector<128x675xf32>
    %add3A_550 = arith.addf %mul3A_542, %mul3A_549 : vector<128x675xf32>
    %add3A_551 = vector.broadcast %get3A_26 : vector<1x675xf32> to vector<128x675xf32>
    %add3A_552 = arith.addf %add3A_550, %add3A_551 : vector<128x675xf32>
    %mul3A_553 = arith.constant 5.000000e-01 : f32
    %mul3A_554 = vector.broadcast %mul3A_553 : f32 to vector<128x675xf32>
    %mul3A_555 = arith.mulf %mul3A_554, %add3A_552 : vector<128x675xf32>
    %mul3A_556 = arith.constant 0.707106769 : f32
    %mul3A_557 = vector.broadcast %mul3A_556 : f32 to vector<128x675xf32>
    %mul3A_558 = arith.mulf %add3A_552, %mul3A_557 : vector<128x675xf32>
    %erf3A_559 = math.erf %mul3A_558 : vector<128x675xf32>
    %add3A_560 = arith.constant 1.000000e+00 : f32
    %add3A_561 = vector.broadcast %add3A_560 : f32 to vector<128x675xf32>
    %add3A_562 = arith.addf %add3A_561, %erf3A_559 : vector<128x675xf32>
    %mul3A_563 = arith.mulf %mul3A_555, %add3A_562 : vector<128x675xf32>
    %reduce_sum3A_564 = arith.constant dense<0.000000e+00> : vector<128xf32>
    %reduce_sum3A_565 = vector.multi_reduction <add>, %mul3A_563, %reduce_sum3A_564 [1] : vector<128x675xf32> to vector<128xf32>
    %broadcast_in_dim3A_566 = vector.shape_cast %reduce_sum3A_565 : vector<128xf32> to vector<128x1xf32>
    %div3A_567 = arith.constant 6.750000e+02 : f32
    %div3A_568 = vector.broadcast %div3A_567 : f32 to vector<128x1xf32>
    %div3A_569 = arith.divf %broadcast_in_dim3A_566, %div3A_568 : vector<128x1xf32>
    %mul3A_570 = arith.mulf %mul3A_563, %mul3A_563 : vector<128x675xf32>
    %reduce_sum3A_571 = arith.constant dense<0.000000e+00> : vector<128xf32>
    %reduce_sum3A_572 = vector.multi_reduction <add>, %mul3A_570, %reduce_sum3A_571 [1] : vector<128x675xf32> to vector<128xf32>
    %broadcast_in_dim3A_573 = vector.shape_cast %reduce_sum3A_572 : vector<128xf32> to vector<128x1xf32>
    %div3A_574 = arith.constant 6.750000e+02 : f32
    %div3A_575 = vector.broadcast %div3A_574 : f32 to vector<128x1xf32>
    %div3A_576 = arith.divf %broadcast_in_dim3A_573, %div3A_575 : vector<128x1xf32>
    %mul3A_577 = arith.mulf %div3A_569, %div3A_569 : vector<128x1xf32>
    %sub3A_578 = arith.subf %div3A_576, %mul3A_577 : vector<128x1xf32>
    %add3A_579 = arith.constant 9.99999974E-6 : f32
    %add3A_580 = vector.broadcast %add3A_579 : f32 to vector<128x1xf32>
    %add3A_581 = arith.addf %sub3A_578, %add3A_580 : vector<128x1xf32>
    %rsqrt3A_582 = math.rsqrt %add3A_581 : vector<128x1xf32>
    %get3A_583 = arith.constant 0 : index
    %get3A_584 = arith.constant 9 : index
    %get3A_585 = memref.load %arg4[%get3A_583, %get3A_584] : memref<1x41xf32, #tpu.memory_space<smem>>
    %sub3A_586 = vector.broadcast %div3A_569 : vector<128x1xf32> to vector<128x675xf32>
    %sub3A_587 = arith.subf %mul3A_563, %sub3A_586 : vector<128x675xf32>
    %mul3A_588 = vector.broadcast %rsqrt3A_582 : vector<128x1xf32> to vector<128x675xf32>
    %mul3A_589 = arith.mulf %sub3A_587, %mul3A_588 : vector<128x675xf32>
    %mul3A_590 = vector.broadcast %get3A_585 : f32 to vector<128x675xf32>
    %mul3A_591 = arith.mulf %mul3A_590, %mul3A_589 : vector<128x675xf32>
    %add3A_592 = arith.addf %add3A_535, %mul3A_591 : vector<128x675xf32>
    %slice3A_593 = vector.extract_strided_slice %mul3A_23 {offsets = [0, 10], sizes = [128, 1], strides = [1, 1]} : vector<128x33xf32> to vector<128x1xf32>
    %get3A_594 = arith.constant 10 : index
    %get3A_595 = arith.constant 0 : index
    %get3A_596 = vector.load %arg5[%get3A_594, %get3A_595] : memref<33x675xf32, #tpu.memory_space<vmem>>, vector<1x675xf32>
    %mul3A_597 = vector.broadcast %slice3A_593 : vector<128x1xf32> to vector<128x675xf32>
    %mul3A_598 = vector.broadcast %get3A_596 : vector<1x675xf32> to vector<128x675xf32>
    %mul3A_599 = arith.mulf %mul3A_597, %mul3A_598 : vector<128x675xf32>
    %slice3A_600 = vector.extract_strided_slice %rsqrt3A {offsets = [0, 10], sizes = [128, 1], strides = [1, 1]} : vector<128x33xf32> to vector<128x1xf32>
    %get3A_601 = arith.constant 10 : index
    %get3A_602 = arith.constant 0 : index
    %get3A_603 = vector.load %arg6[%get3A_601, %get3A_602] : memref<33x675xf32, #tpu.memory_space<vmem>>, vector<1x675xf32>
    %mul3A_604 = vector.broadcast %slice3A_600 : vector<128x1xf32> to vector<128x675xf32>
    %mul3A_605 = vector.broadcast %get3A_603 : vector<1x675xf32> to vector<128x675xf32>
    %mul3A_606 = arith.mulf %mul3A_604, %mul3A_605 : vector<128x675xf32>
    %add3A_607 = arith.addf %mul3A_599, %mul3A_606 : vector<128x675xf32>
    %add3A_608 = vector.broadcast %get3A_26 : vector<1x675xf32> to vector<128x675xf32>
    %add3A_609 = arith.addf %add3A_607, %add3A_608 : vector<128x675xf32>
    %mul3A_610 = arith.constant 5.000000e-01 : f32
    %mul3A_611 = vector.broadcast %mul3A_610 : f32 to vector<128x675xf32>
    %mul3A_612 = arith.mulf %mul3A_611, %add3A_609 : vector<128x675xf32>
    %mul3A_613 = arith.constant 0.707106769 : f32
    %mul3A_614 = vector.broadcast %mul3A_613 : f32 to vector<128x675xf32>
    %mul3A_615 = arith.mulf %add3A_609, %mul3A_614 : vector<128x675xf32>
    %erf3A_616 = math.erf %mul3A_615 : vector<128x675xf32>
    %add3A_617 = arith.constant 1.000000e+00 : f32
    %add3A_618 = vector.broadcast %add3A_617 : f32 to vector<128x675xf32>
    %add3A_619 = arith.addf %add3A_618, %erf3A_616 : vector<128x675xf32>
    %mul3A_620 = arith.mulf %mul3A_612, %add3A_619 : vector<128x675xf32>
    %reduce_sum3A_621 = arith.constant dense<0.000000e+00> : vector<128xf32>
    %reduce_sum3A_622 = vector.multi_reduction <add>, %mul3A_620, %reduce_sum3A_621 [1] : vector<128x675xf32> to vector<128xf32>
    %broadcast_in_dim3A_623 = vector.shape_cast %reduce_sum3A_622 : vector<128xf32> to vector<128x1xf32>
    %div3A_624 = arith.constant 6.750000e+02 : f32
    %div3A_625 = vector.broadcast %div3A_624 : f32 to vector<128x1xf32>
    %div3A_626 = arith.divf %broadcast_in_dim3A_623, %div3A_625 : vector<128x1xf32>
    %mul3A_627 = arith.mulf %mul3A_620, %mul3A_620 : vector<128x675xf32>
    %reduce_sum3A_628 = arith.constant dense<0.000000e+00> : vector<128xf32>
    %reduce_sum3A_629 = vector.multi_reduction <add>, %mul3A_627, %reduce_sum3A_628 [1] : vector<128x675xf32> to vector<128xf32>
    %broadcast_in_dim3A_630 = vector.shape_cast %reduce_sum3A_629 : vector<128xf32> to vector<128x1xf32>
    %div3A_631 = arith.constant 6.750000e+02 : f32
    %div3A_632 = vector.broadcast %div3A_631 : f32 to vector<128x1xf32>
    %div3A_633 = arith.divf %broadcast_in_dim3A_630, %div3A_632 : vector<128x1xf32>
    %mul3A_634 = arith.mulf %div3A_626, %div3A_626 : vector<128x1xf32>
    %sub3A_635 = arith.subf %div3A_633, %mul3A_634 : vector<128x1xf32>
    %add3A_636 = arith.constant 9.99999974E-6 : f32
    %add3A_637 = vector.broadcast %add3A_636 : f32 to vector<128x1xf32>
    %add3A_638 = arith.addf %sub3A_635, %add3A_637 : vector<128x1xf32>
    %rsqrt3A_639 = math.rsqrt %add3A_638 : vector<128x1xf32>
    %get3A_640 = arith.constant 0 : index
    %get3A_641 = arith.constant 10 : index
    %get3A_642 = memref.load %arg4[%get3A_640, %get3A_641] : memref<1x41xf32, #tpu.memory_space<smem>>
    %sub3A_643 = vector.broadcast %div3A_626 : vector<128x1xf32> to vector<128x675xf32>
    %sub3A_644 = arith.subf %mul3A_620, %sub3A_643 : vector<128x675xf32>
    %mul3A_645 = vector.broadcast %rsqrt3A_639 : vector<128x1xf32> to vector<128x675xf32>
    %mul3A_646 = arith.mulf %sub3A_644, %mul3A_645 : vector<128x675xf32>
    %mul3A_647 = vector.broadcast %get3A_642 : f32 to vector<128x675xf32>
    %mul3A_648 = arith.mulf %mul3A_647, %mul3A_646 : vector<128x675xf32>
    %add3A_649 = arith.addf %add3A_592, %mul3A_648 : vector<128x675xf32>
    %slice3A_650 = vector.extract_strided_slice %mul3A_23 {offsets = [0, 11], sizes = [128, 1], strides = [1, 1]} : vector<128x33xf32> to vector<128x1xf32>
    %get3A_651 = arith.constant 11 : index
    %get3A_652 = arith.constant 0 : index
    %get3A_653 = vector.load %arg5[%get3A_651, %get3A_652] : memref<33x675xf32, #tpu.memory_space<vmem>>, vector<1x675xf32>
    %mul3A_654 = vector.broadcast %slice3A_650 : vector<128x1xf32> to vector<128x675xf32>
    %mul3A_655 = vector.broadcast %get3A_653 : vector<1x675xf32> to vector<128x675xf32>
    %mul3A_656 = arith.mulf %mul3A_654, %mul3A_655 : vector<128x675xf32>
    %slice3A_657 = vector.extract_strided_slice %rsqrt3A {offsets = [0, 11], sizes = [128, 1], strides = [1, 1]} : vector<128x33xf32> to vector<128x1xf32>
    %get3A_658 = arith.constant 11 : index
    %get3A_659 = arith.constant 0 : index
    %get3A_660 = vector.load %arg6[%get3A_658, %get3A_659] : memref<33x675xf32, #tpu.memory_space<vmem>>, vector<1x675xf32>
    %mul3A_661 = vector.broadcast %slice3A_657 : vector<128x1xf32> to vector<128x675xf32>
    %mul3A_662 = vector.broadcast %get3A_660 : vector<1x675xf32> to vector<128x675xf32>
    %mul3A_663 = arith.mulf %mul3A_661, %mul3A_662 : vector<128x675xf32>
    %add3A_664 = arith.addf %mul3A_656, %mul3A_663 : vector<128x675xf32>
    %add3A_665 = vector.broadcast %get3A_26 : vector<1x675xf32> to vector<128x675xf32>
    %add3A_666 = arith.addf %add3A_664, %add3A_665 : vector<128x675xf32>
    %mul3A_667 = arith.constant 5.000000e-01 : f32
    %mul3A_668 = vector.broadcast %mul3A_667 : f32 to vector<128x675xf32>
    %mul3A_669 = arith.mulf %mul3A_668, %add3A_666 : vector<128x675xf32>
    %mul3A_670 = arith.constant 0.707106769 : f32
    %mul3A_671 = vector.broadcast %mul3A_670 : f32 to vector<128x675xf32>
    %mul3A_672 = arith.mulf %add3A_666, %mul3A_671 : vector<128x675xf32>
    %erf3A_673 = math.erf %mul3A_672 : vector<128x675xf32>
    %add3A_674 = arith.constant 1.000000e+00 : f32
    %add3A_675 = vector.broadcast %add3A_674 : f32 to vector<128x675xf32>
    %add3A_676 = arith.addf %add3A_675, %erf3A_673 : vector<128x675xf32>
    %mul3A_677 = arith.mulf %mul3A_669, %add3A_676 : vector<128x675xf32>
    %reduce_sum3A_678 = arith.constant dense<0.000000e+00> : vector<128xf32>
    %reduce_sum3A_679 = vector.multi_reduction <add>, %mul3A_677, %reduce_sum3A_678 [1] : vector<128x675xf32> to vector<128xf32>
    %broadcast_in_dim3A_680 = vector.shape_cast %reduce_sum3A_679 : vector<128xf32> to vector<128x1xf32>
    %div3A_681 = arith.constant 6.750000e+02 : f32
    %div3A_682 = vector.broadcast %div3A_681 : f32 to vector<128x1xf32>
    %div3A_683 = arith.divf %broadcast_in_dim3A_680, %div3A_682 : vector<128x1xf32>
    %mul3A_684 = arith.mulf %mul3A_677, %mul3A_677 : vector<128x675xf32>
    %reduce_sum3A_685 = arith.constant dense<0.000000e+00> : vector<128xf32>
    %reduce_sum3A_686 = vector.multi_reduction <add>, %mul3A_684, %reduce_sum3A_685 [1] : vector<128x675xf32> to vector<128xf32>
    %broadcast_in_dim3A_687 = vector.shape_cast %reduce_sum3A_686 : vector<128xf32> to vector<128x1xf32>
    %div3A_688 = arith.constant 6.750000e+02 : f32
    %div3A_689 = vector.broadcast %div3A_688 : f32 to vector<128x1xf32>
    %div3A_690 = arith.divf %broadcast_in_dim3A_687, %div3A_689 : vector<128x1xf32>
    %mul3A_691 = arith.mulf %div3A_683, %div3A_683 : vector<128x1xf32>
    %sub3A_692 = arith.subf %div3A_690, %mul3A_691 : vector<128x1xf32>
    %add3A_693 = arith.constant 9.99999974E-6 : f32
    %add3A_694 = vector.broadcast %add3A_693 : f32 to vector<128x1xf32>
    %add3A_695 = arith.addf %sub3A_692, %add3A_694 : vector<128x1xf32>
    %rsqrt3A_696 = math.rsqrt %add3A_695 : vector<128x1xf32>
    %get3A_697 = arith.constant 0 : index
    %get3A_698 = arith.constant 11 : index
    %get3A_699 = memref.load %arg4[%get3A_697, %get3A_698] : memref<1x41xf32, #tpu.memory_space<smem>>
    %sub3A_700 = vector.broadcast %div3A_683 : vector<128x1xf32> to vector<128x675xf32>
    %sub3A_701 = arith.subf %mul3A_677, %sub3A_700 : vector<128x675xf32>
    %mul3A_702 = vector.broadcast %rsqrt3A_696 : vector<128x1xf32> to vector<128x675xf32>
    %mul3A_703 = arith.mulf %sub3A_701, %mul3A_702 : vector<128x675xf32>
    %mul3A_704 = vector.broadcast %get3A_699 : f32 to vector<128x675xf32>
    %mul3A_705 = arith.mulf %mul3A_704, %mul3A_703 : vector<128x675xf32>
    %add3A_706 = arith.addf %add3A_649, %mul3A_705 : vector<128x675xf32>
    %slice3A_707 = vector.extract_strided_slice %mul3A_23 {offsets = [0, 12], sizes = [128, 1], strides = [1, 1]} : vector<128x33xf32> to vector<128x1xf32>
    %get3A_708 = arith.constant 12 : index
    %get3A_709 = arith.constant 0 : index
    %get3A_710 = vector.load %arg5[%get3A_708, %get3A_709] : memref<33x675xf32, #tpu.memory_space<vmem>>, vector<1x675xf32>
    %mul3A_711 = vector.broadcast %slice3A_707 : vector<128x1xf32> to vector<128x675xf32>
    %mul3A_712 = vector.broadcast %get3A_710 : vector<1x675xf32> to vector<128x675xf32>
    %mul3A_713 = arith.mulf %mul3A_711, %mul3A_712 : vector<128x675xf32>
    %slice3A_714 = vector.extract_strided_slice %rsqrt3A {offsets = [0, 12], sizes = [128, 1], strides = [1, 1]} : vector<128x33xf32> to vector<128x1xf32>
    %get3A_715 = arith.constant 12 : index
    %get3A_716 = arith.constant 0 : index
    %get3A_717 = vector.load %arg6[%get3A_715, %get3A_716] : memref<33x675xf32, #tpu.memory_space<vmem>>, vector<1x675xf32>
    %mul3A_718 = vector.broadcast %slice3A_714 : vector<128x1xf32> to vector<128x675xf32>
    %mul3A_719 = vector.broadcast %get3A_717 : vector<1x675xf32> to vector<128x675xf32>
    %mul3A_720 = arith.mulf %mul3A_718, %mul3A_719 : vector<128x675xf32>
    %add3A_721 = arith.addf %mul3A_713, %mul3A_720 : vector<128x675xf32>
    %add3A_722 = vector.broadcast %get3A_26 : vector<1x675xf32> to vector<128x675xf32>
    %add3A_723 = arith.addf %add3A_721, %add3A_722 : vector<128x675xf32>
    %mul3A_724 = arith.constant 5.000000e-01 : f32
    %mul3A_725 = vector.broadcast %mul3A_724 : f32 to vector<128x675xf32>
    %mul3A_726 = arith.mulf %mul3A_725, %add3A_723 : vector<128x675xf32>
    %mul3A_727 = arith.constant 0.707106769 : f32
    %mul3A_728 = vector.broadcast %mul3A_727 : f32 to vector<128x675xf32>
    %mul3A_729 = arith.mulf %add3A_723, %mul3A_728 : vector<128x675xf32>
    %erf3A_730 = math.erf %mul3A_729 : vector<128x675xf32>
    %add3A_731 = arith.constant 1.000000e+00 : f32
    %add3A_732 = vector.broadcast %add3A_731 : f32 to vector<128x675xf32>
    %add3A_733 = arith.addf %add3A_732, %erf3A_730 : vector<128x675xf32>
    %mul3A_734 = arith.mulf %mul3A_726, %add3A_733 : vector<128x675xf32>
    %reduce_sum3A_735 = arith.constant dense<0.000000e+00> : vector<128xf32>
    %reduce_sum3A_736 = vector.multi_reduction <add>, %mul3A_734, %reduce_sum3A_735 [1] : vector<128x675xf32> to vector<128xf32>
    %broadcast_in_dim3A_737 = vector.shape_cast %reduce_sum3A_736 : vector<128xf32> to vector<128x1xf32>
    %div3A_738 = arith.constant 6.750000e+02 : f32
    %div3A_739 = vector.broadcast %div3A_738 : f32 to vector<128x1xf32>
    %div3A_740 = arith.divf %broadcast_in_dim3A_737, %div3A_739 : vector<128x1xf32>
    %mul3A_741 = arith.mulf %mul3A_734, %mul3A_734 : vector<128x675xf32>
    %reduce_sum3A_742 = arith.constant dense<0.000000e+00> : vector<128xf32>
    %reduce_sum3A_743 = vector.multi_reduction <add>, %mul3A_741, %reduce_sum3A_742 [1] : vector<128x675xf32> to vector<128xf32>
    %broadcast_in_dim3A_744 = vector.shape_cast %reduce_sum3A_743 : vector<128xf32> to vector<128x1xf32>
    %div3A_745 = arith.constant 6.750000e+02 : f32
    %div3A_746 = vector.broadcast %div3A_745 : f32 to vector<128x1xf32>
    %div3A_747 = arith.divf %broadcast_in_dim3A_744, %div3A_746 : vector<128x1xf32>
    %mul3A_748 = arith.mulf %div3A_740, %div3A_740 : vector<128x1xf32>
    %sub3A_749 = arith.subf %div3A_747, %mul3A_748 : vector<128x1xf32>
    %add3A_750 = arith.constant 9.99999974E-6 : f32
    %add3A_751 = vector.broadcast %add3A_750 : f32 to vector<128x1xf32>
    %add3A_752 = arith.addf %sub3A_749, %add3A_751 : vector<128x1xf32>
    %rsqrt3A_753 = math.rsqrt %add3A_752 : vector<128x1xf32>
    %get3A_754 = arith.constant 0 : index
    %get3A_755 = arith.constant 12 : index
    %get3A_756 = memref.load %arg4[%get3A_754, %get3A_755] : memref<1x41xf32, #tpu.memory_space<smem>>
    %sub3A_757 = vector.broadcast %div3A_740 : vector<128x1xf32> to vector<128x675xf32>
    %sub3A_758 = arith.subf %mul3A_734, %sub3A_757 : vector<128x675xf32>
    %mul3A_759 = vector.broadcast %rsqrt3A_753 : vector<128x1xf32> to vector<128x675xf32>
    %mul3A_760 = arith.mulf %sub3A_758, %mul3A_759 : vector<128x675xf32>
    %mul3A_761 = vector.broadcast %get3A_756 : f32 to vector<128x675xf32>
    %mul3A_762 = arith.mulf %mul3A_761, %mul3A_760 : vector<128x675xf32>
    %add3A_763 = arith.addf %add3A_706, %mul3A_762 : vector<128x675xf32>
    %slice3A_764 = vector.extract_strided_slice %mul3A_23 {offsets = [0, 13], sizes = [128, 1], strides = [1, 1]} : vector<128x33xf32> to vector<128x1xf32>
    %get3A_765 = arith.constant 13 : index
    %get3A_766 = arith.constant 0 : index
    %get3A_767 = vector.load %arg5[%get3A_765, %get3A_766] : memref<33x675xf32, #tpu.memory_space<vmem>>, vector<1x675xf32>
    %mul3A_768 = vector.broadcast %slice3A_764 : vector<128x1xf32> to vector<128x675xf32>
    %mul3A_769 = vector.broadcast %get3A_767 : vector<1x675xf32> to vector<128x675xf32>
    %mul3A_770 = arith.mulf %mul3A_768, %mul3A_769 : vector<128x675xf32>
    %slice3A_771 = vector.extract_strided_slice %rsqrt3A {offsets = [0, 13], sizes = [128, 1], strides = [1, 1]} : vector<128x33xf32> to vector<128x1xf32>
    %get3A_772 = arith.constant 13 : index
    %get3A_773 = arith.constant 0 : index
    %get3A_774 = vector.load %arg6[%get3A_772, %get3A_773] : memref<33x675xf32, #tpu.memory_space<vmem>>, vector<1x675xf32>
    %mul3A_775 = vector.broadcast %slice3A_771 : vector<128x1xf32> to vector<128x675xf32>
    %mul3A_776 = vector.broadcast %get3A_774 : vector<1x675xf32> to vector<128x675xf32>
    %mul3A_777 = arith.mulf %mul3A_775, %mul3A_776 : vector<128x675xf32>
    %add3A_778 = arith.addf %mul3A_770, %mul3A_777 : vector<128x675xf32>
    %add3A_779 = vector.broadcast %get3A_26 : vector<1x675xf32> to vector<128x675xf32>
    %add3A_780 = arith.addf %add3A_778, %add3A_779 : vector<128x675xf32>
    %mul3A_781 = arith.constant 5.000000e-01 : f32
    %mul3A_782 = vector.broadcast %mul3A_781 : f32 to vector<128x675xf32>
    %mul3A_783 = arith.mulf %mul3A_782, %add3A_780 : vector<128x675xf32>
    %mul3A_784 = arith.constant 0.707106769 : f32
    %mul3A_785 = vector.broadcast %mul3A_784 : f32 to vector<128x675xf32>
    %mul3A_786 = arith.mulf %add3A_780, %mul3A_785 : vector<128x675xf32>
    %erf3A_787 = math.erf %mul3A_786 : vector<128x675xf32>
    %add3A_788 = arith.constant 1.000000e+00 : f32
    %add3A_789 = vector.broadcast %add3A_788 : f32 to vector<128x675xf32>
    %add3A_790 = arith.addf %add3A_789, %erf3A_787 : vector<128x675xf32>
    %mul3A_791 = arith.mulf %mul3A_783, %add3A_790 : vector<128x675xf32>
    %reduce_sum3A_792 = arith.constant dense<0.000000e+00> : vector<128xf32>
    %reduce_sum3A_793 = vector.multi_reduction <add>, %mul3A_791, %reduce_sum3A_792 [1] : vector<128x675xf32> to vector<128xf32>
    %broadcast_in_dim3A_794 = vector.shape_cast %reduce_sum3A_793 : vector<128xf32> to vector<128x1xf32>
    %div3A_795 = arith.constant 6.750000e+02 : f32
    %div3A_796 = vector.broadcast %div3A_795 : f32 to vector<128x1xf32>
    %div3A_797 = arith.divf %broadcast_in_dim3A_794, %div3A_796 : vector<128x1xf32>
    %mul3A_798 = arith.mulf %mul3A_791, %mul3A_791 : vector<128x675xf32>
    %reduce_sum3A_799 = arith.constant dense<0.000000e+00> : vector<128xf32>
    %reduce_sum3A_800 = vector.multi_reduction <add>, %mul3A_798, %reduce_sum3A_799 [1] : vector<128x675xf32> to vector<128xf32>
    %broadcast_in_dim3A_801 = vector.shape_cast %reduce_sum3A_800 : vector<128xf32> to vector<128x1xf32>
    %div3A_802 = arith.constant 6.750000e+02 : f32
    %div3A_803 = vector.broadcast %div3A_802 : f32 to vector<128x1xf32>
    %div3A_804 = arith.divf %broadcast_in_dim3A_801, %div3A_803 : vector<128x1xf32>
    %mul3A_805 = arith.mulf %div3A_797, %div3A_797 : vector<128x1xf32>
    %sub3A_806 = arith.subf %div3A_804, %mul3A_805 : vector<128x1xf32>
    %add3A_807 = arith.constant 9.99999974E-6 : f32
    %add3A_808 = vector.broadcast %add3A_807 : f32 to vector<128x1xf32>
    %add3A_809 = arith.addf %sub3A_806, %add3A_808 : vector<128x1xf32>
    %rsqrt3A_810 = math.rsqrt %add3A_809 : vector<128x1xf32>
    %get3A_811 = arith.constant 0 : index
    %get3A_812 = arith.constant 13 : index
    %get3A_813 = memref.load %arg4[%get3A_811, %get3A_812] : memref<1x41xf32, #tpu.memory_space<smem>>
    %sub3A_814 = vector.broadcast %div3A_797 : vector<128x1xf32> to vector<128x675xf32>
    %sub3A_815 = arith.subf %mul3A_791, %sub3A_814 : vector<128x675xf32>
    %mul3A_816 = vector.broadcast %rsqrt3A_810 : vector<128x1xf32> to vector<128x675xf32>
    %mul3A_817 = arith.mulf %sub3A_815, %mul3A_816 : vector<128x675xf32>
    %mul3A_818 = vector.broadcast %get3A_813 : f32 to vector<128x675xf32>
    %mul3A_819 = arith.mulf %mul3A_818, %mul3A_817 : vector<128x675xf32>
    %add3A_820 = arith.addf %add3A_763, %mul3A_819 : vector<128x675xf32>
    %slice3A_821 = vector.extract_strided_slice %mul3A_23 {offsets = [0, 14], sizes = [128, 1], strides = [1, 1]} : vector<128x33xf32> to vector<128x1xf32>
    %get3A_822 = arith.constant 14 : index
    %get3A_823 = arith.constant 0 : index
    %get3A_824 = vector.load %arg5[%get3A_822, %get3A_823] : memref<33x675xf32, #tpu.memory_space<vmem>>, vector<1x675xf32>
    %mul3A_825 = vector.broadcast %slice3A_821 : vector<128x1xf32> to vector<128x675xf32>
    %mul3A_826 = vector.broadcast %get3A_824 : vector<1x675xf32> to vector<128x675xf32>
    %mul3A_827 = arith.mulf %mul3A_825, %mul3A_826 : vector<128x675xf32>
    %slice3A_828 = vector.extract_strided_slice %rsqrt3A {offsets = [0, 14], sizes = [128, 1], strides = [1, 1]} : vector<128x33xf32> to vector<128x1xf32>
    %get3A_829 = arith.constant 14 : index
    %get3A_830 = arith.constant 0 : index
    %get3A_831 = vector.load %arg6[%get3A_829, %get3A_830] : memref<33x675xf32, #tpu.memory_space<vmem>>, vector<1x675xf32>
    %mul3A_832 = vector.broadcast %slice3A_828 : vector<128x1xf32> to vector<128x675xf32>
    %mul3A_833 = vector.broadcast %get3A_831 : vector<1x675xf32> to vector<128x675xf32>
    %mul3A_834 = arith.mulf %mul3A_832, %mul3A_833 : vector<128x675xf32>
    %add3A_835 = arith.addf %mul3A_827, %mul3A_834 : vector<128x675xf32>
    %add3A_836 = vector.broadcast %get3A_26 : vector<1x675xf32> to vector<128x675xf32>
    %add3A_837 = arith.addf %add3A_835, %add3A_836 : vector<128x675xf32>
    %mul3A_838 = arith.constant 5.000000e-01 : f32
    %mul3A_839 = vector.broadcast %mul3A_838 : f32 to vector<128x675xf32>
    %mul3A_840 = arith.mulf %mul3A_839, %add3A_837 : vector<128x675xf32>
    %mul3A_841 = arith.constant 0.707106769 : f32
    %mul3A_842 = vector.broadcast %mul3A_841 : f32 to vector<128x675xf32>
    %mul3A_843 = arith.mulf %add3A_837, %mul3A_842 : vector<128x675xf32>
    %erf3A_844 = math.erf %mul3A_843 : vector<128x675xf32>
    %add3A_845 = arith.constant 1.000000e+00 : f32
    %add3A_846 = vector.broadcast %add3A_845 : f32 to vector<128x675xf32>
    %add3A_847 = arith.addf %add3A_846, %erf3A_844 : vector<128x675xf32>
    %mul3A_848 = arith.mulf %mul3A_840, %add3A_847 : vector<128x675xf32>
    %reduce_sum3A_849 = arith.constant dense<0.000000e+00> : vector<128xf32>
    %reduce_sum3A_850 = vector.multi_reduction <add>, %mul3A_848, %reduce_sum3A_849 [1] : vector<128x675xf32> to vector<128xf32>
    %broadcast_in_dim3A_851 = vector.shape_cast %reduce_sum3A_850 : vector<128xf32> to vector<128x1xf32>
    %div3A_852 = arith.constant 6.750000e+02 : f32
    %div3A_853 = vector.broadcast %div3A_852 : f32 to vector<128x1xf32>
    %div3A_854 = arith.divf %broadcast_in_dim3A_851, %div3A_853 : vector<128x1xf32>
    %mul3A_855 = arith.mulf %mul3A_848, %mul3A_848 : vector<128x675xf32>
    %reduce_sum3A_856 = arith.constant dense<0.000000e+00> : vector<128xf32>
    %reduce_sum3A_857 = vector.multi_reduction <add>, %mul3A_855, %reduce_sum3A_856 [1] : vector<128x675xf32> to vector<128xf32>
    %broadcast_in_dim3A_858 = vector.shape_cast %reduce_sum3A_857 : vector<128xf32> to vector<128x1xf32>
    %div3A_859 = arith.constant 6.750000e+02 : f32
    %div3A_860 = vector.broadcast %div3A_859 : f32 to vector<128x1xf32>
    %div3A_861 = arith.divf %broadcast_in_dim3A_858, %div3A_860 : vector<128x1xf32>
    %mul3A_862 = arith.mulf %div3A_854, %div3A_854 : vector<128x1xf32>
    %sub3A_863 = arith.subf %div3A_861, %mul3A_862 : vector<128x1xf32>
    %add3A_864 = arith.constant 9.99999974E-6 : f32
    %add3A_865 = vector.broadcast %add3A_864 : f32 to vector<128x1xf32>
    %add3A_866 = arith.addf %sub3A_863, %add3A_865 : vector<128x1xf32>
    %rsqrt3A_867 = math.rsqrt %add3A_866 : vector<128x1xf32>
    %get3A_868 = arith.constant 0 : index
    %get3A_869 = arith.constant 14 : index
    %get3A_870 = memref.load %arg4[%get3A_868, %get3A_869] : memref<1x41xf32, #tpu.memory_space<smem>>
    %sub3A_871 = vector.broadcast %div3A_854 : vector<128x1xf32> to vector<128x675xf32>
    %sub3A_872 = arith.subf %mul3A_848, %sub3A_871 : vector<128x675xf32>
    %mul3A_873 = vector.broadcast %rsqrt3A_867 : vector<128x1xf32> to vector<128x675xf32>
    %mul3A_874 = arith.mulf %sub3A_872, %mul3A_873 : vector<128x675xf32>
    %mul3A_875 = vector.broadcast %get3A_870 : f32 to vector<128x675xf32>
    %mul3A_876 = arith.mulf %mul3A_875, %mul3A_874 : vector<128x675xf32>
    %add3A_877 = arith.addf %add3A_820, %mul3A_876 : vector<128x675xf32>
    %slice3A_878 = vector.extract_strided_slice %mul3A_23 {offsets = [0, 15], sizes = [128, 1], strides = [1, 1]} : vector<128x33xf32> to vector<128x1xf32>
    %get3A_879 = arith.constant 15 : index
    %get3A_880 = arith.constant 0 : index
    %get3A_881 = vector.load %arg5[%get3A_879, %get3A_880] : memref<33x675xf32, #tpu.memory_space<vmem>>, vector<1x675xf32>
    %mul3A_882 = vector.broadcast %slice3A_878 : vector<128x1xf32> to vector<128x675xf32>
    %mul3A_883 = vector.broadcast %get3A_881 : vector<1x675xf32> to vector<128x675xf32>
    %mul3A_884 = arith.mulf %mul3A_882, %mul3A_883 : vector<128x675xf32>
    %slice3A_885 = vector.extract_strided_slice %rsqrt3A {offsets = [0, 15], sizes = [128, 1], strides = [1, 1]} : vector<128x33xf32> to vector<128x1xf32>
    %get3A_886 = arith.constant 15 : index
    %get3A_887 = arith.constant 0 : index
    %get3A_888 = vector.load %arg6[%get3A_886, %get3A_887] : memref<33x675xf32, #tpu.memory_space<vmem>>, vector<1x675xf32>
    %mul3A_889 = vector.broadcast %slice3A_885 : vector<128x1xf32> to vector<128x675xf32>
    %mul3A_890 = vector.broadcast %get3A_888 : vector<1x675xf32> to vector<128x675xf32>
    %mul3A_891 = arith.mulf %mul3A_889, %mul3A_890 : vector<128x675xf32>
    %add3A_892 = arith.addf %mul3A_884, %mul3A_891 : vector<128x675xf32>
    %add3A_893 = vector.broadcast %get3A_26 : vector<1x675xf32> to vector<128x675xf32>
    %add3A_894 = arith.addf %add3A_892, %add3A_893 : vector<128x675xf32>
    %mul3A_895 = arith.constant 5.000000e-01 : f32
    %mul3A_896 = vector.broadcast %mul3A_895 : f32 to vector<128x675xf32>
    %mul3A_897 = arith.mulf %mul3A_896, %add3A_894 : vector<128x675xf32>
    %mul3A_898 = arith.constant 0.707106769 : f32
    %mul3A_899 = vector.broadcast %mul3A_898 : f32 to vector<128x675xf32>
    %mul3A_900 = arith.mulf %add3A_894, %mul3A_899 : vector<128x675xf32>
    %erf3A_901 = math.erf %mul3A_900 : vector<128x675xf32>
    %add3A_902 = arith.constant 1.000000e+00 : f32
    %add3A_903 = vector.broadcast %add3A_902 : f32 to vector<128x675xf32>
    %add3A_904 = arith.addf %add3A_903, %erf3A_901 : vector<128x675xf32>
    %mul3A_905 = arith.mulf %mul3A_897, %add3A_904 : vector<128x675xf32>
    %reduce_sum3A_906 = arith.constant dense<0.000000e+00> : vector<128xf32>
    %reduce_sum3A_907 = vector.multi_reduction <add>, %mul3A_905, %reduce_sum3A_906 [1] : vector<128x675xf32> to vector<128xf32>
    %broadcast_in_dim3A_908 = vector.shape_cast %reduce_sum3A_907 : vector<128xf32> to vector<128x1xf32>
    %div3A_909 = arith.constant 6.750000e+02 : f32
    %div3A_910 = vector.broadcast %div3A_909 : f32 to vector<128x1xf32>
    %div3A_911 = arith.divf %broadcast_in_dim3A_908, %div3A_910 : vector<128x1xf32>
    %mul3A_912 = arith.mulf %mul3A_905, %mul3A_905 : vector<128x675xf32>
    %reduce_sum3A_913 = arith.constant dense<0.000000e+00> : vector<128xf32>
    %reduce_sum3A_914 = vector.multi_reduction <add>, %mul3A_912, %reduce_sum3A_913 [1] : vector<128x675xf32> to vector<128xf32>
    %broadcast_in_dim3A_915 = vector.shape_cast %reduce_sum3A_914 : vector<128xf32> to vector<128x1xf32>
    %div3A_916 = arith.constant 6.750000e+02 : f32
    %div3A_917 = vector.broadcast %div3A_916 : f32 to vector<128x1xf32>
    %div3A_918 = arith.divf %broadcast_in_dim3A_915, %div3A_917 : vector<128x1xf32>
    %mul3A_919 = arith.mulf %div3A_911, %div3A_911 : vector<128x1xf32>
    %sub3A_920 = arith.subf %div3A_918, %mul3A_919 : vector<128x1xf32>
    %add3A_921 = arith.constant 9.99999974E-6 : f32
    %add3A_922 = vector.broadcast %add3A_921 : f32 to vector<128x1xf32>
    %add3A_923 = arith.addf %sub3A_920, %add3A_922 : vector<128x1xf32>
    %rsqrt3A_924 = math.rsqrt %add3A_923 : vector<128x1xf32>
    %get3A_925 = arith.constant 0 : index
    %get3A_926 = arith.constant 15 : index
    %get3A_927 = memref.load %arg4[%get3A_925, %get3A_926] : memref<1x41xf32, #tpu.memory_space<smem>>
    %sub3A_928 = vector.broadcast %div3A_911 : vector<128x1xf32> to vector<128x675xf32>
    %sub3A_929 = arith.subf %mul3A_905, %sub3A_928 : vector<128x675xf32>
    %mul3A_930 = vector.broadcast %rsqrt3A_924 : vector<128x1xf32> to vector<128x675xf32>
    %mul3A_931 = arith.mulf %sub3A_929, %mul3A_930 : vector<128x675xf32>
    %mul3A_932 = vector.broadcast %get3A_927 : f32 to vector<128x675xf32>
    %mul3A_933 = arith.mulf %mul3A_932, %mul3A_931 : vector<128x675xf32>
    %add3A_934 = arith.addf %add3A_877, %mul3A_933 : vector<128x675xf32>
    %slice3A_935 = vector.extract_strided_slice %mul3A_23 {offsets = [0, 16], sizes = [128, 1], strides = [1, 1]} : vector<128x33xf32> to vector<128x1xf32>
    %get3A_936 = arith.constant 16 : index
    %get3A_937 = arith.constant 0 : index
    %get3A_938 = vector.load %arg5[%get3A_936, %get3A_937] : memref<33x675xf32, #tpu.memory_space<vmem>>, vector<1x675xf32>
    %mul3A_939 = vector.broadcast %slice3A_935 : vector<128x1xf32> to vector<128x675xf32>
    %mul3A_940 = vector.broadcast %get3A_938 : vector<1x675xf32> to vector<128x675xf32>
    %mul3A_941 = arith.mulf %mul3A_939, %mul3A_940 : vector<128x675xf32>
    %slice3A_942 = vector.extract_strided_slice %rsqrt3A {offsets = [0, 16], sizes = [128, 1], strides = [1, 1]} : vector<128x33xf32> to vector<128x1xf32>
    %get3A_943 = arith.constant 16 : index
    %get3A_944 = arith.constant 0 : index
    %get3A_945 = vector.load %arg6[%get3A_943, %get3A_944] : memref<33x675xf32, #tpu.memory_space<vmem>>, vector<1x675xf32>
    %mul3A_946 = vector.broadcast %slice3A_942 : vector<128x1xf32> to vector<128x675xf32>
    %mul3A_947 = vector.broadcast %get3A_945 : vector<1x675xf32> to vector<128x675xf32>
    %mul3A_948 = arith.mulf %mul3A_946, %mul3A_947 : vector<128x675xf32>
    %add3A_949 = arith.addf %mul3A_941, %mul3A_948 : vector<128x675xf32>
    %add3A_950 = vector.broadcast %get3A_26 : vector<1x675xf32> to vector<128x675xf32>
    %add3A_951 = arith.addf %add3A_949, %add3A_950 : vector<128x675xf32>
    %mul3A_952 = arith.constant 5.000000e-01 : f32
    %mul3A_953 = vector.broadcast %mul3A_952 : f32 to vector<128x675xf32>
    %mul3A_954 = arith.mulf %mul3A_953, %add3A_951 : vector<128x675xf32>
    %mul3A_955 = arith.constant 0.707106769 : f32
    %mul3A_956 = vector.broadcast %mul3A_955 : f32 to vector<128x675xf32>
    %mul3A_957 = arith.mulf %add3A_951, %mul3A_956 : vector<128x675xf32>
    %erf3A_958 = math.erf %mul3A_957 : vector<128x675xf32>
    %add3A_959 = arith.constant 1.000000e+00 : f32
    %add3A_960 = vector.broadcast %add3A_959 : f32 to vector<128x675xf32>
    %add3A_961 = arith.addf %add3A_960, %erf3A_958 : vector<128x675xf32>
    %mul3A_962 = arith.mulf %mul3A_954, %add3A_961 : vector<128x675xf32>
    %reduce_sum3A_963 = arith.constant dense<0.000000e+00> : vector<128xf32>
    %reduce_sum3A_964 = vector.multi_reduction <add>, %mul3A_962, %reduce_sum3A_963 [1] : vector<128x675xf32> to vector<128xf32>
    %broadcast_in_dim3A_965 = vector.shape_cast %reduce_sum3A_964 : vector<128xf32> to vector<128x1xf32>
    %div3A_966 = arith.constant 6.750000e+02 : f32
    %div3A_967 = vector.broadcast %div3A_966 : f32 to vector<128x1xf32>
    %div3A_968 = arith.divf %broadcast_in_dim3A_965, %div3A_967 : vector<128x1xf32>
    %mul3A_969 = arith.mulf %mul3A_962, %mul3A_962 : vector<128x675xf32>
    %reduce_sum3A_970 = arith.constant dense<0.000000e+00> : vector<128xf32>
    %reduce_sum3A_971 = vector.multi_reduction <add>, %mul3A_969, %reduce_sum3A_970 [1] : vector<128x675xf32> to vector<128xf32>
    %broadcast_in_dim3A_972 = vector.shape_cast %reduce_sum3A_971 : vector<128xf32> to vector<128x1xf32>
    %div3A_973 = arith.constant 6.750000e+02 : f32
    %div3A_974 = vector.broadcast %div3A_973 : f32 to vector<128x1xf32>
    %div3A_975 = arith.divf %broadcast_in_dim3A_972, %div3A_974 : vector<128x1xf32>
    %mul3A_976 = arith.mulf %div3A_968, %div3A_968 : vector<128x1xf32>
    %sub3A_977 = arith.subf %div3A_975, %mul3A_976 : vector<128x1xf32>
    %add3A_978 = arith.constant 9.99999974E-6 : f32
    %add3A_979 = vector.broadcast %add3A_978 : f32 to vector<128x1xf32>
    %add3A_980 = arith.addf %sub3A_977, %add3A_979 : vector<128x1xf32>
    %rsqrt3A_981 = math.rsqrt %add3A_980 : vector<128x1xf32>
    %get3A_982 = arith.constant 0 : index
    %get3A_983 = arith.constant 16 : index
    %get3A_984 = memref.load %arg4[%get3A_982, %get3A_983] : memref<1x41xf32, #tpu.memory_space<smem>>
    %sub3A_985 = vector.broadcast %div3A_968 : vector<128x1xf32> to vector<128x675xf32>
    %sub3A_986 = arith.subf %mul3A_962, %sub3A_985 : vector<128x675xf32>
    %mul3A_987 = vector.broadcast %rsqrt3A_981 : vector<128x1xf32> to vector<128x675xf32>
    %mul3A_988 = arith.mulf %sub3A_986, %mul3A_987 : vector<128x675xf32>
    %mul3A_989 = vector.broadcast %get3A_984 : f32 to vector<128x675xf32>
    %mul3A_990 = arith.mulf %mul3A_989, %mul3A_988 : vector<128x675xf32>
    %add3A_991 = arith.addf %add3A_934, %mul3A_990 : vector<128x675xf32>
    %slice3A_992 = vector.extract_strided_slice %mul3A_23 {offsets = [0, 17], sizes = [128, 1], strides = [1, 1]} : vector<128x33xf32> to vector<128x1xf32>
    %get3A_993 = arith.constant 17 : index
    %get3A_994 = arith.constant 0 : index
    %get3A_995 = vector.load %arg5[%get3A_993, %get3A_994] : memref<33x675xf32, #tpu.memory_space<vmem>>, vector<1x675xf32>
    %mul3A_996 = vector.broadcast %slice3A_992 : vector<128x1xf32> to vector<128x675xf32>
    %mul3A_997 = vector.broadcast %get3A_995 : vector<1x675xf32> to vector<128x675xf32>
    %mul3A_998 = arith.mulf %mul3A_996, %mul3A_997 : vector<128x675xf32>
    %slice3A_999 = vector.extract_strided_slice %rsqrt3A {offsets = [0, 17], sizes = [128, 1], strides = [1, 1]} : vector<128x33xf32> to vector<128x1xf32>
    %get3A_1000 = arith.constant 17 : index
    %get3A_1001 = arith.constant 0 : index
    %get3A_1002 = vector.load %arg6[%get3A_1000, %get3A_1001] : memref<33x675xf32, #tpu.memory_space<vmem>>, vector<1x675xf32>
    %mul3A_1003 = vector.broadcast %slice3A_999 : vector<128x1xf32> to vector<128x675xf32>
    %mul3A_1004 = vector.broadcast %get3A_1002 : vector<1x675xf32> to vector<128x675xf32>
    %mul3A_1005 = arith.mulf %mul3A_1003, %mul3A_1004 : vector<128x675xf32>
    %add3A_1006 = arith.addf %mul3A_998, %mul3A_1005 : vector<128x675xf32>
    %add3A_1007 = vector.broadcast %get3A_26 : vector<1x675xf32> to vector<128x675xf32>
    %add3A_1008 = arith.addf %add3A_1006, %add3A_1007 : vector<128x675xf32>
    %mul3A_1009 = arith.constant 5.000000e-01 : f32
    %mul3A_1010 = vector.broadcast %mul3A_1009 : f32 to vector<128x675xf32>
    %mul3A_1011 = arith.mulf %mul3A_1010, %add3A_1008 : vector<128x675xf32>
    %mul3A_1012 = arith.constant 0.707106769 : f32
    %mul3A_1013 = vector.broadcast %mul3A_1012 : f32 to vector<128x675xf32>
    %mul3A_1014 = arith.mulf %add3A_1008, %mul3A_1013 : vector<128x675xf32>
    %erf3A_1015 = math.erf %mul3A_1014 : vector<128x675xf32>
    %add3A_1016 = arith.constant 1.000000e+00 : f32
    %add3A_1017 = vector.broadcast %add3A_1016 : f32 to vector<128x675xf32>
    %add3A_1018 = arith.addf %add3A_1017, %erf3A_1015 : vector<128x675xf32>
    %mul3A_1019 = arith.mulf %mul3A_1011, %add3A_1018 : vector<128x675xf32>
    %reduce_sum3A_1020 = arith.constant dense<0.000000e+00> : vector<128xf32>
    %reduce_sum3A_1021 = vector.multi_reduction <add>, %mul3A_1019, %reduce_sum3A_1020 [1] : vector<128x675xf32> to vector<128xf32>
    %broadcast_in_dim3A_1022 = vector.shape_cast %reduce_sum3A_1021 : vector<128xf32> to vector<128x1xf32>
    %div3A_1023 = arith.constant 6.750000e+02 : f32
    %div3A_1024 = vector.broadcast %div3A_1023 : f32 to vector<128x1xf32>
    %div3A_1025 = arith.divf %broadcast_in_dim3A_1022, %div3A_1024 : vector<128x1xf32>
    %mul3A_1026 = arith.mulf %mul3A_1019, %mul3A_1019 : vector<128x675xf32>
    %reduce_sum3A_1027 = arith.constant dense<0.000000e+00> : vector<128xf32>
    %reduce_sum3A_1028 = vector.multi_reduction <add>, %mul3A_1026, %reduce_sum3A_1027 [1] : vector<128x675xf32> to vector<128xf32>
    %broadcast_in_dim3A_1029 = vector.shape_cast %reduce_sum3A_1028 : vector<128xf32> to vector<128x1xf32>
    %div3A_1030 = arith.constant 6.750000e+02 : f32
    %div3A_1031 = vector.broadcast %div3A_1030 : f32 to vector<128x1xf32>
    %div3A_1032 = arith.divf %broadcast_in_dim3A_1029, %div3A_1031 : vector<128x1xf32>
    %mul3A_1033 = arith.mulf %div3A_1025, %div3A_1025 : vector<128x1xf32>
    %sub3A_1034 = arith.subf %div3A_1032, %mul3A_1033 : vector<128x1xf32>
    %add3A_1035 = arith.constant 9.99999974E-6 : f32
    %add3A_1036 = vector.broadcast %add3A_1035 : f32 to vector<128x1xf32>
    %add3A_1037 = arith.addf %sub3A_1034, %add3A_1036 : vector<128x1xf32>
    %rsqrt3A_1038 = math.rsqrt %add3A_1037 : vector<128x1xf32>
    %get3A_1039 = arith.constant 0 : index
    %get3A_1040 = arith.constant 17 : index
    %get3A_1041 = memref.load %arg4[%get3A_1039, %get3A_1040] : memref<1x41xf32, #tpu.memory_space<smem>>
    %sub3A_1042 = vector.broadcast %div3A_1025 : vector<128x1xf32> to vector<128x675xf32>
    %sub3A_1043 = arith.subf %mul3A_1019, %sub3A_1042 : vector<128x675xf32>
    %mul3A_1044 = vector.broadcast %rsqrt3A_1038 : vector<128x1xf32> to vector<128x675xf32>
    %mul3A_1045 = arith.mulf %sub3A_1043, %mul3A_1044 : vector<128x675xf32>
    %mul3A_1046 = vector.broadcast %get3A_1041 : f32 to vector<128x675xf32>
    %mul3A_1047 = arith.mulf %mul3A_1046, %mul3A_1045 : vector<128x675xf32>
    %add3A_1048 = arith.addf %add3A_991, %mul3A_1047 : vector<128x675xf32>
    %slice3A_1049 = vector.extract_strided_slice %mul3A_23 {offsets = [0, 18], sizes = [128, 1], strides = [1, 1]} : vector<128x33xf32> to vector<128x1xf32>
    %get3A_1050 = arith.constant 18 : index
    %get3A_1051 = arith.constant 0 : index
    %get3A_1052 = vector.load %arg5[%get3A_1050, %get3A_1051] : memref<33x675xf32, #tpu.memory_space<vmem>>, vector<1x675xf32>
    %mul3A_1053 = vector.broadcast %slice3A_1049 : vector<128x1xf32> to vector<128x675xf32>
    %mul3A_1054 = vector.broadcast %get3A_1052 : vector<1x675xf32> to vector<128x675xf32>
    %mul3A_1055 = arith.mulf %mul3A_1053, %mul3A_1054 : vector<128x675xf32>
    %slice3A_1056 = vector.extract_strided_slice %rsqrt3A {offsets = [0, 18], sizes = [128, 1], strides = [1, 1]} : vector<128x33xf32> to vector<128x1xf32>
    %get3A_1057 = arith.constant 18 : index
    %get3A_1058 = arith.constant 0 : index
    %get3A_1059 = vector.load %arg6[%get3A_1057, %get3A_1058] : memref<33x675xf32, #tpu.memory_space<vmem>>, vector<1x675xf32>
    %mul3A_1060 = vector.broadcast %slice3A_1056 : vector<128x1xf32> to vector<128x675xf32>
    %mul3A_1061 = vector.broadcast %get3A_1059 : vector<1x675xf32> to vector<128x675xf32>
    %mul3A_1062 = arith.mulf %mul3A_1060, %mul3A_1061 : vector<128x675xf32>
    %add3A_1063 = arith.addf %mul3A_1055, %mul3A_1062 : vector<128x675xf32>
    %add3A_1064 = vector.broadcast %get3A_26 : vector<1x675xf32> to vector<128x675xf32>
    %add3A_1065 = arith.addf %add3A_1063, %add3A_1064 : vector<128x675xf32>
    %mul3A_1066 = arith.constant 5.000000e-01 : f32
    %mul3A_1067 = vector.broadcast %mul3A_1066 : f32 to vector<128x675xf32>
    %mul3A_1068 = arith.mulf %mul3A_1067, %add3A_1065 : vector<128x675xf32>
    %mul3A_1069 = arith.constant 0.707106769 : f32
    %mul3A_1070 = vector.broadcast %mul3A_1069 : f32 to vector<128x675xf32>
    %mul3A_1071 = arith.mulf %add3A_1065, %mul3A_1070 : vector<128x675xf32>
    %erf3A_1072 = math.erf %mul3A_1071 : vector<128x675xf32>
    %add3A_1073 = arith.constant 1.000000e+00 : f32
    %add3A_1074 = vector.broadcast %add3A_1073 : f32 to vector<128x675xf32>
    %add3A_1075 = arith.addf %add3A_1074, %erf3A_1072 : vector<128x675xf32>
    %mul3A_1076 = arith.mulf %mul3A_1068, %add3A_1075 : vector<128x675xf32>
    %reduce_sum3A_1077 = arith.constant dense<0.000000e+00> : vector<128xf32>
    %reduce_sum3A_1078 = vector.multi_reduction <add>, %mul3A_1076, %reduce_sum3A_1077 [1] : vector<128x675xf32> to vector<128xf32>
    %broadcast_in_dim3A_1079 = vector.shape_cast %reduce_sum3A_1078 : vector<128xf32> to vector<128x1xf32>
    %div3A_1080 = arith.constant 6.750000e+02 : f32
    %div3A_1081 = vector.broadcast %div3A_1080 : f32 to vector<128x1xf32>
    %div3A_1082 = arith.divf %broadcast_in_dim3A_1079, %div3A_1081 : vector<128x1xf32>
    %mul3A_1083 = arith.mulf %mul3A_1076, %mul3A_1076 : vector<128x675xf32>
    %reduce_sum3A_1084 = arith.constant dense<0.000000e+00> : vector<128xf32>
    %reduce_sum3A_1085 = vector.multi_reduction <add>, %mul3A_1083, %reduce_sum3A_1084 [1] : vector<128x675xf32> to vector<128xf32>
    %broadcast_in_dim3A_1086 = vector.shape_cast %reduce_sum3A_1085 : vector<128xf32> to vector<128x1xf32>
    %div3A_1087 = arith.constant 6.750000e+02 : f32
    %div3A_1088 = vector.broadcast %div3A_1087 : f32 to vector<128x1xf32>
    %div3A_1089 = arith.divf %broadcast_in_dim3A_1086, %div3A_1088 : vector<128x1xf32>
    %mul3A_1090 = arith.mulf %div3A_1082, %div3A_1082 : vector<128x1xf32>
    %sub3A_1091 = arith.subf %div3A_1089, %mul3A_1090 : vector<128x1xf32>
    %add3A_1092 = arith.constant 9.99999974E-6 : f32
    %add3A_1093 = vector.broadcast %add3A_1092 : f32 to vector<128x1xf32>
    %add3A_1094 = arith.addf %sub3A_1091, %add3A_1093 : vector<128x1xf32>
    %rsqrt3A_1095 = math.rsqrt %add3A_1094 : vector<128x1xf32>
    %get3A_1096 = arith.constant 0 : index
    %get3A_1097 = arith.constant 18 : index
    %get3A_1098 = memref.load %arg4[%get3A_1096, %get3A_1097] : memref<1x41xf32, #tpu.memory_space<smem>>
    %sub3A_1099 = vector.broadcast %div3A_1082 : vector<128x1xf32> to vector<128x675xf32>
    %sub3A_1100 = arith.subf %mul3A_1076, %sub3A_1099 : vector<128x675xf32>
    %mul3A_1101 = vector.broadcast %rsqrt3A_1095 : vector<128x1xf32> to vector<128x675xf32>
    %mul3A_1102 = arith.mulf %sub3A_1100, %mul3A_1101 : vector<128x675xf32>
    %mul3A_1103 = vector.broadcast %get3A_1098 : f32 to vector<128x675xf32>
    %mul3A_1104 = arith.mulf %mul3A_1103, %mul3A_1102 : vector<128x675xf32>
    %add3A_1105 = arith.addf %add3A_1048, %mul3A_1104 : vector<128x675xf32>
    %slice3A_1106 = vector.extract_strided_slice %mul3A_23 {offsets = [0, 19], sizes = [128, 1], strides = [1, 1]} : vector<128x33xf32> to vector<128x1xf32>
    %get3A_1107 = arith.constant 19 : index
    %get3A_1108 = arith.constant 0 : index
    %get3A_1109 = vector.load %arg5[%get3A_1107, %get3A_1108] : memref<33x675xf32, #tpu.memory_space<vmem>>, vector<1x675xf32>
    %mul3A_1110 = vector.broadcast %slice3A_1106 : vector<128x1xf32> to vector<128x675xf32>
    %mul3A_1111 = vector.broadcast %get3A_1109 : vector<1x675xf32> to vector<128x675xf32>
    %mul3A_1112 = arith.mulf %mul3A_1110, %mul3A_1111 : vector<128x675xf32>
    %slice3A_1113 = vector.extract_strided_slice %rsqrt3A {offsets = [0, 19], sizes = [128, 1], strides = [1, 1]} : vector<128x33xf32> to vector<128x1xf32>
    %get3A_1114 = arith.constant 19 : index
    %get3A_1115 = arith.constant 0 : index
    %get3A_1116 = vector.load %arg6[%get3A_1114, %get3A_1115] : memref<33x675xf32, #tpu.memory_space<vmem>>, vector<1x675xf32>
    %mul3A_1117 = vector.broadcast %slice3A_1113 : vector<128x1xf32> to vector<128x675xf32>
    %mul3A_1118 = vector.broadcast %get3A_1116 : vector<1x675xf32> to vector<128x675xf32>
    %mul3A_1119 = arith.mulf %mul3A_1117, %mul3A_1118 : vector<128x675xf32>
    %add3A_1120 = arith.addf %mul3A_1112, %mul3A_1119 : vector<128x675xf32>
    %add3A_1121 = vector.broadcast %get3A_26 : vector<1x675xf32> to vector<128x675xf32>
    %add3A_1122 = arith.addf %add3A_1120, %add3A_1121 : vector<128x675xf32>
    %mul3A_1123 = arith.constant 5.000000e-01 : f32
    %mul3A_1124 = vector.broadcast %mul3A_1123 : f32 to vector<128x675xf32>
    %mul3A_1125 = arith.mulf %mul3A_1124, %add3A_1122 : vector<128x675xf32>
    %mul3A_1126 = arith.constant 0.707106769 : f32
    %mul3A_1127 = vector.broadcast %mul3A_1126 : f32 to vector<128x675xf32>
    %mul3A_1128 = arith.mulf %add3A_1122, %mul3A_1127 : vector<128x675xf32>
    %erf3A_1129 = math.erf %mul3A_1128 : vector<128x675xf32>
    %add3A_1130 = arith.constant 1.000000e+00 : f32
    %add3A_1131 = vector.broadcast %add3A_1130 : f32 to vector<128x675xf32>
    %add3A_1132 = arith.addf %add3A_1131, %erf3A_1129 : vector<128x675xf32>
    %mul3A_1133 = arith.mulf %mul3A_1125, %add3A_1132 : vector<128x675xf32>
    %reduce_sum3A_1134 = arith.constant dense<0.000000e+00> : vector<128xf32>
    %reduce_sum3A_1135 = vector.multi_reduction <add>, %mul3A_1133, %reduce_sum3A_1134 [1] : vector<128x675xf32> to vector<128xf32>
    %broadcast_in_dim3A_1136 = vector.shape_cast %reduce_sum3A_1135 : vector<128xf32> to vector<128x1xf32>
    %div3A_1137 = arith.constant 6.750000e+02 : f32
    %div3A_1138 = vector.broadcast %div3A_1137 : f32 to vector<128x1xf32>
    %div3A_1139 = arith.divf %broadcast_in_dim3A_1136, %div3A_1138 : vector<128x1xf32>
    %mul3A_1140 = arith.mulf %mul3A_1133, %mul3A_1133 : vector<128x675xf32>
    %reduce_sum3A_1141 = arith.constant dense<0.000000e+00> : vector<128xf32>
    %reduce_sum3A_1142 = vector.multi_reduction <add>, %mul3A_1140, %reduce_sum3A_1141 [1] : vector<128x675xf32> to vector<128xf32>
    %broadcast_in_dim3A_1143 = vector.shape_cast %reduce_sum3A_1142 : vector<128xf32> to vector<128x1xf32>
    %div3A_1144 = arith.constant 6.750000e+02 : f32
    %div3A_1145 = vector.broadcast %div3A_1144 : f32 to vector<128x1xf32>
    %div3A_1146 = arith.divf %broadcast_in_dim3A_1143, %div3A_1145 : vector<128x1xf32>
    %mul3A_1147 = arith.mulf %div3A_1139, %div3A_1139 : vector<128x1xf32>
    %sub3A_1148 = arith.subf %div3A_1146, %mul3A_1147 : vector<128x1xf32>
    %add3A_1149 = arith.constant 9.99999974E-6 : f32
    %add3A_1150 = vector.broadcast %add3A_1149 : f32 to vector<128x1xf32>
    %add3A_1151 = arith.addf %sub3A_1148, %add3A_1150 : vector<128x1xf32>
    %rsqrt3A_1152 = math.rsqrt %add3A_1151 : vector<128x1xf32>
    %get3A_1153 = arith.constant 0 : index
    %get3A_1154 = arith.constant 19 : index
    %get3A_1155 = memref.load %arg4[%get3A_1153, %get3A_1154] : memref<1x41xf32, #tpu.memory_space<smem>>
    %sub3A_1156 = vector.broadcast %div3A_1139 : vector<128x1xf32> to vector<128x675xf32>
    %sub3A_1157 = arith.subf %mul3A_1133, %sub3A_1156 : vector<128x675xf32>
    %mul3A_1158 = vector.broadcast %rsqrt3A_1152 : vector<128x1xf32> to vector<128x675xf32>
    %mul3A_1159 = arith.mulf %sub3A_1157, %mul3A_1158 : vector<128x675xf32>
    %mul3A_1160 = vector.broadcast %get3A_1155 : f32 to vector<128x675xf32>
    %mul3A_1161 = arith.mulf %mul3A_1160, %mul3A_1159 : vector<128x675xf32>
    %add3A_1162 = arith.addf %add3A_1105, %mul3A_1161 : vector<128x675xf32>
    %slice3A_1163 = vector.extract_strided_slice %mul3A_23 {offsets = [0, 20], sizes = [128, 1], strides = [1, 1]} : vector<128x33xf32> to vector<128x1xf32>
    %get3A_1164 = arith.constant 20 : index
    %get3A_1165 = arith.constant 0 : index
    %get3A_1166 = vector.load %arg5[%get3A_1164, %get3A_1165] : memref<33x675xf32, #tpu.memory_space<vmem>>, vector<1x675xf32>
    %mul3A_1167 = vector.broadcast %slice3A_1163 : vector<128x1xf32> to vector<128x675xf32>
    %mul3A_1168 = vector.broadcast %get3A_1166 : vector<1x675xf32> to vector<128x675xf32>
    %mul3A_1169 = arith.mulf %mul3A_1167, %mul3A_1168 : vector<128x675xf32>
    %slice3A_1170 = vector.extract_strided_slice %rsqrt3A {offsets = [0, 20], sizes = [128, 1], strides = [1, 1]} : vector<128x33xf32> to vector<128x1xf32>
    %get3A_1171 = arith.constant 20 : index
    %get3A_1172 = arith.constant 0 : index
    %get3A_1173 = vector.load %arg6[%get3A_1171, %get3A_1172] : memref<33x675xf32, #tpu.memory_space<vmem>>, vector<1x675xf32>
    %mul3A_1174 = vector.broadcast %slice3A_1170 : vector<128x1xf32> to vector<128x675xf32>
    %mul3A_1175 = vector.broadcast %get3A_1173 : vector<1x675xf32> to vector<128x675xf32>
    %mul3A_1176 = arith.mulf %mul3A_1174, %mul3A_1175 : vector<128x675xf32>
    %add3A_1177 = arith.addf %mul3A_1169, %mul3A_1176 : vector<128x675xf32>
    %add3A_1178 = vector.broadcast %get3A_26 : vector<1x675xf32> to vector<128x675xf32>
    %add3A_1179 = arith.addf %add3A_1177, %add3A_1178 : vector<128x675xf32>
    %mul3A_1180 = arith.constant 5.000000e-01 : f32
    %mul3A_1181 = vector.broadcast %mul3A_1180 : f32 to vector<128x675xf32>
    %mul3A_1182 = arith.mulf %mul3A_1181, %add3A_1179 : vector<128x675xf32>
    %mul3A_1183 = arith.constant 0.707106769 : f32
    %mul3A_1184 = vector.broadcast %mul3A_1183 : f32 to vector<128x675xf32>
    %mul3A_1185 = arith.mulf %add3A_1179, %mul3A_1184 : vector<128x675xf32>
    %erf3A_1186 = math.erf %mul3A_1185 : vector<128x675xf32>
    %add3A_1187 = arith.constant 1.000000e+00 : f32
    %add3A_1188 = vector.broadcast %add3A_1187 : f32 to vector<128x675xf32>
    %add3A_1189 = arith.addf %add3A_1188, %erf3A_1186 : vector<128x675xf32>
    %mul3A_1190 = arith.mulf %mul3A_1182, %add3A_1189 : vector<128x675xf32>
    %reduce_sum3A_1191 = arith.constant dense<0.000000e+00> : vector<128xf32>
    %reduce_sum3A_1192 = vector.multi_reduction <add>, %mul3A_1190, %reduce_sum3A_1191 [1] : vector<128x675xf32> to vector<128xf32>
    %broadcast_in_dim3A_1193 = vector.shape_cast %reduce_sum3A_1192 : vector<128xf32> to vector<128x1xf32>
    %div3A_1194 = arith.constant 6.750000e+02 : f32
    %div3A_1195 = vector.broadcast %div3A_1194 : f32 to vector<128x1xf32>
    %div3A_1196 = arith.divf %broadcast_in_dim3A_1193, %div3A_1195 : vector<128x1xf32>
    %mul3A_1197 = arith.mulf %mul3A_1190, %mul3A_1190 : vector<128x675xf32>
    %reduce_sum3A_1198 = arith.constant dense<0.000000e+00> : vector<128xf32>
    %reduce_sum3A_1199 = vector.multi_reduction <add>, %mul3A_1197, %reduce_sum3A_1198 [1] : vector<128x675xf32> to vector<128xf32>
    %broadcast_in_dim3A_1200 = vector.shape_cast %reduce_sum3A_1199 : vector<128xf32> to vector<128x1xf32>
    %div3A_1201 = arith.constant 6.750000e+02 : f32
    %div3A_1202 = vector.broadcast %div3A_1201 : f32 to vector<128x1xf32>
    %div3A_1203 = arith.divf %broadcast_in_dim3A_1200, %div3A_1202 : vector<128x1xf32>
    %mul3A_1204 = arith.mulf %div3A_1196, %div3A_1196 : vector<128x1xf32>
    %sub3A_1205 = arith.subf %div3A_1203, %mul3A_1204 : vector<128x1xf32>
    %add3A_1206 = arith.constant 9.99999974E-6 : f32
    %add3A_1207 = vector.broadcast %add3A_1206 : f32 to vector<128x1xf32>
    %add3A_1208 = arith.addf %sub3A_1205, %add3A_1207 : vector<128x1xf32>
    %rsqrt3A_1209 = math.rsqrt %add3A_1208 : vector<128x1xf32>
    %get3A_1210 = arith.constant 0 : index
    %get3A_1211 = arith.constant 20 : index
    %get3A_1212 = memref.load %arg4[%get3A_1210, %get3A_1211] : memref<1x41xf32, #tpu.memory_space<smem>>
    %sub3A_1213 = vector.broadcast %div3A_1196 : vector<128x1xf32> to vector<128x675xf32>
    %sub3A_1214 = arith.subf %mul3A_1190, %sub3A_1213 : vector<128x675xf32>
    %mul3A_1215 = vector.broadcast %rsqrt3A_1209 : vector<128x1xf32> to vector<128x675xf32>
    %mul3A_1216 = arith.mulf %sub3A_1214, %mul3A_1215 : vector<128x675xf32>
    %mul3A_1217 = vector.broadcast %get3A_1212 : f32 to vector<128x675xf32>
    %mul3A_1218 = arith.mulf %mul3A_1217, %mul3A_1216 : vector<128x675xf32>
    %add3A_1219 = arith.addf %add3A_1162, %mul3A_1218 : vector<128x675xf32>
    %slice3A_1220 = vector.extract_strided_slice %mul3A_23 {offsets = [0, 21], sizes = [128, 1], strides = [1, 1]} : vector<128x33xf32> to vector<128x1xf32>
    %get3A_1221 = arith.constant 21 : index
    %get3A_1222 = arith.constant 0 : index
    %get3A_1223 = vector.load %arg5[%get3A_1221, %get3A_1222] : memref<33x675xf32, #tpu.memory_space<vmem>>, vector<1x675xf32>
    %mul3A_1224 = vector.broadcast %slice3A_1220 : vector<128x1xf32> to vector<128x675xf32>
    %mul3A_1225 = vector.broadcast %get3A_1223 : vector<1x675xf32> to vector<128x675xf32>
    %mul3A_1226 = arith.mulf %mul3A_1224, %mul3A_1225 : vector<128x675xf32>
    %slice3A_1227 = vector.extract_strided_slice %rsqrt3A {offsets = [0, 21], sizes = [128, 1], strides = [1, 1]} : vector<128x33xf32> to vector<128x1xf32>
    %get3A_1228 = arith.constant 21 : index
    %get3A_1229 = arith.constant 0 : index
    %get3A_1230 = vector.load %arg6[%get3A_1228, %get3A_1229] : memref<33x675xf32, #tpu.memory_space<vmem>>, vector<1x675xf32>
    %mul3A_1231 = vector.broadcast %slice3A_1227 : vector<128x1xf32> to vector<128x675xf32>
    %mul3A_1232 = vector.broadcast %get3A_1230 : vector<1x675xf32> to vector<128x675xf32>
    %mul3A_1233 = arith.mulf %mul3A_1231, %mul3A_1232 : vector<128x675xf32>
    %add3A_1234 = arith.addf %mul3A_1226, %mul3A_1233 : vector<128x675xf32>
    %add3A_1235 = vector.broadcast %get3A_26 : vector<1x675xf32> to vector<128x675xf32>
    %add3A_1236 = arith.addf %add3A_1234, %add3A_1235 : vector<128x675xf32>
    %mul3A_1237 = arith.constant 5.000000e-01 : f32
    %mul3A_1238 = vector.broadcast %mul3A_1237 : f32 to vector<128x675xf32>
    %mul3A_1239 = arith.mulf %mul3A_1238, %add3A_1236 : vector<128x675xf32>
    %mul3A_1240 = arith.constant 0.707106769 : f32
    %mul3A_1241 = vector.broadcast %mul3A_1240 : f32 to vector<128x675xf32>
    %mul3A_1242 = arith.mulf %add3A_1236, %mul3A_1241 : vector<128x675xf32>
    %erf3A_1243 = math.erf %mul3A_1242 : vector<128x675xf32>
    %add3A_1244 = arith.constant 1.000000e+00 : f32
    %add3A_1245 = vector.broadcast %add3A_1244 : f32 to vector<128x675xf32>
    %add3A_1246 = arith.addf %add3A_1245, %erf3A_1243 : vector<128x675xf32>
    %mul3A_1247 = arith.mulf %mul3A_1239, %add3A_1246 : vector<128x675xf32>
    %reduce_sum3A_1248 = arith.constant dense<0.000000e+00> : vector<128xf32>
    %reduce_sum3A_1249 = vector.multi_reduction <add>, %mul3A_1247, %reduce_sum3A_1248 [1] : vector<128x675xf32> to vector<128xf32>
    %broadcast_in_dim3A_1250 = vector.shape_cast %reduce_sum3A_1249 : vector<128xf32> to vector<128x1xf32>
    %div3A_1251 = arith.constant 6.750000e+02 : f32
    %div3A_1252 = vector.broadcast %div3A_1251 : f32 to vector<128x1xf32>
    %div3A_1253 = arith.divf %broadcast_in_dim3A_1250, %div3A_1252 : vector<128x1xf32>
    %mul3A_1254 = arith.mulf %mul3A_1247, %mul3A_1247 : vector<128x675xf32>
    %reduce_sum3A_1255 = arith.constant dense<0.000000e+00> : vector<128xf32>
    %reduce_sum3A_1256 = vector.multi_reduction <add>, %mul3A_1254, %reduce_sum3A_1255 [1] : vector<128x675xf32> to vector<128xf32>
    %broadcast_in_dim3A_1257 = vector.shape_cast %reduce_sum3A_1256 : vector<128xf32> to vector<128x1xf32>
    %div3A_1258 = arith.constant 6.750000e+02 : f32
    %div3A_1259 = vector.broadcast %div3A_1258 : f32 to vector<128x1xf32>
    %div3A_1260 = arith.divf %broadcast_in_dim3A_1257, %div3A_1259 : vector<128x1xf32>
    %mul3A_1261 = arith.mulf %div3A_1253, %div3A_1253 : vector<128x1xf32>
    %sub3A_1262 = arith.subf %div3A_1260, %mul3A_1261 : vector<128x1xf32>
    %add3A_1263 = arith.constant 9.99999974E-6 : f32
    %add3A_1264 = vector.broadcast %add3A_1263 : f32 to vector<128x1xf32>
    %add3A_1265 = arith.addf %sub3A_1262, %add3A_1264 : vector<128x1xf32>
    %rsqrt3A_1266 = math.rsqrt %add3A_1265 : vector<128x1xf32>
    %get3A_1267 = arith.constant 0 : index
    %get3A_1268 = arith.constant 21 : index
    %get3A_1269 = memref.load %arg4[%get3A_1267, %get3A_1268] : memref<1x41xf32, #tpu.memory_space<smem>>
    %sub3A_1270 = vector.broadcast %div3A_1253 : vector<128x1xf32> to vector<128x675xf32>
    %sub3A_1271 = arith.subf %mul3A_1247, %sub3A_1270 : vector<128x675xf32>
    %mul3A_1272 = vector.broadcast %rsqrt3A_1266 : vector<128x1xf32> to vector<128x675xf32>
    %mul3A_1273 = arith.mulf %sub3A_1271, %mul3A_1272 : vector<128x675xf32>
    %mul3A_1274 = vector.broadcast %get3A_1269 : f32 to vector<128x675xf32>
    %mul3A_1275 = arith.mulf %mul3A_1274, %mul3A_1273 : vector<128x675xf32>
    %add3A_1276 = arith.addf %add3A_1219, %mul3A_1275 : vector<128x675xf32>
    %slice3A_1277 = vector.extract_strided_slice %mul3A_23 {offsets = [0, 22], sizes = [128, 1], strides = [1, 1]} : vector<128x33xf32> to vector<128x1xf32>
    %get3A_1278 = arith.constant 22 : index
    %get3A_1279 = arith.constant 0 : index
    %get3A_1280 = vector.load %arg5[%get3A_1278, %get3A_1279] : memref<33x675xf32, #tpu.memory_space<vmem>>, vector<1x675xf32>
    %mul3A_1281 = vector.broadcast %slice3A_1277 : vector<128x1xf32> to vector<128x675xf32>
    %mul3A_1282 = vector.broadcast %get3A_1280 : vector<1x675xf32> to vector<128x675xf32>
    %mul3A_1283 = arith.mulf %mul3A_1281, %mul3A_1282 : vector<128x675xf32>
    %slice3A_1284 = vector.extract_strided_slice %rsqrt3A {offsets = [0, 22], sizes = [128, 1], strides = [1, 1]} : vector<128x33xf32> to vector<128x1xf32>
    %get3A_1285 = arith.constant 22 : index
    %get3A_1286 = arith.constant 0 : index
    %get3A_1287 = vector.load %arg6[%get3A_1285, %get3A_1286] : memref<33x675xf32, #tpu.memory_space<vmem>>, vector<1x675xf32>
    %mul3A_1288 = vector.broadcast %slice3A_1284 : vector<128x1xf32> to vector<128x675xf32>
    %mul3A_1289 = vector.broadcast %get3A_1287 : vector<1x675xf32> to vector<128x675xf32>
    %mul3A_1290 = arith.mulf %mul3A_1288, %mul3A_1289 : vector<128x675xf32>
    %add3A_1291 = arith.addf %mul3A_1283, %mul3A_1290 : vector<128x675xf32>
    %add3A_1292 = vector.broadcast %get3A_26 : vector<1x675xf32> to vector<128x675xf32>
    %add3A_1293 = arith.addf %add3A_1291, %add3A_1292 : vector<128x675xf32>
    %mul3A_1294 = arith.constant 5.000000e-01 : f32
    %mul3A_1295 = vector.broadcast %mul3A_1294 : f32 to vector<128x675xf32>
    %mul3A_1296 = arith.mulf %mul3A_1295, %add3A_1293 : vector<128x675xf32>
    %mul3A_1297 = arith.constant 0.707106769 : f32
    %mul3A_1298 = vector.broadcast %mul3A_1297 : f32 to vector<128x675xf32>
    %mul3A_1299 = arith.mulf %add3A_1293, %mul3A_1298 : vector<128x675xf32>
    %erf3A_1300 = math.erf %mul3A_1299 : vector<128x675xf32>
    %add3A_1301 = arith.constant 1.000000e+00 : f32
    %add3A_1302 = vector.broadcast %add3A_1301 : f32 to vector<128x675xf32>
    %add3A_1303 = arith.addf %add3A_1302, %erf3A_1300 : vector<128x675xf32>
    %mul3A_1304 = arith.mulf %mul3A_1296, %add3A_1303 : vector<128x675xf32>
    %reduce_sum3A_1305 = arith.constant dense<0.000000e+00> : vector<128xf32>
    %reduce_sum3A_1306 = vector.multi_reduction <add>, %mul3A_1304, %reduce_sum3A_1305 [1] : vector<128x675xf32> to vector<128xf32>
    %broadcast_in_dim3A_1307 = vector.shape_cast %reduce_sum3A_1306 : vector<128xf32> to vector<128x1xf32>
    %div3A_1308 = arith.constant 6.750000e+02 : f32
    %div3A_1309 = vector.broadcast %div3A_1308 : f32 to vector<128x1xf32>
    %div3A_1310 = arith.divf %broadcast_in_dim3A_1307, %div3A_1309 : vector<128x1xf32>
    %mul3A_1311 = arith.mulf %mul3A_1304, %mul3A_1304 : vector<128x675xf32>
    %reduce_sum3A_1312 = arith.constant dense<0.000000e+00> : vector<128xf32>
    %reduce_sum3A_1313 = vector.multi_reduction <add>, %mul3A_1311, %reduce_sum3A_1312 [1] : vector<128x675xf32> to vector<128xf32>
    %broadcast_in_dim3A_1314 = vector.shape_cast %reduce_sum3A_1313 : vector<128xf32> to vector<128x1xf32>
    %div3A_1315 = arith.constant 6.750000e+02 : f32
    %div3A_1316 = vector.broadcast %div3A_1315 : f32 to vector<128x1xf32>
    %div3A_1317 = arith.divf %broadcast_in_dim3A_1314, %div3A_1316 : vector<128x1xf32>
    %mul3A_1318 = arith.mulf %div3A_1310, %div3A_1310 : vector<128x1xf32>
    %sub3A_1319 = arith.subf %div3A_1317, %mul3A_1318 : vector<128x1xf32>
    %add3A_1320 = arith.constant 9.99999974E-6 : f32
    %add3A_1321 = vector.broadcast %add3A_1320 : f32 to vector<128x1xf32>
    %add3A_1322 = arith.addf %sub3A_1319, %add3A_1321 : vector<128x1xf32>
    %rsqrt3A_1323 = math.rsqrt %add3A_1322 : vector<128x1xf32>
    %get3A_1324 = arith.constant 0 : index
    %get3A_1325 = arith.constant 22 : index
    %get3A_1326 = memref.load %arg4[%get3A_1324, %get3A_1325] : memref<1x41xf32, #tpu.memory_space<smem>>
    %sub3A_1327 = vector.broadcast %div3A_1310 : vector<128x1xf32> to vector<128x675xf32>
    %sub3A_1328 = arith.subf %mul3A_1304, %sub3A_1327 : vector<128x675xf32>
    %mul3A_1329 = vector.broadcast %rsqrt3A_1323 : vector<128x1xf32> to vector<128x675xf32>
    %mul3A_1330 = arith.mulf %sub3A_1328, %mul3A_1329 : vector<128x675xf32>
    %mul3A_1331 = vector.broadcast %get3A_1326 : f32 to vector<128x675xf32>
    %mul3A_1332 = arith.mulf %mul3A_1331, %mul3A_1330 : vector<128x675xf32>
    %add3A_1333 = arith.addf %add3A_1276, %mul3A_1332 : vector<128x675xf32>
    %slice3A_1334 = vector.extract_strided_slice %mul3A_23 {offsets = [0, 23], sizes = [128, 1], strides = [1, 1]} : vector<128x33xf32> to vector<128x1xf32>
    %get3A_1335 = arith.constant 23 : index
    %get3A_1336 = arith.constant 0 : index
    %get3A_1337 = vector.load %arg5[%get3A_1335, %get3A_1336] : memref<33x675xf32, #tpu.memory_space<vmem>>, vector<1x675xf32>
    %mul3A_1338 = vector.broadcast %slice3A_1334 : vector<128x1xf32> to vector<128x675xf32>
    %mul3A_1339 = vector.broadcast %get3A_1337 : vector<1x675xf32> to vector<128x675xf32>
    %mul3A_1340 = arith.mulf %mul3A_1338, %mul3A_1339 : vector<128x675xf32>
    %slice3A_1341 = vector.extract_strided_slice %rsqrt3A {offsets = [0, 23], sizes = [128, 1], strides = [1, 1]} : vector<128x33xf32> to vector<128x1xf32>
    %get3A_1342 = arith.constant 23 : index
    %get3A_1343 = arith.constant 0 : index
    %get3A_1344 = vector.load %arg6[%get3A_1342, %get3A_1343] : memref<33x675xf32, #tpu.memory_space<vmem>>, vector<1x675xf32>
    %mul3A_1345 = vector.broadcast %slice3A_1341 : vector<128x1xf32> to vector<128x675xf32>
    %mul3A_1346 = vector.broadcast %get3A_1344 : vector<1x675xf32> to vector<128x675xf32>
    %mul3A_1347 = arith.mulf %mul3A_1345, %mul3A_1346 : vector<128x675xf32>
    %add3A_1348 = arith.addf %mul3A_1340, %mul3A_1347 : vector<128x675xf32>
    %add3A_1349 = vector.broadcast %get3A_26 : vector<1x675xf32> to vector<128x675xf32>
    %add3A_1350 = arith.addf %add3A_1348, %add3A_1349 : vector<128x675xf32>
    %mul3A_1351 = arith.constant 5.000000e-01 : f32
    %mul3A_1352 = vector.broadcast %mul3A_1351 : f32 to vector<128x675xf32>
    %mul3A_1353 = arith.mulf %mul3A_1352, %add3A_1350 : vector<128x675xf32>
    %mul3A_1354 = arith.constant 0.707106769 : f32
    %mul3A_1355 = vector.broadcast %mul3A_1354 : f32 to vector<128x675xf32>
    %mul3A_1356 = arith.mulf %add3A_1350, %mul3A_1355 : vector<128x675xf32>
    %erf3A_1357 = math.erf %mul3A_1356 : vector<128x675xf32>
    %add3A_1358 = arith.constant 1.000000e+00 : f32
    %add3A_1359 = vector.broadcast %add3A_1358 : f32 to vector<128x675xf32>
    %add3A_1360 = arith.addf %add3A_1359, %erf3A_1357 : vector<128x675xf32>
    %mul3A_1361 = arith.mulf %mul3A_1353, %add3A_1360 : vector<128x675xf32>
    %reduce_sum3A_1362 = arith.constant dense<0.000000e+00> : vector<128xf32>
    %reduce_sum3A_1363 = vector.multi_reduction <add>, %mul3A_1361, %reduce_sum3A_1362 [1] : vector<128x675xf32> to vector<128xf32>
    %broadcast_in_dim3A_1364 = vector.shape_cast %reduce_sum3A_1363 : vector<128xf32> to vector<128x1xf32>
    %div3A_1365 = arith.constant 6.750000e+02 : f32
    %div3A_1366 = vector.broadcast %div3A_1365 : f32 to vector<128x1xf32>
    %div3A_1367 = arith.divf %broadcast_in_dim3A_1364, %div3A_1366 : vector<128x1xf32>
    %mul3A_1368 = arith.mulf %mul3A_1361, %mul3A_1361 : vector<128x675xf32>
    %reduce_sum3A_1369 = arith.constant dense<0.000000e+00> : vector<128xf32>
    %reduce_sum3A_1370 = vector.multi_reduction <add>, %mul3A_1368, %reduce_sum3A_1369 [1] : vector<128x675xf32> to vector<128xf32>
    %broadcast_in_dim3A_1371 = vector.shape_cast %reduce_sum3A_1370 : vector<128xf32> to vector<128x1xf32>
    %div3A_1372 = arith.constant 6.750000e+02 : f32
    %div3A_1373 = vector.broadcast %div3A_1372 : f32 to vector<128x1xf32>
    %div3A_1374 = arith.divf %broadcast_in_dim3A_1371, %div3A_1373 : vector<128x1xf32>
    %mul3A_1375 = arith.mulf %div3A_1367, %div3A_1367 : vector<128x1xf32>
    %sub3A_1376 = arith.subf %div3A_1374, %mul3A_1375 : vector<128x1xf32>
    %add3A_1377 = arith.constant 9.99999974E-6 : f32
    %add3A_1378 = vector.broadcast %add3A_1377 : f32 to vector<128x1xf32>
    %add3A_1379 = arith.addf %sub3A_1376, %add3A_1378 : vector<128x1xf32>
    %rsqrt3A_1380 = math.rsqrt %add3A_1379 : vector<128x1xf32>
    %get3A_1381 = arith.constant 0 : index
    %get3A_1382 = arith.constant 23 : index
    %get3A_1383 = memref.load %arg4[%get3A_1381, %get3A_1382] : memref<1x41xf32, #tpu.memory_space<smem>>
    %sub3A_1384 = vector.broadcast %div3A_1367 : vector<128x1xf32> to vector<128x675xf32>
    %sub3A_1385 = arith.subf %mul3A_1361, %sub3A_1384 : vector<128x675xf32>
    %mul3A_1386 = vector.broadcast %rsqrt3A_1380 : vector<128x1xf32> to vector<128x675xf32>
    %mul3A_1387 = arith.mulf %sub3A_1385, %mul3A_1386 : vector<128x675xf32>
    %mul3A_1388 = vector.broadcast %get3A_1383 : f32 to vector<128x675xf32>
    %mul3A_1389 = arith.mulf %mul3A_1388, %mul3A_1387 : vector<128x675xf32>
    %add3A_1390 = arith.addf %add3A_1333, %mul3A_1389 : vector<128x675xf32>
    %slice3A_1391 = vector.extract_strided_slice %mul3A_23 {offsets = [0, 24], sizes = [128, 1], strides = [1, 1]} : vector<128x33xf32> to vector<128x1xf32>
    %get3A_1392 = arith.constant 24 : index
    %get3A_1393 = arith.constant 0 : index
    %get3A_1394 = vector.load %arg5[%get3A_1392, %get3A_1393] : memref<33x675xf32, #tpu.memory_space<vmem>>, vector<1x675xf32>
    %mul3A_1395 = vector.broadcast %slice3A_1391 : vector<128x1xf32> to vector<128x675xf32>
    %mul3A_1396 = vector.broadcast %get3A_1394 : vector<1x675xf32> to vector<128x675xf32>
    %mul3A_1397 = arith.mulf %mul3A_1395, %mul3A_1396 : vector<128x675xf32>
    %slice3A_1398 = vector.extract_strided_slice %rsqrt3A {offsets = [0, 24], sizes = [128, 1], strides = [1, 1]} : vector<128x33xf32> to vector<128x1xf32>
    %get3A_1399 = arith.constant 24 : index
    %get3A_1400 = arith.constant 0 : index
    %get3A_1401 = vector.load %arg6[%get3A_1399, %get3A_1400] : memref<33x675xf32, #tpu.memory_space<vmem>>, vector<1x675xf32>
    %mul3A_1402 = vector.broadcast %slice3A_1398 : vector<128x1xf32> to vector<128x675xf32>
    %mul3A_1403 = vector.broadcast %get3A_1401 : vector<1x675xf32> to vector<128x675xf32>
    %mul3A_1404 = arith.mulf %mul3A_1402, %mul3A_1403 : vector<128x675xf32>
    %add3A_1405 = arith.addf %mul3A_1397, %mul3A_1404 : vector<128x675xf32>
    %add3A_1406 = vector.broadcast %get3A_26 : vector<1x675xf32> to vector<128x675xf32>
    %add3A_1407 = arith.addf %add3A_1405, %add3A_1406 : vector<128x675xf32>
    %mul3A_1408 = arith.constant 5.000000e-01 : f32
    %mul3A_1409 = vector.broadcast %mul3A_1408 : f32 to vector<128x675xf32>
    %mul3A_1410 = arith.mulf %mul3A_1409, %add3A_1407 : vector<128x675xf32>
    %mul3A_1411 = arith.constant 0.707106769 : f32
    %mul3A_1412 = vector.broadcast %mul3A_1411 : f32 to vector<128x675xf32>
    %mul3A_1413 = arith.mulf %add3A_1407, %mul3A_1412 : vector<128x675xf32>
    %erf3A_1414 = math.erf %mul3A_1413 : vector<128x675xf32>
    %add3A_1415 = arith.constant 1.000000e+00 : f32
    %add3A_1416 = vector.broadcast %add3A_1415 : f32 to vector<128x675xf32>
    %add3A_1417 = arith.addf %add3A_1416, %erf3A_1414 : vector<128x675xf32>
    %mul3A_1418 = arith.mulf %mul3A_1410, %add3A_1417 : vector<128x675xf32>
    %reduce_sum3A_1419 = arith.constant dense<0.000000e+00> : vector<128xf32>
    %reduce_sum3A_1420 = vector.multi_reduction <add>, %mul3A_1418, %reduce_sum3A_1419 [1] : vector<128x675xf32> to vector<128xf32>
    %broadcast_in_dim3A_1421 = vector.shape_cast %reduce_sum3A_1420 : vector<128xf32> to vector<128x1xf32>
    %div3A_1422 = arith.constant 6.750000e+02 : f32
    %div3A_1423 = vector.broadcast %div3A_1422 : f32 to vector<128x1xf32>
    %div3A_1424 = arith.divf %broadcast_in_dim3A_1421, %div3A_1423 : vector<128x1xf32>
    %mul3A_1425 = arith.mulf %mul3A_1418, %mul3A_1418 : vector<128x675xf32>
    %reduce_sum3A_1426 = arith.constant dense<0.000000e+00> : vector<128xf32>
    %reduce_sum3A_1427 = vector.multi_reduction <add>, %mul3A_1425, %reduce_sum3A_1426 [1] : vector<128x675xf32> to vector<128xf32>
    %broadcast_in_dim3A_1428 = vector.shape_cast %reduce_sum3A_1427 : vector<128xf32> to vector<128x1xf32>
    %div3A_1429 = arith.constant 6.750000e+02 : f32
    %div3A_1430 = vector.broadcast %div3A_1429 : f32 to vector<128x1xf32>
    %div3A_1431 = arith.divf %broadcast_in_dim3A_1428, %div3A_1430 : vector<128x1xf32>
    %mul3A_1432 = arith.mulf %div3A_1424, %div3A_1424 : vector<128x1xf32>
    %sub3A_1433 = arith.subf %div3A_1431, %mul3A_1432 : vector<128x1xf32>
    %add3A_1434 = arith.constant 9.99999974E-6 : f32
    %add3A_1435 = vector.broadcast %add3A_1434 : f32 to vector<128x1xf32>
    %add3A_1436 = arith.addf %sub3A_1433, %add3A_1435 : vector<128x1xf32>
    %rsqrt3A_1437 = math.rsqrt %add3A_1436 : vector<128x1xf32>
    %get3A_1438 = arith.constant 0 : index
    %get3A_1439 = arith.constant 24 : index
    %get3A_1440 = memref.load %arg4[%get3A_1438, %get3A_1439] : memref<1x41xf32, #tpu.memory_space<smem>>
    %sub3A_1441 = vector.broadcast %div3A_1424 : vector<128x1xf32> to vector<128x675xf32>
    %sub3A_1442 = arith.subf %mul3A_1418, %sub3A_1441 : vector<128x675xf32>
    %mul3A_1443 = vector.broadcast %rsqrt3A_1437 : vector<128x1xf32> to vector<128x675xf32>
    %mul3A_1444 = arith.mulf %sub3A_1442, %mul3A_1443 : vector<128x675xf32>
    %mul3A_1445 = vector.broadcast %get3A_1440 : f32 to vector<128x675xf32>
    %mul3A_1446 = arith.mulf %mul3A_1445, %mul3A_1444 : vector<128x675xf32>
    %add3A_1447 = arith.addf %add3A_1390, %mul3A_1446 : vector<128x675xf32>
    %slice3A_1448 = vector.extract_strided_slice %mul3A_23 {offsets = [0, 25], sizes = [128, 1], strides = [1, 1]} : vector<128x33xf32> to vector<128x1xf32>
    %get3A_1449 = arith.constant 25 : index
    %get3A_1450 = arith.constant 0 : index
    %get3A_1451 = vector.load %arg5[%get3A_1449, %get3A_1450] : memref<33x675xf32, #tpu.memory_space<vmem>>, vector<1x675xf32>
    %mul3A_1452 = vector.broadcast %slice3A_1448 : vector<128x1xf32> to vector<128x675xf32>
    %mul3A_1453 = vector.broadcast %get3A_1451 : vector<1x675xf32> to vector<128x675xf32>
    %mul3A_1454 = arith.mulf %mul3A_1452, %mul3A_1453 : vector<128x675xf32>
    %slice3A_1455 = vector.extract_strided_slice %rsqrt3A {offsets = [0, 25], sizes = [128, 1], strides = [1, 1]} : vector<128x33xf32> to vector<128x1xf32>
    %get3A_1456 = arith.constant 25 : index
    %get3A_1457 = arith.constant 0 : index
    %get3A_1458 = vector.load %arg6[%get3A_1456, %get3A_1457] : memref<33x675xf32, #tpu.memory_space<vmem>>, vector<1x675xf32>
    %mul3A_1459 = vector.broadcast %slice3A_1455 : vector<128x1xf32> to vector<128x675xf32>
    %mul3A_1460 = vector.broadcast %get3A_1458 : vector<1x675xf32> to vector<128x675xf32>
    %mul3A_1461 = arith.mulf %mul3A_1459, %mul3A_1460 : vector<128x675xf32>
    %add3A_1462 = arith.addf %mul3A_1454, %mul3A_1461 : vector<128x675xf32>
    %add3A_1463 = vector.broadcast %get3A_26 : vector<1x675xf32> to vector<128x675xf32>
    %add3A_1464 = arith.addf %add3A_1462, %add3A_1463 : vector<128x675xf32>
    %mul3A_1465 = arith.constant 5.000000e-01 : f32
    %mul3A_1466 = vector.broadcast %mul3A_1465 : f32 to vector<128x675xf32>
    %mul3A_1467 = arith.mulf %mul3A_1466, %add3A_1464 : vector<128x675xf32>
    %mul3A_1468 = arith.constant 0.707106769 : f32
    %mul3A_1469 = vector.broadcast %mul3A_1468 : f32 to vector<128x675xf32>
    %mul3A_1470 = arith.mulf %add3A_1464, %mul3A_1469 : vector<128x675xf32>
    %erf3A_1471 = math.erf %mul3A_1470 : vector<128x675xf32>
    %add3A_1472 = arith.constant 1.000000e+00 : f32
    %add3A_1473 = vector.broadcast %add3A_1472 : f32 to vector<128x675xf32>
    %add3A_1474 = arith.addf %add3A_1473, %erf3A_1471 : vector<128x675xf32>
    %mul3A_1475 = arith.mulf %mul3A_1467, %add3A_1474 : vector<128x675xf32>
    %reduce_sum3A_1476 = arith.constant dense<0.000000e+00> : vector<128xf32>
    %reduce_sum3A_1477 = vector.multi_reduction <add>, %mul3A_1475, %reduce_sum3A_1476 [1] : vector<128x675xf32> to vector<128xf32>
    %broadcast_in_dim3A_1478 = vector.shape_cast %reduce_sum3A_1477 : vector<128xf32> to vector<128x1xf32>
    %div3A_1479 = arith.constant 6.750000e+02 : f32
    %div3A_1480 = vector.broadcast %div3A_1479 : f32 to vector<128x1xf32>
    %div3A_1481 = arith.divf %broadcast_in_dim3A_1478, %div3A_1480 : vector<128x1xf32>
    %mul3A_1482 = arith.mulf %mul3A_1475, %mul3A_1475 : vector<128x675xf32>
    %reduce_sum3A_1483 = arith.constant dense<0.000000e+00> : vector<128xf32>
    %reduce_sum3A_1484 = vector.multi_reduction <add>, %mul3A_1482, %reduce_sum3A_1483 [1] : vector<128x675xf32> to vector<128xf32>
    %broadcast_in_dim3A_1485 = vector.shape_cast %reduce_sum3A_1484 : vector<128xf32> to vector<128x1xf32>
    %div3A_1486 = arith.constant 6.750000e+02 : f32
    %div3A_1487 = vector.broadcast %div3A_1486 : f32 to vector<128x1xf32>
    %div3A_1488 = arith.divf %broadcast_in_dim3A_1485, %div3A_1487 : vector<128x1xf32>
    %mul3A_1489 = arith.mulf %div3A_1481, %div3A_1481 : vector<128x1xf32>
    %sub3A_1490 = arith.subf %div3A_1488, %mul3A_1489 : vector<128x1xf32>
    %add3A_1491 = arith.constant 9.99999974E-6 : f32
    %add3A_1492 = vector.broadcast %add3A_1491 : f32 to vector<128x1xf32>
    %add3A_1493 = arith.addf %sub3A_1490, %add3A_1492 : vector<128x1xf32>
    %rsqrt3A_1494 = math.rsqrt %add3A_1493 : vector<128x1xf32>
    %get3A_1495 = arith.constant 0 : index
    %get3A_1496 = arith.constant 25 : index
    %get3A_1497 = memref.load %arg4[%get3A_1495, %get3A_1496] : memref<1x41xf32, #tpu.memory_space<smem>>
    %sub3A_1498 = vector.broadcast %div3A_1481 : vector<128x1xf32> to vector<128x675xf32>
    %sub3A_1499 = arith.subf %mul3A_1475, %sub3A_1498 : vector<128x675xf32>
    %mul3A_1500 = vector.broadcast %rsqrt3A_1494 : vector<128x1xf32> to vector<128x675xf32>
    %mul3A_1501 = arith.mulf %sub3A_1499, %mul3A_1500 : vector<128x675xf32>
    %mul3A_1502 = vector.broadcast %get3A_1497 : f32 to vector<128x675xf32>
    %mul3A_1503 = arith.mulf %mul3A_1502, %mul3A_1501 : vector<128x675xf32>
    %add3A_1504 = arith.addf %add3A_1447, %mul3A_1503 : vector<128x675xf32>
    %slice3A_1505 = vector.extract_strided_slice %mul3A_23 {offsets = [0, 26], sizes = [128, 1], strides = [1, 1]} : vector<128x33xf32> to vector<128x1xf32>
    %get3A_1506 = arith.constant 26 : index
    %get3A_1507 = arith.constant 0 : index
    %get3A_1508 = vector.load %arg5[%get3A_1506, %get3A_1507] : memref<33x675xf32, #tpu.memory_space<vmem>>, vector<1x675xf32>
    %mul3A_1509 = vector.broadcast %slice3A_1505 : vector<128x1xf32> to vector<128x675xf32>
    %mul3A_1510 = vector.broadcast %get3A_1508 : vector<1x675xf32> to vector<128x675xf32>
    %mul3A_1511 = arith.mulf %mul3A_1509, %mul3A_1510 : vector<128x675xf32>
    %slice3A_1512 = vector.extract_strided_slice %rsqrt3A {offsets = [0, 26], sizes = [128, 1], strides = [1, 1]} : vector<128x33xf32> to vector<128x1xf32>
    %get3A_1513 = arith.constant 26 : index
    %get3A_1514 = arith.constant 0 : index
    %get3A_1515 = vector.load %arg6[%get3A_1513, %get3A_1514] : memref<33x675xf32, #tpu.memory_space<vmem>>, vector<1x675xf32>
    %mul3A_1516 = vector.broadcast %slice3A_1512 : vector<128x1xf32> to vector<128x675xf32>
    %mul3A_1517 = vector.broadcast %get3A_1515 : vector<1x675xf32> to vector<128x675xf32>
    %mul3A_1518 = arith.mulf %mul3A_1516, %mul3A_1517 : vector<128x675xf32>
    %add3A_1519 = arith.addf %mul3A_1511, %mul3A_1518 : vector<128x675xf32>
    %add3A_1520 = vector.broadcast %get3A_26 : vector<1x675xf32> to vector<128x675xf32>
    %add3A_1521 = arith.addf %add3A_1519, %add3A_1520 : vector<128x675xf32>
    %mul3A_1522 = arith.constant 5.000000e-01 : f32
    %mul3A_1523 = vector.broadcast %mul3A_1522 : f32 to vector<128x675xf32>
    %mul3A_1524 = arith.mulf %mul3A_1523, %add3A_1521 : vector<128x675xf32>
    %mul3A_1525 = arith.constant 0.707106769 : f32
    %mul3A_1526 = vector.broadcast %mul3A_1525 : f32 to vector<128x675xf32>
    %mul3A_1527 = arith.mulf %add3A_1521, %mul3A_1526 : vector<128x675xf32>
    %erf3A_1528 = math.erf %mul3A_1527 : vector<128x675xf32>
    %add3A_1529 = arith.constant 1.000000e+00 : f32
    %add3A_1530 = vector.broadcast %add3A_1529 : f32 to vector<128x675xf32>
    %add3A_1531 = arith.addf %add3A_1530, %erf3A_1528 : vector<128x675xf32>
    %mul3A_1532 = arith.mulf %mul3A_1524, %add3A_1531 : vector<128x675xf32>
    %reduce_sum3A_1533 = arith.constant dense<0.000000e+00> : vector<128xf32>
    %reduce_sum3A_1534 = vector.multi_reduction <add>, %mul3A_1532, %reduce_sum3A_1533 [1] : vector<128x675xf32> to vector<128xf32>
    %broadcast_in_dim3A_1535 = vector.shape_cast %reduce_sum3A_1534 : vector<128xf32> to vector<128x1xf32>
    %div3A_1536 = arith.constant 6.750000e+02 : f32
    %div3A_1537 = vector.broadcast %div3A_1536 : f32 to vector<128x1xf32>
    %div3A_1538 = arith.divf %broadcast_in_dim3A_1535, %div3A_1537 : vector<128x1xf32>
    %mul3A_1539 = arith.mulf %mul3A_1532, %mul3A_1532 : vector<128x675xf32>
    %reduce_sum3A_1540 = arith.constant dense<0.000000e+00> : vector<128xf32>
    %reduce_sum3A_1541 = vector.multi_reduction <add>, %mul3A_1539, %reduce_sum3A_1540 [1] : vector<128x675xf32> to vector<128xf32>
    %broadcast_in_dim3A_1542 = vector.shape_cast %reduce_sum3A_1541 : vector<128xf32> to vector<128x1xf32>
    %div3A_1543 = arith.constant 6.750000e+02 : f32
    %div3A_1544 = vector.broadcast %div3A_1543 : f32 to vector<128x1xf32>
    %div3A_1545 = arith.divf %broadcast_in_dim3A_1542, %div3A_1544 : vector<128x1xf32>
    %mul3A_1546 = arith.mulf %div3A_1538, %div3A_1538 : vector<128x1xf32>
    %sub3A_1547 = arith.subf %div3A_1545, %mul3A_1546 : vector<128x1xf32>
    %add3A_1548 = arith.constant 9.99999974E-6 : f32
    %add3A_1549 = vector.broadcast %add3A_1548 : f32 to vector<128x1xf32>
    %add3A_1550 = arith.addf %sub3A_1547, %add3A_1549 : vector<128x1xf32>
    %rsqrt3A_1551 = math.rsqrt %add3A_1550 : vector<128x1xf32>
    %get3A_1552 = arith.constant 0 : index
    %get3A_1553 = arith.constant 26 : index
    %get3A_1554 = memref.load %arg4[%get3A_1552, %get3A_1553] : memref<1x41xf32, #tpu.memory_space<smem>>
    %sub3A_1555 = vector.broadcast %div3A_1538 : vector<128x1xf32> to vector<128x675xf32>
    %sub3A_1556 = arith.subf %mul3A_1532, %sub3A_1555 : vector<128x675xf32>
    %mul3A_1557 = vector.broadcast %rsqrt3A_1551 : vector<128x1xf32> to vector<128x675xf32>
    %mul3A_1558 = arith.mulf %sub3A_1556, %mul3A_1557 : vector<128x675xf32>
    %mul3A_1559 = vector.broadcast %get3A_1554 : f32 to vector<128x675xf32>
    %mul3A_1560 = arith.mulf %mul3A_1559, %mul3A_1558 : vector<128x675xf32>
    %add3A_1561 = arith.addf %add3A_1504, %mul3A_1560 : vector<128x675xf32>
    %slice3A_1562 = vector.extract_strided_slice %mul3A_23 {offsets = [0, 27], sizes = [128, 1], strides = [1, 1]} : vector<128x33xf32> to vector<128x1xf32>
    %get3A_1563 = arith.constant 27 : index
    %get3A_1564 = arith.constant 0 : index
    %get3A_1565 = vector.load %arg5[%get3A_1563, %get3A_1564] : memref<33x675xf32, #tpu.memory_space<vmem>>, vector<1x675xf32>
    %mul3A_1566 = vector.broadcast %slice3A_1562 : vector<128x1xf32> to vector<128x675xf32>
    %mul3A_1567 = vector.broadcast %get3A_1565 : vector<1x675xf32> to vector<128x675xf32>
    %mul3A_1568 = arith.mulf %mul3A_1566, %mul3A_1567 : vector<128x675xf32>
    %slice3A_1569 = vector.extract_strided_slice %rsqrt3A {offsets = [0, 27], sizes = [128, 1], strides = [1, 1]} : vector<128x33xf32> to vector<128x1xf32>
    %get3A_1570 = arith.constant 27 : index
    %get3A_1571 = arith.constant 0 : index
    %get3A_1572 = vector.load %arg6[%get3A_1570, %get3A_1571] : memref<33x675xf32, #tpu.memory_space<vmem>>, vector<1x675xf32>
    %mul3A_1573 = vector.broadcast %slice3A_1569 : vector<128x1xf32> to vector<128x675xf32>
    %mul3A_1574 = vector.broadcast %get3A_1572 : vector<1x675xf32> to vector<128x675xf32>
    %mul3A_1575 = arith.mulf %mul3A_1573, %mul3A_1574 : vector<128x675xf32>
    %add3A_1576 = arith.addf %mul3A_1568, %mul3A_1575 : vector<128x675xf32>
    %add3A_1577 = vector.broadcast %get3A_26 : vector<1x675xf32> to vector<128x675xf32>
    %add3A_1578 = arith.addf %add3A_1576, %add3A_1577 : vector<128x675xf32>
    %mul3A_1579 = arith.constant 5.000000e-01 : f32
    %mul3A_1580 = vector.broadcast %mul3A_1579 : f32 to vector<128x675xf32>
    %mul3A_1581 = arith.mulf %mul3A_1580, %add3A_1578 : vector<128x675xf32>
    %mul3A_1582 = arith.constant 0.707106769 : f32
    %mul3A_1583 = vector.broadcast %mul3A_1582 : f32 to vector<128x675xf32>
    %mul3A_1584 = arith.mulf %add3A_1578, %mul3A_1583 : vector<128x675xf32>
    %erf3A_1585 = math.erf %mul3A_1584 : vector<128x675xf32>
    %add3A_1586 = arith.constant 1.000000e+00 : f32
    %add3A_1587 = vector.broadcast %add3A_1586 : f32 to vector<128x675xf32>
    %add3A_1588 = arith.addf %add3A_1587, %erf3A_1585 : vector<128x675xf32>
    %mul3A_1589 = arith.mulf %mul3A_1581, %add3A_1588 : vector<128x675xf32>
    %reduce_sum3A_1590 = arith.constant dense<0.000000e+00> : vector<128xf32>
    %reduce_sum3A_1591 = vector.multi_reduction <add>, %mul3A_1589, %reduce_sum3A_1590 [1] : vector<128x675xf32> to vector<128xf32>
    %broadcast_in_dim3A_1592 = vector.shape_cast %reduce_sum3A_1591 : vector<128xf32> to vector<128x1xf32>
    %div3A_1593 = arith.constant 6.750000e+02 : f32
    %div3A_1594 = vector.broadcast %div3A_1593 : f32 to vector<128x1xf32>
    %div3A_1595 = arith.divf %broadcast_in_dim3A_1592, %div3A_1594 : vector<128x1xf32>
    %mul3A_1596 = arith.mulf %mul3A_1589, %mul3A_1589 : vector<128x675xf32>
    %reduce_sum3A_1597 = arith.constant dense<0.000000e+00> : vector<128xf32>
    %reduce_sum3A_1598 = vector.multi_reduction <add>, %mul3A_1596, %reduce_sum3A_1597 [1] : vector<128x675xf32> to vector<128xf32>
    %broadcast_in_dim3A_1599 = vector.shape_cast %reduce_sum3A_1598 : vector<128xf32> to vector<128x1xf32>
    %div3A_1600 = arith.constant 6.750000e+02 : f32
    %div3A_1601 = vector.broadcast %div3A_1600 : f32 to vector<128x1xf32>
    %div3A_1602 = arith.divf %broadcast_in_dim3A_1599, %div3A_1601 : vector<128x1xf32>
    %mul3A_1603 = arith.mulf %div3A_1595, %div3A_1595 : vector<128x1xf32>
    %sub3A_1604 = arith.subf %div3A_1602, %mul3A_1603 : vector<128x1xf32>
    %add3A_1605 = arith.constant 9.99999974E-6 : f32
    %add3A_1606 = vector.broadcast %add3A_1605 : f32 to vector<128x1xf32>
    %add3A_1607 = arith.addf %sub3A_1604, %add3A_1606 : vector<128x1xf32>
    %rsqrt3A_1608 = math.rsqrt %add3A_1607 : vector<128x1xf32>
    %get3A_1609 = arith.constant 0 : index
    %get3A_1610 = arith.constant 27 : index
    %get3A_1611 = memref.load %arg4[%get3A_1609, %get3A_1610] : memref<1x41xf32, #tpu.memory_space<smem>>
    %sub3A_1612 = vector.broadcast %div3A_1595 : vector<128x1xf32> to vector<128x675xf32>
    %sub3A_1613 = arith.subf %mul3A_1589, %sub3A_1612 : vector<128x675xf32>
    %mul3A_1614 = vector.broadcast %rsqrt3A_1608 : vector<128x1xf32> to vector<128x675xf32>
    %mul3A_1615 = arith.mulf %sub3A_1613, %mul3A_1614 : vector<128x675xf32>
    %mul3A_1616 = vector.broadcast %get3A_1611 : f32 to vector<128x675xf32>
    %mul3A_1617 = arith.mulf %mul3A_1616, %mul3A_1615 : vector<128x675xf32>
    %add3A_1618 = arith.addf %add3A_1561, %mul3A_1617 : vector<128x675xf32>
    %slice3A_1619 = vector.extract_strided_slice %mul3A_23 {offsets = [0, 28], sizes = [128, 1], strides = [1, 1]} : vector<128x33xf32> to vector<128x1xf32>
    %get3A_1620 = arith.constant 28 : index
    %get3A_1621 = arith.constant 0 : index
    %get3A_1622 = vector.load %arg5[%get3A_1620, %get3A_1621] : memref<33x675xf32, #tpu.memory_space<vmem>>, vector<1x675xf32>
    %mul3A_1623 = vector.broadcast %slice3A_1619 : vector<128x1xf32> to vector<128x675xf32>
    %mul3A_1624 = vector.broadcast %get3A_1622 : vector<1x675xf32> to vector<128x675xf32>
    %mul3A_1625 = arith.mulf %mul3A_1623, %mul3A_1624 : vector<128x675xf32>
    %slice3A_1626 = vector.extract_strided_slice %rsqrt3A {offsets = [0, 28], sizes = [128, 1], strides = [1, 1]} : vector<128x33xf32> to vector<128x1xf32>
    %get3A_1627 = arith.constant 28 : index
    %get3A_1628 = arith.constant 0 : index
    %get3A_1629 = vector.load %arg6[%get3A_1627, %get3A_1628] : memref<33x675xf32, #tpu.memory_space<vmem>>, vector<1x675xf32>
    %mul3A_1630 = vector.broadcast %slice3A_1626 : vector<128x1xf32> to vector<128x675xf32>
    %mul3A_1631 = vector.broadcast %get3A_1629 : vector<1x675xf32> to vector<128x675xf32>
    %mul3A_1632 = arith.mulf %mul3A_1630, %mul3A_1631 : vector<128x675xf32>
    %add3A_1633 = arith.addf %mul3A_1625, %mul3A_1632 : vector<128x675xf32>
    %add3A_1634 = vector.broadcast %get3A_26 : vector<1x675xf32> to vector<128x675xf32>
    %add3A_1635 = arith.addf %add3A_1633, %add3A_1634 : vector<128x675xf32>
    %mul3A_1636 = arith.constant 5.000000e-01 : f32
    %mul3A_1637 = vector.broadcast %mul3A_1636 : f32 to vector<128x675xf32>
    %mul3A_1638 = arith.mulf %mul3A_1637, %add3A_1635 : vector<128x675xf32>
    %mul3A_1639 = arith.constant 0.707106769 : f32
    %mul3A_1640 = vector.broadcast %mul3A_1639 : f32 to vector<128x675xf32>
    %mul3A_1641 = arith.mulf %add3A_1635, %mul3A_1640 : vector<128x675xf32>
    %erf3A_1642 = math.erf %mul3A_1641 : vector<128x675xf32>
    %add3A_1643 = arith.constant 1.000000e+00 : f32
    %add3A_1644 = vector.broadcast %add3A_1643 : f32 to vector<128x675xf32>
    %add3A_1645 = arith.addf %add3A_1644, %erf3A_1642 : vector<128x675xf32>
    %mul3A_1646 = arith.mulf %mul3A_1638, %add3A_1645 : vector<128x675xf32>
    %reduce_sum3A_1647 = arith.constant dense<0.000000e+00> : vector<128xf32>
    %reduce_sum3A_1648 = vector.multi_reduction <add>, %mul3A_1646, %reduce_sum3A_1647 [1] : vector<128x675xf32> to vector<128xf32>
    %broadcast_in_dim3A_1649 = vector.shape_cast %reduce_sum3A_1648 : vector<128xf32> to vector<128x1xf32>
    %div3A_1650 = arith.constant 6.750000e+02 : f32
    %div3A_1651 = vector.broadcast %div3A_1650 : f32 to vector<128x1xf32>
    %div3A_1652 = arith.divf %broadcast_in_dim3A_1649, %div3A_1651 : vector<128x1xf32>
    %mul3A_1653 = arith.mulf %mul3A_1646, %mul3A_1646 : vector<128x675xf32>
    %reduce_sum3A_1654 = arith.constant dense<0.000000e+00> : vector<128xf32>
    %reduce_sum3A_1655 = vector.multi_reduction <add>, %mul3A_1653, %reduce_sum3A_1654 [1] : vector<128x675xf32> to vector<128xf32>
    %broadcast_in_dim3A_1656 = vector.shape_cast %reduce_sum3A_1655 : vector<128xf32> to vector<128x1xf32>
    %div3A_1657 = arith.constant 6.750000e+02 : f32
    %div3A_1658 = vector.broadcast %div3A_1657 : f32 to vector<128x1xf32>
    %div3A_1659 = arith.divf %broadcast_in_dim3A_1656, %div3A_1658 : vector<128x1xf32>
    %mul3A_1660 = arith.mulf %div3A_1652, %div3A_1652 : vector<128x1xf32>
    %sub3A_1661 = arith.subf %div3A_1659, %mul3A_1660 : vector<128x1xf32>
    %add3A_1662 = arith.constant 9.99999974E-6 : f32
    %add3A_1663 = vector.broadcast %add3A_1662 : f32 to vector<128x1xf32>
    %add3A_1664 = arith.addf %sub3A_1661, %add3A_1663 : vector<128x1xf32>
    %rsqrt3A_1665 = math.rsqrt %add3A_1664 : vector<128x1xf32>
    %get3A_1666 = arith.constant 0 : index
    %get3A_1667 = arith.constant 28 : index
    %get3A_1668 = memref.load %arg4[%get3A_1666, %get3A_1667] : memref<1x41xf32, #tpu.memory_space<smem>>
    %sub3A_1669 = vector.broadcast %div3A_1652 : vector<128x1xf32> to vector<128x675xf32>
    %sub3A_1670 = arith.subf %mul3A_1646, %sub3A_1669 : vector<128x675xf32>
    %mul3A_1671 = vector.broadcast %rsqrt3A_1665 : vector<128x1xf32> to vector<128x675xf32>
    %mul3A_1672 = arith.mulf %sub3A_1670, %mul3A_1671 : vector<128x675xf32>
    %mul3A_1673 = vector.broadcast %get3A_1668 : f32 to vector<128x675xf32>
    %mul3A_1674 = arith.mulf %mul3A_1673, %mul3A_1672 : vector<128x675xf32>
    %add3A_1675 = arith.addf %add3A_1618, %mul3A_1674 : vector<128x675xf32>
    %slice3A_1676 = vector.extract_strided_slice %mul3A_23 {offsets = [0, 29], sizes = [128, 1], strides = [1, 1]} : vector<128x33xf32> to vector<128x1xf32>
    %get3A_1677 = arith.constant 29 : index
    %get3A_1678 = arith.constant 0 : index
    %get3A_1679 = vector.load %arg5[%get3A_1677, %get3A_1678] : memref<33x675xf32, #tpu.memory_space<vmem>>, vector<1x675xf32>
    %mul3A_1680 = vector.broadcast %slice3A_1676 : vector<128x1xf32> to vector<128x675xf32>
    %mul3A_1681 = vector.broadcast %get3A_1679 : vector<1x675xf32> to vector<128x675xf32>
    %mul3A_1682 = arith.mulf %mul3A_1680, %mul3A_1681 : vector<128x675xf32>
    %slice3A_1683 = vector.extract_strided_slice %rsqrt3A {offsets = [0, 29], sizes = [128, 1], strides = [1, 1]} : vector<128x33xf32> to vector<128x1xf32>
    %get3A_1684 = arith.constant 29 : index
    %get3A_1685 = arith.constant 0 : index
    %get3A_1686 = vector.load %arg6[%get3A_1684, %get3A_1685] : memref<33x675xf32, #tpu.memory_space<vmem>>, vector<1x675xf32>
    %mul3A_1687 = vector.broadcast %slice3A_1683 : vector<128x1xf32> to vector<128x675xf32>
    %mul3A_1688 = vector.broadcast %get3A_1686 : vector<1x675xf32> to vector<128x675xf32>
    %mul3A_1689 = arith.mulf %mul3A_1687, %mul3A_1688 : vector<128x675xf32>
    %add3A_1690 = arith.addf %mul3A_1682, %mul3A_1689 : vector<128x675xf32>
    %add3A_1691 = vector.broadcast %get3A_26 : vector<1x675xf32> to vector<128x675xf32>
    %add3A_1692 = arith.addf %add3A_1690, %add3A_1691 : vector<128x675xf32>
    %mul3A_1693 = arith.constant 5.000000e-01 : f32
    %mul3A_1694 = vector.broadcast %mul3A_1693 : f32 to vector<128x675xf32>
    %mul3A_1695 = arith.mulf %mul3A_1694, %add3A_1692 : vector<128x675xf32>
    %mul3A_1696 = arith.constant 0.707106769 : f32
    %mul3A_1697 = vector.broadcast %mul3A_1696 : f32 to vector<128x675xf32>
    %mul3A_1698 = arith.mulf %add3A_1692, %mul3A_1697 : vector<128x675xf32>
    %erf3A_1699 = math.erf %mul3A_1698 : vector<128x675xf32>
    %add3A_1700 = arith.constant 1.000000e+00 : f32
    %add3A_1701 = vector.broadcast %add3A_1700 : f32 to vector<128x675xf32>
    %add3A_1702 = arith.addf %add3A_1701, %erf3A_1699 : vector<128x675xf32>
    %mul3A_1703 = arith.mulf %mul3A_1695, %add3A_1702 : vector<128x675xf32>
    %reduce_sum3A_1704 = arith.constant dense<0.000000e+00> : vector<128xf32>
    %reduce_sum3A_1705 = vector.multi_reduction <add>, %mul3A_1703, %reduce_sum3A_1704 [1] : vector<128x675xf32> to vector<128xf32>
    %broadcast_in_dim3A_1706 = vector.shape_cast %reduce_sum3A_1705 : vector<128xf32> to vector<128x1xf32>
    %div3A_1707 = arith.constant 6.750000e+02 : f32
    %div3A_1708 = vector.broadcast %div3A_1707 : f32 to vector<128x1xf32>
    %div3A_1709 = arith.divf %broadcast_in_dim3A_1706, %div3A_1708 : vector<128x1xf32>
    %mul3A_1710 = arith.mulf %mul3A_1703, %mul3A_1703 : vector<128x675xf32>
    %reduce_sum3A_1711 = arith.constant dense<0.000000e+00> : vector<128xf32>
    %reduce_sum3A_1712 = vector.multi_reduction <add>, %mul3A_1710, %reduce_sum3A_1711 [1] : vector<128x675xf32> to vector<128xf32>
    %broadcast_in_dim3A_1713 = vector.shape_cast %reduce_sum3A_1712 : vector<128xf32> to vector<128x1xf32>
    %div3A_1714 = arith.constant 6.750000e+02 : f32
    %div3A_1715 = vector.broadcast %div3A_1714 : f32 to vector<128x1xf32>
    %div3A_1716 = arith.divf %broadcast_in_dim3A_1713, %div3A_1715 : vector<128x1xf32>
    %mul3A_1717 = arith.mulf %div3A_1709, %div3A_1709 : vector<128x1xf32>
    %sub3A_1718 = arith.subf %div3A_1716, %mul3A_1717 : vector<128x1xf32>
    %add3A_1719 = arith.constant 9.99999974E-6 : f32
    %add3A_1720 = vector.broadcast %add3A_1719 : f32 to vector<128x1xf32>
    %add3A_1721 = arith.addf %sub3A_1718, %add3A_1720 : vector<128x1xf32>
    %rsqrt3A_1722 = math.rsqrt %add3A_1721 : vector<128x1xf32>
    %get3A_1723 = arith.constant 0 : index
    %get3A_1724 = arith.constant 29 : index
    %get3A_1725 = memref.load %arg4[%get3A_1723, %get3A_1724] : memref<1x41xf32, #tpu.memory_space<smem>>
    %sub3A_1726 = vector.broadcast %div3A_1709 : vector<128x1xf32> to vector<128x675xf32>
    %sub3A_1727 = arith.subf %mul3A_1703, %sub3A_1726 : vector<128x675xf32>
    %mul3A_1728 = vector.broadcast %rsqrt3A_1722 : vector<128x1xf32> to vector<128x675xf32>
    %mul3A_1729 = arith.mulf %sub3A_1727, %mul3A_1728 : vector<128x675xf32>
    %mul3A_1730 = vector.broadcast %get3A_1725 : f32 to vector<128x675xf32>
    %mul3A_1731 = arith.mulf %mul3A_1730, %mul3A_1729 : vector<128x675xf32>
    %add3A_1732 = arith.addf %add3A_1675, %mul3A_1731 : vector<128x675xf32>
    %slice3A_1733 = vector.extract_strided_slice %mul3A_23 {offsets = [0, 30], sizes = [128, 1], strides = [1, 1]} : vector<128x33xf32> to vector<128x1xf32>
    %get3A_1734 = arith.constant 30 : index
    %get3A_1735 = arith.constant 0 : index
    %get3A_1736 = vector.load %arg5[%get3A_1734, %get3A_1735] : memref<33x675xf32, #tpu.memory_space<vmem>>, vector<1x675xf32>
    %mul3A_1737 = vector.broadcast %slice3A_1733 : vector<128x1xf32> to vector<128x675xf32>
    %mul3A_1738 = vector.broadcast %get3A_1736 : vector<1x675xf32> to vector<128x675xf32>
    %mul3A_1739 = arith.mulf %mul3A_1737, %mul3A_1738 : vector<128x675xf32>
    %slice3A_1740 = vector.extract_strided_slice %rsqrt3A {offsets = [0, 30], sizes = [128, 1], strides = [1, 1]} : vector<128x33xf32> to vector<128x1xf32>
    %get3A_1741 = arith.constant 30 : index
    %get3A_1742 = arith.constant 0 : index
    %get3A_1743 = vector.load %arg6[%get3A_1741, %get3A_1742] : memref<33x675xf32, #tpu.memory_space<vmem>>, vector<1x675xf32>
    %mul3A_1744 = vector.broadcast %slice3A_1740 : vector<128x1xf32> to vector<128x675xf32>
    %mul3A_1745 = vector.broadcast %get3A_1743 : vector<1x675xf32> to vector<128x675xf32>
    %mul3A_1746 = arith.mulf %mul3A_1744, %mul3A_1745 : vector<128x675xf32>
    %add3A_1747 = arith.addf %mul3A_1739, %mul3A_1746 : vector<128x675xf32>
    %add3A_1748 = vector.broadcast %get3A_26 : vector<1x675xf32> to vector<128x675xf32>
    %add3A_1749 = arith.addf %add3A_1747, %add3A_1748 : vector<128x675xf32>
    %mul3A_1750 = arith.constant 5.000000e-01 : f32
    %mul3A_1751 = vector.broadcast %mul3A_1750 : f32 to vector<128x675xf32>
    %mul3A_1752 = arith.mulf %mul3A_1751, %add3A_1749 : vector<128x675xf32>
    %mul3A_1753 = arith.constant 0.707106769 : f32
    %mul3A_1754 = vector.broadcast %mul3A_1753 : f32 to vector<128x675xf32>
    %mul3A_1755 = arith.mulf %add3A_1749, %mul3A_1754 : vector<128x675xf32>
    %erf3A_1756 = math.erf %mul3A_1755 : vector<128x675xf32>
    %add3A_1757 = arith.constant 1.000000e+00 : f32
    %add3A_1758 = vector.broadcast %add3A_1757 : f32 to vector<128x675xf32>
    %add3A_1759 = arith.addf %add3A_1758, %erf3A_1756 : vector<128x675xf32>
    %mul3A_1760 = arith.mulf %mul3A_1752, %add3A_1759 : vector<128x675xf32>
    %reduce_sum3A_1761 = arith.constant dense<0.000000e+00> : vector<128xf32>
    %reduce_sum3A_1762 = vector.multi_reduction <add>, %mul3A_1760, %reduce_sum3A_1761 [1] : vector<128x675xf32> to vector<128xf32>
    %broadcast_in_dim3A_1763 = vector.shape_cast %reduce_sum3A_1762 : vector<128xf32> to vector<128x1xf32>
    %div3A_1764 = arith.constant 6.750000e+02 : f32
    %div3A_1765 = vector.broadcast %div3A_1764 : f32 to vector<128x1xf32>
    %div3A_1766 = arith.divf %broadcast_in_dim3A_1763, %div3A_1765 : vector<128x1xf32>
    %mul3A_1767 = arith.mulf %mul3A_1760, %mul3A_1760 : vector<128x675xf32>
    %reduce_sum3A_1768 = arith.constant dense<0.000000e+00> : vector<128xf32>
    %reduce_sum3A_1769 = vector.multi_reduction <add>, %mul3A_1767, %reduce_sum3A_1768 [1] : vector<128x675xf32> to vector<128xf32>
    %broadcast_in_dim3A_1770 = vector.shape_cast %reduce_sum3A_1769 : vector<128xf32> to vector<128x1xf32>
    %div3A_1771 = arith.constant 6.750000e+02 : f32
    %div3A_1772 = vector.broadcast %div3A_1771 : f32 to vector<128x1xf32>
    %div3A_1773 = arith.divf %broadcast_in_dim3A_1770, %div3A_1772 : vector<128x1xf32>
    %mul3A_1774 = arith.mulf %div3A_1766, %div3A_1766 : vector<128x1xf32>
    %sub3A_1775 = arith.subf %div3A_1773, %mul3A_1774 : vector<128x1xf32>
    %add3A_1776 = arith.constant 9.99999974E-6 : f32
    %add3A_1777 = vector.broadcast %add3A_1776 : f32 to vector<128x1xf32>
    %add3A_1778 = arith.addf %sub3A_1775, %add3A_1777 : vector<128x1xf32>
    %rsqrt3A_1779 = math.rsqrt %add3A_1778 : vector<128x1xf32>
    %get3A_1780 = arith.constant 0 : index
    %get3A_1781 = arith.constant 30 : index
    %get3A_1782 = memref.load %arg4[%get3A_1780, %get3A_1781] : memref<1x41xf32, #tpu.memory_space<smem>>
    %sub3A_1783 = vector.broadcast %div3A_1766 : vector<128x1xf32> to vector<128x675xf32>
    %sub3A_1784 = arith.subf %mul3A_1760, %sub3A_1783 : vector<128x675xf32>
    %mul3A_1785 = vector.broadcast %rsqrt3A_1779 : vector<128x1xf32> to vector<128x675xf32>
    %mul3A_1786 = arith.mulf %sub3A_1784, %mul3A_1785 : vector<128x675xf32>
    %mul3A_1787 = vector.broadcast %get3A_1782 : f32 to vector<128x675xf32>
    %mul3A_1788 = arith.mulf %mul3A_1787, %mul3A_1786 : vector<128x675xf32>
    %add3A_1789 = arith.addf %add3A_1732, %mul3A_1788 : vector<128x675xf32>
    %slice3A_1790 = vector.extract_strided_slice %mul3A_23 {offsets = [0, 31], sizes = [128, 1], strides = [1, 1]} : vector<128x33xf32> to vector<128x1xf32>
    %get3A_1791 = arith.constant 31 : index
    %get3A_1792 = arith.constant 0 : index
    %get3A_1793 = vector.load %arg5[%get3A_1791, %get3A_1792] : memref<33x675xf32, #tpu.memory_space<vmem>>, vector<1x675xf32>
    %mul3A_1794 = vector.broadcast %slice3A_1790 : vector<128x1xf32> to vector<128x675xf32>
    %mul3A_1795 = vector.broadcast %get3A_1793 : vector<1x675xf32> to vector<128x675xf32>
    %mul3A_1796 = arith.mulf %mul3A_1794, %mul3A_1795 : vector<128x675xf32>
    %slice3A_1797 = vector.extract_strided_slice %rsqrt3A {offsets = [0, 31], sizes = [128, 1], strides = [1, 1]} : vector<128x33xf32> to vector<128x1xf32>
    %get3A_1798 = arith.constant 31 : index
    %get3A_1799 = arith.constant 0 : index
    %get3A_1800 = vector.load %arg6[%get3A_1798, %get3A_1799] : memref<33x675xf32, #tpu.memory_space<vmem>>, vector<1x675xf32>
    %mul3A_1801 = vector.broadcast %slice3A_1797 : vector<128x1xf32> to vector<128x675xf32>
    %mul3A_1802 = vector.broadcast %get3A_1800 : vector<1x675xf32> to vector<128x675xf32>
    %mul3A_1803 = arith.mulf %mul3A_1801, %mul3A_1802 : vector<128x675xf32>
    %add3A_1804 = arith.addf %mul3A_1796, %mul3A_1803 : vector<128x675xf32>
    %add3A_1805 = vector.broadcast %get3A_26 : vector<1x675xf32> to vector<128x675xf32>
    %add3A_1806 = arith.addf %add3A_1804, %add3A_1805 : vector<128x675xf32>
    %mul3A_1807 = arith.constant 5.000000e-01 : f32
    %mul3A_1808 = vector.broadcast %mul3A_1807 : f32 to vector<128x675xf32>
    %mul3A_1809 = arith.mulf %mul3A_1808, %add3A_1806 : vector<128x675xf32>
    %mul3A_1810 = arith.constant 0.707106769 : f32
    %mul3A_1811 = vector.broadcast %mul3A_1810 : f32 to vector<128x675xf32>
    %mul3A_1812 = arith.mulf %add3A_1806, %mul3A_1811 : vector<128x675xf32>
    %erf3A_1813 = math.erf %mul3A_1812 : vector<128x675xf32>
    %add3A_1814 = arith.constant 1.000000e+00 : f32
    %add3A_1815 = vector.broadcast %add3A_1814 : f32 to vector<128x675xf32>
    %add3A_1816 = arith.addf %add3A_1815, %erf3A_1813 : vector<128x675xf32>
    %mul3A_1817 = arith.mulf %mul3A_1809, %add3A_1816 : vector<128x675xf32>
    %reduce_sum3A_1818 = arith.constant dense<0.000000e+00> : vector<128xf32>
    %reduce_sum3A_1819 = vector.multi_reduction <add>, %mul3A_1817, %reduce_sum3A_1818 [1] : vector<128x675xf32> to vector<128xf32>
    %broadcast_in_dim3A_1820 = vector.shape_cast %reduce_sum3A_1819 : vector<128xf32> to vector<128x1xf32>
    %div3A_1821 = arith.constant 6.750000e+02 : f32
    %div3A_1822 = vector.broadcast %div3A_1821 : f32 to vector<128x1xf32>
    %div3A_1823 = arith.divf %broadcast_in_dim3A_1820, %div3A_1822 : vector<128x1xf32>
    %mul3A_1824 = arith.mulf %mul3A_1817, %mul3A_1817 : vector<128x675xf32>
    %reduce_sum3A_1825 = arith.constant dense<0.000000e+00> : vector<128xf32>
    %reduce_sum3A_1826 = vector.multi_reduction <add>, %mul3A_1824, %reduce_sum3A_1825 [1] : vector<128x675xf32> to vector<128xf32>
    %broadcast_in_dim3A_1827 = vector.shape_cast %reduce_sum3A_1826 : vector<128xf32> to vector<128x1xf32>
    %div3A_1828 = arith.constant 6.750000e+02 : f32
    %div3A_1829 = vector.broadcast %div3A_1828 : f32 to vector<128x1xf32>
    %div3A_1830 = arith.divf %broadcast_in_dim3A_1827, %div3A_1829 : vector<128x1xf32>
    %mul3A_1831 = arith.mulf %div3A_1823, %div3A_1823 : vector<128x1xf32>
    %sub3A_1832 = arith.subf %div3A_1830, %mul3A_1831 : vector<128x1xf32>
    %add3A_1833 = arith.constant 9.99999974E-6 : f32
    %add3A_1834 = vector.broadcast %add3A_1833 : f32 to vector<128x1xf32>
    %add3A_1835 = arith.addf %sub3A_1832, %add3A_1834 : vector<128x1xf32>
    %rsqrt3A_1836 = math.rsqrt %add3A_1835 : vector<128x1xf32>
    %get3A_1837 = arith.constant 0 : index
    %get3A_1838 = arith.constant 31 : index
    %get3A_1839 = memref.load %arg4[%get3A_1837, %get3A_1838] : memref<1x41xf32, #tpu.memory_space<smem>>
    %sub3A_1840 = vector.broadcast %div3A_1823 : vector<128x1xf32> to vector<128x675xf32>
    %sub3A_1841 = arith.subf %mul3A_1817, %sub3A_1840 : vector<128x675xf32>
    %mul3A_1842 = vector.broadcast %rsqrt3A_1836 : vector<128x1xf32> to vector<128x675xf32>
    %mul3A_1843 = arith.mulf %sub3A_1841, %mul3A_1842 : vector<128x675xf32>
    %mul3A_1844 = vector.broadcast %get3A_1839 : f32 to vector<128x675xf32>
    %mul3A_1845 = arith.mulf %mul3A_1844, %mul3A_1843 : vector<128x675xf32>
    %add3A_1846 = arith.addf %add3A_1789, %mul3A_1845 : vector<128x675xf32>
    %slice3A_1847 = vector.extract_strided_slice %mul3A_23 {offsets = [0, 32], sizes = [128, 1], strides = [1, 1]} : vector<128x33xf32> to vector<128x1xf32>
    %get3A_1848 = arith.constant 32 : index
    %get3A_1849 = arith.constant 0 : index
    %get3A_1850 = vector.load %arg5[%get3A_1848, %get3A_1849] : memref<33x675xf32, #tpu.memory_space<vmem>>, vector<1x675xf32>
    %mul3A_1851 = vector.broadcast %slice3A_1847 : vector<128x1xf32> to vector<128x675xf32>
    %mul3A_1852 = vector.broadcast %get3A_1850 : vector<1x675xf32> to vector<128x675xf32>
    %mul3A_1853 = arith.mulf %mul3A_1851, %mul3A_1852 : vector<128x675xf32>
    %slice3A_1854 = vector.extract_strided_slice %rsqrt3A {offsets = [0, 32], sizes = [128, 1], strides = [1, 1]} : vector<128x33xf32> to vector<128x1xf32>
    %get3A_1855 = arith.constant 32 : index
    %get3A_1856 = arith.constant 0 : index
    %get3A_1857 = vector.load %arg6[%get3A_1855, %get3A_1856] : memref<33x675xf32, #tpu.memory_space<vmem>>, vector<1x675xf32>
    %mul3A_1858 = vector.broadcast %slice3A_1854 : vector<128x1xf32> to vector<128x675xf32>
    %mul3A_1859 = vector.broadcast %get3A_1857 : vector<1x675xf32> to vector<128x675xf32>
    %mul3A_1860 = arith.mulf %mul3A_1858, %mul3A_1859 : vector<128x675xf32>
    %add3A_1861 = arith.addf %mul3A_1853, %mul3A_1860 : vector<128x675xf32>
    %add3A_1862 = vector.broadcast %get3A_26 : vector<1x675xf32> to vector<128x675xf32>
    %add3A_1863 = arith.addf %add3A_1861, %add3A_1862 : vector<128x675xf32>
    %mul3A_1864 = arith.constant 5.000000e-01 : f32
    %mul3A_1865 = vector.broadcast %mul3A_1864 : f32 to vector<128x675xf32>
    %mul3A_1866 = arith.mulf %mul3A_1865, %add3A_1863 : vector<128x675xf32>
    %mul3A_1867 = arith.constant 0.707106769 : f32
    %mul3A_1868 = vector.broadcast %mul3A_1867 : f32 to vector<128x675xf32>
    %mul3A_1869 = arith.mulf %add3A_1863, %mul3A_1868 : vector<128x675xf32>
    %erf3A_1870 = math.erf %mul3A_1869 : vector<128x675xf32>
    %add3A_1871 = arith.constant 1.000000e+00 : f32
    %add3A_1872 = vector.broadcast %add3A_1871 : f32 to vector<128x675xf32>
    %add3A_1873 = arith.addf %add3A_1872, %erf3A_1870 : vector<128x675xf32>
    %mul3A_1874 = arith.mulf %mul3A_1866, %add3A_1873 : vector<128x675xf32>
    %reduce_sum3A_1875 = arith.constant dense<0.000000e+00> : vector<128xf32>
    %reduce_sum3A_1876 = vector.multi_reduction <add>, %mul3A_1874, %reduce_sum3A_1875 [1] : vector<128x675xf32> to vector<128xf32>
    %broadcast_in_dim3A_1877 = vector.shape_cast %reduce_sum3A_1876 : vector<128xf32> to vector<128x1xf32>
    %div3A_1878 = arith.constant 6.750000e+02 : f32
    %div3A_1879 = vector.broadcast %div3A_1878 : f32 to vector<128x1xf32>
    %div3A_1880 = arith.divf %broadcast_in_dim3A_1877, %div3A_1879 : vector<128x1xf32>
    %mul3A_1881 = arith.mulf %mul3A_1874, %mul3A_1874 : vector<128x675xf32>
    %reduce_sum3A_1882 = arith.constant dense<0.000000e+00> : vector<128xf32>
    %reduce_sum3A_1883 = vector.multi_reduction <add>, %mul3A_1881, %reduce_sum3A_1882 [1] : vector<128x675xf32> to vector<128xf32>
    %broadcast_in_dim3A_1884 = vector.shape_cast %reduce_sum3A_1883 : vector<128xf32> to vector<128x1xf32>
    %div3A_1885 = arith.constant 6.750000e+02 : f32
    %div3A_1886 = vector.broadcast %div3A_1885 : f32 to vector<128x1xf32>
    %div3A_1887 = arith.divf %broadcast_in_dim3A_1884, %div3A_1886 : vector<128x1xf32>
    %mul3A_1888 = arith.mulf %div3A_1880, %div3A_1880 : vector<128x1xf32>
    %sub3A_1889 = arith.subf %div3A_1887, %mul3A_1888 : vector<128x1xf32>
    %add3A_1890 = arith.constant 9.99999974E-6 : f32
    %add3A_1891 = vector.broadcast %add3A_1890 : f32 to vector<128x1xf32>
    %add3A_1892 = arith.addf %sub3A_1889, %add3A_1891 : vector<128x1xf32>
    %rsqrt3A_1893 = math.rsqrt %add3A_1892 : vector<128x1xf32>
    %get3A_1894 = arith.constant 0 : index
    %get3A_1895 = arith.constant 32 : index
    %get3A_1896 = memref.load %arg4[%get3A_1894, %get3A_1895] : memref<1x41xf32, #tpu.memory_space<smem>>
    %sub3A_1897 = vector.broadcast %div3A_1880 : vector<128x1xf32> to vector<128x675xf32>
    %sub3A_1898 = arith.subf %mul3A_1874, %sub3A_1897 : vector<128x675xf32>
    %mul3A_1899 = vector.broadcast %rsqrt3A_1893 : vector<128x1xf32> to vector<128x675xf32>
    %mul3A_1900 = arith.mulf %sub3A_1898, %mul3A_1899 : vector<128x675xf32>
    %mul3A_1901 = vector.broadcast %get3A_1896 : f32 to vector<128x675xf32>
    %mul3A_1902 = arith.mulf %mul3A_1901, %mul3A_1900 : vector<128x675xf32>
    %add3A_1903 = arith.addf %add3A_1846, %mul3A_1902 : vector<128x675xf32>
    %get3A_1904 = arith.constant 0 : index
    %get3A_1905 = arith.constant 0 : index
    %get3A_1906 = vector.load %arg9[%get3A_1904, %get3A_1905] : memref<1x1024xf32, #tpu.memory_space<vmem>>, vector<1x1024xf32>
    %get3A_1907 = arith.constant 0 : index
    %get3A_1908 = arith.constant 0 : index
    %get3A_1909 = vector.load %arg10[%get3A_1907, %get3A_1908] : memref<1x1024xf32, #tpu.memory_space<vmem>>, vector<1x1024xf32>
    %get3A_1910 = arith.constant 0 : index
    %get3A_1911 = arith.constant 0 : index
    %get3A_1912 = arith.constant 0 : index
    %get3A_1913 = vector.load %arg2[%get3A_1910, %get3A_1911, %get3A_1912] : memref<128x8x1024xf32, #tpu.memory_space<vmem>>, vector<128x1x1024xf32>
    %get3A_1914 = vector.shape_cast %get3A_1913 : vector<128x1x1024xf32> to vector<128x1024xf32>
    %get3A_1915 = arith.constant 0 : index
    %get3A_1916 = arith.constant 0 : index
    %get3A_1917 = vector.load %arg8[%get3A_1915, %get3A_1916] : memref<8x1024xf32, #tpu.memory_space<vmem>>, vector<1x1024xf32>
    %add3A_1918 = vector.broadcast %get3A_1917 : vector<1x1024xf32> to vector<128x1024xf32>
    %add3A_1919 = arith.addf %get3A_1914, %add3A_1918 : vector<128x1024xf32>
    %reduce_sum3A_1920 = arith.constant dense<0.000000e+00> : vector<128xf32>
    %reduce_sum3A_1921 = vector.multi_reduction <add>, %add3A_1919, %reduce_sum3A_1920 [1] : vector<128x1024xf32> to vector<128xf32>
    %broadcast_in_dim3A_1922 = vector.shape_cast %reduce_sum3A_1921 : vector<128xf32> to vector<128x1xf32>
    %div3A_1923 = arith.constant 1.024000e+03 : f32
    %div3A_1924 = vector.broadcast %div3A_1923 : f32 to vector<128x1xf32>
    %div3A_1925 = arith.divf %broadcast_in_dim3A_1922, %div3A_1924 : vector<128x1xf32>
    %mul3A_1926 = arith.mulf %add3A_1919, %add3A_1919 : vector<128x1024xf32>
    %reduce_sum3A_1927 = arith.constant dense<0.000000e+00> : vector<128xf32>
    %reduce_sum3A_1928 = vector.multi_reduction <add>, %mul3A_1926, %reduce_sum3A_1927 [1] : vector<128x1024xf32> to vector<128xf32>
    %broadcast_in_dim3A_1929 = vector.shape_cast %reduce_sum3A_1928 : vector<128xf32> to vector<128x1xf32>
    %div3A_1930 = arith.constant 1.024000e+03 : f32
    %div3A_1931 = vector.broadcast %div3A_1930 : f32 to vector<128x1xf32>
    %div3A_1932 = arith.divf %broadcast_in_dim3A_1929, %div3A_1931 : vector<128x1xf32>
    %mul3A_1933 = arith.mulf %div3A_1925, %div3A_1925 : vector<128x1xf32>
    %sub3A_1934 = arith.subf %div3A_1932, %mul3A_1933 : vector<128x1xf32>
    %sub3A_1935 = vector.broadcast %div3A_1925 : vector<128x1xf32> to vector<128x1024xf32>
    %sub3A_1936 = arith.subf %add3A_1919, %sub3A_1935 : vector<128x1024xf32>
    %add3A_1937 = arith.constant 9.99999974E-6 : f32
    %add3A_1938 = vector.broadcast %add3A_1937 : f32 to vector<128x1xf32>
    %add3A_1939 = arith.addf %sub3A_1934, %add3A_1938 : vector<128x1xf32>
    %rsqrt3A_1940 = math.rsqrt %add3A_1939 : vector<128x1xf32>
    %mul3A_1941 = vector.broadcast %rsqrt3A_1940 : vector<128x1xf32> to vector<128x1024xf32>
    %mul3A_1942 = arith.mulf %sub3A_1936, %mul3A_1941 : vector<128x1024xf32>
    %mul3A_1943 = vector.broadcast %get3A_1906 : vector<1x1024xf32> to vector<128x1024xf32>
    %mul3A_1944 = arith.mulf %mul3A_1942, %mul3A_1943 : vector<128x1024xf32>
    %add3A_1945 = vector.broadcast %get3A_1909 : vector<1x1024xf32> to vector<128x1024xf32>
    %add3A_1946 = arith.addf %mul3A_1944, %add3A_1945 : vector<128x1024xf32>
    %get3A_1947 = arith.constant 0 : index
    %get3A_1948 = arith.constant 1 : index
    %get3A_1949 = arith.constant 0 : index
    %get3A_1950 = vector.load %arg2[%get3A_1947, %get3A_1948, %get3A_1949] : memref<128x8x1024xf32, #tpu.memory_space<vmem>>, vector<128x1x1024xf32>
    %get3A_1951 = vector.shape_cast %get3A_1950 : vector<128x1x1024xf32> to vector<128x1024xf32>
    %get3A_1952 = arith.constant 1 : index
    %get3A_1953 = arith.constant 0 : index
    %get3A_1954 = vector.load %arg8[%get3A_1952, %get3A_1953] : memref<8x1024xf32, #tpu.memory_space<vmem>>, vector<1x1024xf32>
    %add3A_1955 = vector.broadcast %get3A_1954 : vector<1x1024xf32> to vector<128x1024xf32>
    %add3A_1956 = arith.addf %get3A_1951, %add3A_1955 : vector<128x1024xf32>
    %reduce_sum3A_1957 = arith.constant dense<0.000000e+00> : vector<128xf32>
    %reduce_sum3A_1958 = vector.multi_reduction <add>, %add3A_1956, %reduce_sum3A_1957 [1] : vector<128x1024xf32> to vector<128xf32>
    %broadcast_in_dim3A_1959 = vector.shape_cast %reduce_sum3A_1958 : vector<128xf32> to vector<128x1xf32>
    %div3A_1960 = arith.constant 1.024000e+03 : f32
    %div3A_1961 = vector.broadcast %div3A_1960 : f32 to vector<128x1xf32>
    %div3A_1962 = arith.divf %broadcast_in_dim3A_1959, %div3A_1961 : vector<128x1xf32>
    %mul3A_1963 = arith.mulf %add3A_1956, %add3A_1956 : vector<128x1024xf32>
    %reduce_sum3A_1964 = arith.constant dense<0.000000e+00> : vector<128xf32>
    %reduce_sum3A_1965 = vector.multi_reduction <add>, %mul3A_1963, %reduce_sum3A_1964 [1] : vector<128x1024xf32> to vector<128xf32>
    %broadcast_in_dim3A_1966 = vector.shape_cast %reduce_sum3A_1965 : vector<128xf32> to vector<128x1xf32>
    %div3A_1967 = arith.constant 1.024000e+03 : f32
    %div3A_1968 = vector.broadcast %div3A_1967 : f32 to vector<128x1xf32>
    %div3A_1969 = arith.divf %broadcast_in_dim3A_1966, %div3A_1968 : vector<128x1xf32>
    %mul3A_1970 = arith.mulf %div3A_1962, %div3A_1962 : vector<128x1xf32>
    %sub3A_1971 = arith.subf %div3A_1969, %mul3A_1970 : vector<128x1xf32>
    %sub3A_1972 = vector.broadcast %div3A_1962 : vector<128x1xf32> to vector<128x1024xf32>
    %sub3A_1973 = arith.subf %add3A_1956, %sub3A_1972 : vector<128x1024xf32>
    %add3A_1974 = arith.constant 9.99999974E-6 : f32
    %add3A_1975 = vector.broadcast %add3A_1974 : f32 to vector<128x1xf32>
    %add3A_1976 = arith.addf %sub3A_1971, %add3A_1975 : vector<128x1xf32>
    %rsqrt3A_1977 = math.rsqrt %add3A_1976 : vector<128x1xf32>
    %mul3A_1978 = vector.broadcast %rsqrt3A_1977 : vector<128x1xf32> to vector<128x1024xf32>
    %mul3A_1979 = arith.mulf %sub3A_1973, %mul3A_1978 : vector<128x1024xf32>
    %mul3A_1980 = vector.broadcast %get3A_1906 : vector<1x1024xf32> to vector<128x1024xf32>
    %mul3A_1981 = arith.mulf %mul3A_1979, %mul3A_1980 : vector<128x1024xf32>
    %add3A_1982 = vector.broadcast %get3A_1909 : vector<1x1024xf32> to vector<128x1024xf32>
    %add3A_1983 = arith.addf %mul3A_1981, %add3A_1982 : vector<128x1024xf32>
    %get3A_1984 = arith.constant 0 : index
    %get3A_1985 = arith.constant 2 : index
    %get3A_1986 = arith.constant 0 : index
    %get3A_1987 = vector.load %arg2[%get3A_1984, %get3A_1985, %get3A_1986] : memref<128x8x1024xf32, #tpu.memory_space<vmem>>, vector<128x1x1024xf32>
    %get3A_1988 = vector.shape_cast %get3A_1987 : vector<128x1x1024xf32> to vector<128x1024xf32>
    %get3A_1989 = arith.constant 2 : index
    %get3A_1990 = arith.constant 0 : index
    %get3A_1991 = vector.load %arg8[%get3A_1989, %get3A_1990] : memref<8x1024xf32, #tpu.memory_space<vmem>>, vector<1x1024xf32>
    %add3A_1992 = vector.broadcast %get3A_1991 : vector<1x1024xf32> to vector<128x1024xf32>
    %add3A_1993 = arith.addf %get3A_1988, %add3A_1992 : vector<128x1024xf32>
    %reduce_sum3A_1994 = arith.constant dense<0.000000e+00> : vector<128xf32>
    %reduce_sum3A_1995 = vector.multi_reduction <add>, %add3A_1993, %reduce_sum3A_1994 [1] : vector<128x1024xf32> to vector<128xf32>
    %broadcast_in_dim3A_1996 = vector.shape_cast %reduce_sum3A_1995 : vector<128xf32> to vector<128x1xf32>
    %div3A_1997 = arith.constant 1.024000e+03 : f32
    %div3A_1998 = vector.broadcast %div3A_1997 : f32 to vector<128x1xf32>
    %div3A_1999 = arith.divf %broadcast_in_dim3A_1996, %div3A_1998 : vector<128x1xf32>
    %mul3A_2000 = arith.mulf %add3A_1993, %add3A_1993 : vector<128x1024xf32>
    %reduce_sum3A_2001 = arith.constant dense<0.000000e+00> : vector<128xf32>
    %reduce_sum3A_2002 = vector.multi_reduction <add>, %mul3A_2000, %reduce_sum3A_2001 [1] : vector<128x1024xf32> to vector<128xf32>
    %broadcast_in_dim3A_2003 = vector.shape_cast %reduce_sum3A_2002 : vector<128xf32> to vector<128x1xf32>
    %div3A_2004 = arith.constant 1.024000e+03 : f32
    %div3A_2005 = vector.broadcast %div3A_2004 : f32 to vector<128x1xf32>
    %div3A_2006 = arith.divf %broadcast_in_dim3A_2003, %div3A_2005 : vector<128x1xf32>
    %mul3A_2007 = arith.mulf %div3A_1999, %div3A_1999 : vector<128x1xf32>
    %sub3A_2008 = arith.subf %div3A_2006, %mul3A_2007 : vector<128x1xf32>
    %sub3A_2009 = vector.broadcast %div3A_1999 : vector<128x1xf32> to vector<128x1024xf32>
    %sub3A_2010 = arith.subf %add3A_1993, %sub3A_2009 : vector<128x1024xf32>
    %add3A_2011 = arith.constant 9.99999974E-6 : f32
    %add3A_2012 = vector.broadcast %add3A_2011 : f32 to vector<128x1xf32>
    %add3A_2013 = arith.addf %sub3A_2008, %add3A_2012 : vector<128x1xf32>
    %rsqrt3A_2014 = math.rsqrt %add3A_2013 : vector<128x1xf32>
    %mul3A_2015 = vector.broadcast %rsqrt3A_2014 : vector<128x1xf32> to vector<128x1024xf32>
    %mul3A_2016 = arith.mulf %sub3A_2010, %mul3A_2015 : vector<128x1024xf32>
    %mul3A_2017 = vector.broadcast %get3A_1906 : vector<1x1024xf32> to vector<128x1024xf32>
    %mul3A_2018 = arith.mulf %mul3A_2016, %mul3A_2017 : vector<128x1024xf32>
    %add3A_2019 = vector.broadcast %get3A_1909 : vector<1x1024xf32> to vector<128x1024xf32>
    %add3A_2020 = arith.addf %mul3A_2018, %add3A_2019 : vector<128x1024xf32>
    %get3A_2021 = arith.constant 0 : index
    %get3A_2022 = arith.constant 3 : index
    %get3A_2023 = arith.constant 0 : index
    %get3A_2024 = vector.load %arg2[%get3A_2021, %get3A_2022, %get3A_2023] : memref<128x8x1024xf32, #tpu.memory_space<vmem>>, vector<128x1x1024xf32>
    %get3A_2025 = vector.shape_cast %get3A_2024 : vector<128x1x1024xf32> to vector<128x1024xf32>
    %get3A_2026 = arith.constant 3 : index
    %get3A_2027 = arith.constant 0 : index
    %get3A_2028 = vector.load %arg8[%get3A_2026, %get3A_2027] : memref<8x1024xf32, #tpu.memory_space<vmem>>, vector<1x1024xf32>
    %add3A_2029 = vector.broadcast %get3A_2028 : vector<1x1024xf32> to vector<128x1024xf32>
    %add3A_2030 = arith.addf %get3A_2025, %add3A_2029 : vector<128x1024xf32>
    %reduce_sum3A_2031 = arith.constant dense<0.000000e+00> : vector<128xf32>
    %reduce_sum3A_2032 = vector.multi_reduction <add>, %add3A_2030, %reduce_sum3A_2031 [1] : vector<128x1024xf32> to vector<128xf32>
    %broadcast_in_dim3A_2033 = vector.shape_cast %reduce_sum3A_2032 : vector<128xf32> to vector<128x1xf32>
    %div3A_2034 = arith.constant 1.024000e+03 : f32
    %div3A_2035 = vector.broadcast %div3A_2034 : f32 to vector<128x1xf32>
    %div3A_2036 = arith.divf %broadcast_in_dim3A_2033, %div3A_2035 : vector<128x1xf32>
    %mul3A_2037 = arith.mulf %add3A_2030, %add3A_2030 : vector<128x1024xf32>
    %reduce_sum3A_2038 = arith.constant dense<0.000000e+00> : vector<128xf32>
    %reduce_sum3A_2039 = vector.multi_reduction <add>, %mul3A_2037, %reduce_sum3A_2038 [1] : vector<128x1024xf32> to vector<128xf32>
    %broadcast_in_dim3A_2040 = vector.shape_cast %reduce_sum3A_2039 : vector<128xf32> to vector<128x1xf32>
    %div3A_2041 = arith.constant 1.024000e+03 : f32
    %div3A_2042 = vector.broadcast %div3A_2041 : f32 to vector<128x1xf32>
    %div3A_2043 = arith.divf %broadcast_in_dim3A_2040, %div3A_2042 : vector<128x1xf32>
    %mul3A_2044 = arith.mulf %div3A_2036, %div3A_2036 : vector<128x1xf32>
    %sub3A_2045 = arith.subf %div3A_2043, %mul3A_2044 : vector<128x1xf32>
    %sub3A_2046 = vector.broadcast %div3A_2036 : vector<128x1xf32> to vector<128x1024xf32>
    %sub3A_2047 = arith.subf %add3A_2030, %sub3A_2046 : vector<128x1024xf32>
    %add3A_2048 = arith.constant 9.99999974E-6 : f32
    %add3A_2049 = vector.broadcast %add3A_2048 : f32 to vector<128x1xf32>
    %add3A_2050 = arith.addf %sub3A_2045, %add3A_2049 : vector<128x1xf32>
    %rsqrt3A_2051 = math.rsqrt %add3A_2050 : vector<128x1xf32>
    %mul3A_2052 = vector.broadcast %rsqrt3A_2051 : vector<128x1xf32> to vector<128x1024xf32>
    %mul3A_2053 = arith.mulf %sub3A_2047, %mul3A_2052 : vector<128x1024xf32>
    %mul3A_2054 = vector.broadcast %get3A_1906 : vector<1x1024xf32> to vector<128x1024xf32>
    %mul3A_2055 = arith.mulf %mul3A_2053, %mul3A_2054 : vector<128x1024xf32>
    %add3A_2056 = vector.broadcast %get3A_1909 : vector<1x1024xf32> to vector<128x1024xf32>
    %add3A_2057 = arith.addf %mul3A_2055, %add3A_2056 : vector<128x1024xf32>
    %get3A_2058 = arith.constant 0 : index
    %get3A_2059 = arith.constant 4 : index
    %get3A_2060 = arith.constant 0 : index
    %get3A_2061 = vector.load %arg2[%get3A_2058, %get3A_2059, %get3A_2060] : memref<128x8x1024xf32, #tpu.memory_space<vmem>>, vector<128x1x1024xf32>
    %get3A_2062 = vector.shape_cast %get3A_2061 : vector<128x1x1024xf32> to vector<128x1024xf32>
    %get3A_2063 = arith.constant 4 : index
    %get3A_2064 = arith.constant 0 : index
    %get3A_2065 = vector.load %arg8[%get3A_2063, %get3A_2064] : memref<8x1024xf32, #tpu.memory_space<vmem>>, vector<1x1024xf32>
    %add3A_2066 = vector.broadcast %get3A_2065 : vector<1x1024xf32> to vector<128x1024xf32>
    %add3A_2067 = arith.addf %get3A_2062, %add3A_2066 : vector<128x1024xf32>
    %reduce_sum3A_2068 = arith.constant dense<0.000000e+00> : vector<128xf32>
    %reduce_sum3A_2069 = vector.multi_reduction <add>, %add3A_2067, %reduce_sum3A_2068 [1] : vector<128x1024xf32> to vector<128xf32>
    %broadcast_in_dim3A_2070 = vector.shape_cast %reduce_sum3A_2069 : vector<128xf32> to vector<128x1xf32>
    %div3A_2071 = arith.constant 1.024000e+03 : f32
    %div3A_2072 = vector.broadcast %div3A_2071 : f32 to vector<128x1xf32>
    %div3A_2073 = arith.divf %broadcast_in_dim3A_2070, %div3A_2072 : vector<128x1xf32>
    %mul3A_2074 = arith.mulf %add3A_2067, %add3A_2067 : vector<128x1024xf32>
    %reduce_sum3A_2075 = arith.constant dense<0.000000e+00> : vector<128xf32>
    %reduce_sum3A_2076 = vector.multi_reduction <add>, %mul3A_2074, %reduce_sum3A_2075 [1] : vector<128x1024xf32> to vector<128xf32>
    %broadcast_in_dim3A_2077 = vector.shape_cast %reduce_sum3A_2076 : vector<128xf32> to vector<128x1xf32>
    %div3A_2078 = arith.constant 1.024000e+03 : f32
    %div3A_2079 = vector.broadcast %div3A_2078 : f32 to vector<128x1xf32>
    %div3A_2080 = arith.divf %broadcast_in_dim3A_2077, %div3A_2079 : vector<128x1xf32>
    %mul3A_2081 = arith.mulf %div3A_2073, %div3A_2073 : vector<128x1xf32>
    %sub3A_2082 = arith.subf %div3A_2080, %mul3A_2081 : vector<128x1xf32>
    %sub3A_2083 = vector.broadcast %div3A_2073 : vector<128x1xf32> to vector<128x1024xf32>
    %sub3A_2084 = arith.subf %add3A_2067, %sub3A_2083 : vector<128x1024xf32>
    %add3A_2085 = arith.constant 9.99999974E-6 : f32
    %add3A_2086 = vector.broadcast %add3A_2085 : f32 to vector<128x1xf32>
    %add3A_2087 = arith.addf %sub3A_2082, %add3A_2086 : vector<128x1xf32>
    %rsqrt3A_2088 = math.rsqrt %add3A_2087 : vector<128x1xf32>
    %mul3A_2089 = vector.broadcast %rsqrt3A_2088 : vector<128x1xf32> to vector<128x1024xf32>
    %mul3A_2090 = arith.mulf %sub3A_2084, %mul3A_2089 : vector<128x1024xf32>
    %mul3A_2091 = vector.broadcast %get3A_1906 : vector<1x1024xf32> to vector<128x1024xf32>
    %mul3A_2092 = arith.mulf %mul3A_2090, %mul3A_2091 : vector<128x1024xf32>
    %add3A_2093 = vector.broadcast %get3A_1909 : vector<1x1024xf32> to vector<128x1024xf32>
    %add3A_2094 = arith.addf %mul3A_2092, %add3A_2093 : vector<128x1024xf32>
    %get3A_2095 = arith.constant 0 : index
    %get3A_2096 = arith.constant 5 : index
    %get3A_2097 = arith.constant 0 : index
    %get3A_2098 = vector.load %arg2[%get3A_2095, %get3A_2096, %get3A_2097] : memref<128x8x1024xf32, #tpu.memory_space<vmem>>, vector<128x1x1024xf32>
    %get3A_2099 = vector.shape_cast %get3A_2098 : vector<128x1x1024xf32> to vector<128x1024xf32>
    %get3A_2100 = arith.constant 5 : index
    %get3A_2101 = arith.constant 0 : index
    %get3A_2102 = vector.load %arg8[%get3A_2100, %get3A_2101] : memref<8x1024xf32, #tpu.memory_space<vmem>>, vector<1x1024xf32>
    %add3A_2103 = vector.broadcast %get3A_2102 : vector<1x1024xf32> to vector<128x1024xf32>
    %add3A_2104 = arith.addf %get3A_2099, %add3A_2103 : vector<128x1024xf32>
    %reduce_sum3A_2105 = arith.constant dense<0.000000e+00> : vector<128xf32>
    %reduce_sum3A_2106 = vector.multi_reduction <add>, %add3A_2104, %reduce_sum3A_2105 [1] : vector<128x1024xf32> to vector<128xf32>
    %broadcast_in_dim3A_2107 = vector.shape_cast %reduce_sum3A_2106 : vector<128xf32> to vector<128x1xf32>
    %div3A_2108 = arith.constant 1.024000e+03 : f32
    %div3A_2109 = vector.broadcast %div3A_2108 : f32 to vector<128x1xf32>
    %div3A_2110 = arith.divf %broadcast_in_dim3A_2107, %div3A_2109 : vector<128x1xf32>
    %mul3A_2111 = arith.mulf %add3A_2104, %add3A_2104 : vector<128x1024xf32>
    %reduce_sum3A_2112 = arith.constant dense<0.000000e+00> : vector<128xf32>
    %reduce_sum3A_2113 = vector.multi_reduction <add>, %mul3A_2111, %reduce_sum3A_2112 [1] : vector<128x1024xf32> to vector<128xf32>
    %broadcast_in_dim3A_2114 = vector.shape_cast %reduce_sum3A_2113 : vector<128xf32> to vector<128x1xf32>
    %div3A_2115 = arith.constant 1.024000e+03 : f32
    %div3A_2116 = vector.broadcast %div3A_2115 : f32 to vector<128x1xf32>
    %div3A_2117 = arith.divf %broadcast_in_dim3A_2114, %div3A_2116 : vector<128x1xf32>
    %mul3A_2118 = arith.mulf %div3A_2110, %div3A_2110 : vector<128x1xf32>
    %sub3A_2119 = arith.subf %div3A_2117, %mul3A_2118 : vector<128x1xf32>
    %sub3A_2120 = vector.broadcast %div3A_2110 : vector<128x1xf32> to vector<128x1024xf32>
    %sub3A_2121 = arith.subf %add3A_2104, %sub3A_2120 : vector<128x1024xf32>
    %add3A_2122 = arith.constant 9.99999974E-6 : f32
    %add3A_2123 = vector.broadcast %add3A_2122 : f32 to vector<128x1xf32>
    %add3A_2124 = arith.addf %sub3A_2119, %add3A_2123 : vector<128x1xf32>
    %rsqrt3A_2125 = math.rsqrt %add3A_2124 : vector<128x1xf32>
    %mul3A_2126 = vector.broadcast %rsqrt3A_2125 : vector<128x1xf32> to vector<128x1024xf32>
    %mul3A_2127 = arith.mulf %sub3A_2121, %mul3A_2126 : vector<128x1024xf32>
    %mul3A_2128 = vector.broadcast %get3A_1906 : vector<1x1024xf32> to vector<128x1024xf32>
    %mul3A_2129 = arith.mulf %mul3A_2127, %mul3A_2128 : vector<128x1024xf32>
    %add3A_2130 = vector.broadcast %get3A_1909 : vector<1x1024xf32> to vector<128x1024xf32>
    %add3A_2131 = arith.addf %mul3A_2129, %add3A_2130 : vector<128x1024xf32>
    %get3A_2132 = arith.constant 0 : index
    %get3A_2133 = arith.constant 6 : index
    %get3A_2134 = arith.constant 0 : index
    %get3A_2135 = vector.load %arg2[%get3A_2132, %get3A_2133, %get3A_2134] : memref<128x8x1024xf32, #tpu.memory_space<vmem>>, vector<128x1x1024xf32>
    %get3A_2136 = vector.shape_cast %get3A_2135 : vector<128x1x1024xf32> to vector<128x1024xf32>
    %get3A_2137 = arith.constant 6 : index
    %get3A_2138 = arith.constant 0 : index
    %get3A_2139 = vector.load %arg8[%get3A_2137, %get3A_2138] : memref<8x1024xf32, #tpu.memory_space<vmem>>, vector<1x1024xf32>
    %add3A_2140 = vector.broadcast %get3A_2139 : vector<1x1024xf32> to vector<128x1024xf32>
    %add3A_2141 = arith.addf %get3A_2136, %add3A_2140 : vector<128x1024xf32>
    %reduce_sum3A_2142 = arith.constant dense<0.000000e+00> : vector<128xf32>
    %reduce_sum3A_2143 = vector.multi_reduction <add>, %add3A_2141, %reduce_sum3A_2142 [1] : vector<128x1024xf32> to vector<128xf32>
    %broadcast_in_dim3A_2144 = vector.shape_cast %reduce_sum3A_2143 : vector<128xf32> to vector<128x1xf32>
    %div3A_2145 = arith.constant 1.024000e+03 : f32
    %div3A_2146 = vector.broadcast %div3A_2145 : f32 to vector<128x1xf32>
    %div3A_2147 = arith.divf %broadcast_in_dim3A_2144, %div3A_2146 : vector<128x1xf32>
    %mul3A_2148 = arith.mulf %add3A_2141, %add3A_2141 : vector<128x1024xf32>
    %reduce_sum3A_2149 = arith.constant dense<0.000000e+00> : vector<128xf32>
    %reduce_sum3A_2150 = vector.multi_reduction <add>, %mul3A_2148, %reduce_sum3A_2149 [1] : vector<128x1024xf32> to vector<128xf32>
    %broadcast_in_dim3A_2151 = vector.shape_cast %reduce_sum3A_2150 : vector<128xf32> to vector<128x1xf32>
    %div3A_2152 = arith.constant 1.024000e+03 : f32
    %div3A_2153 = vector.broadcast %div3A_2152 : f32 to vector<128x1xf32>
    %div3A_2154 = arith.divf %broadcast_in_dim3A_2151, %div3A_2153 : vector<128x1xf32>
    %mul3A_2155 = arith.mulf %div3A_2147, %div3A_2147 : vector<128x1xf32>
    %sub3A_2156 = arith.subf %div3A_2154, %mul3A_2155 : vector<128x1xf32>
    %sub3A_2157 = vector.broadcast %div3A_2147 : vector<128x1xf32> to vector<128x1024xf32>
    %sub3A_2158 = arith.subf %add3A_2141, %sub3A_2157 : vector<128x1024xf32>
    %add3A_2159 = arith.constant 9.99999974E-6 : f32
    %add3A_2160 = vector.broadcast %add3A_2159 : f32 to vector<128x1xf32>
    %add3A_2161 = arith.addf %sub3A_2156, %add3A_2160 : vector<128x1xf32>
    %rsqrt3A_2162 = math.rsqrt %add3A_2161 : vector<128x1xf32>
    %mul3A_2163 = vector.broadcast %rsqrt3A_2162 : vector<128x1xf32> to vector<128x1024xf32>
    %mul3A_2164 = arith.mulf %sub3A_2158, %mul3A_2163 : vector<128x1024xf32>
    %mul3A_2165 = vector.broadcast %get3A_1906 : vector<1x1024xf32> to vector<128x1024xf32>
    %mul3A_2166 = arith.mulf %mul3A_2164, %mul3A_2165 : vector<128x1024xf32>
    %add3A_2167 = vector.broadcast %get3A_1909 : vector<1x1024xf32> to vector<128x1024xf32>
    %add3A_2168 = arith.addf %mul3A_2166, %add3A_2167 : vector<128x1024xf32>
    %get3A_2169 = arith.constant 0 : index
    %get3A_2170 = arith.constant 7 : index
    %get3A_2171 = arith.constant 0 : index
    %get3A_2172 = vector.load %arg2[%get3A_2169, %get3A_2170, %get3A_2171] : memref<128x8x1024xf32, #tpu.memory_space<vmem>>, vector<128x1x1024xf32>
    %get3A_2173 = vector.shape_cast %get3A_2172 : vector<128x1x1024xf32> to vector<128x1024xf32>
    %get3A_2174 = arith.constant 7 : index
    %get3A_2175 = arith.constant 0 : index
    %get3A_2176 = vector.load %arg8[%get3A_2174, %get3A_2175] : memref<8x1024xf32, #tpu.memory_space<vmem>>, vector<1x1024xf32>
    %add3A_2177 = vector.broadcast %get3A_2176 : vector<1x1024xf32> to vector<128x1024xf32>
    %add3A_2178 = arith.addf %get3A_2173, %add3A_2177 : vector<128x1024xf32>
    %reduce_sum3A_2179 = arith.constant dense<0.000000e+00> : vector<128xf32>
    %reduce_sum3A_2180 = vector.multi_reduction <add>, %add3A_2178, %reduce_sum3A_2179 [1] : vector<128x1024xf32> to vector<128xf32>
    %broadcast_in_dim3A_2181 = vector.shape_cast %reduce_sum3A_2180 : vector<128xf32> to vector<128x1xf32>
    %div3A_2182 = arith.constant 1.024000e+03 : f32
    %div3A_2183 = vector.broadcast %div3A_2182 : f32 to vector<128x1xf32>
    %div3A_2184 = arith.divf %broadcast_in_dim3A_2181, %div3A_2183 : vector<128x1xf32>
    %mul3A_2185 = arith.mulf %add3A_2178, %add3A_2178 : vector<128x1024xf32>
    %reduce_sum3A_2186 = arith.constant dense<0.000000e+00> : vector<128xf32>
    %reduce_sum3A_2187 = vector.multi_reduction <add>, %mul3A_2185, %reduce_sum3A_2186 [1] : vector<128x1024xf32> to vector<128xf32>
    %broadcast_in_dim3A_2188 = vector.shape_cast %reduce_sum3A_2187 : vector<128xf32> to vector<128x1xf32>
    %div3A_2189 = arith.constant 1.024000e+03 : f32
    %div3A_2190 = vector.broadcast %div3A_2189 : f32 to vector<128x1xf32>
    %div3A_2191 = arith.divf %broadcast_in_dim3A_2188, %div3A_2190 : vector<128x1xf32>
    %mul3A_2192 = arith.mulf %div3A_2184, %div3A_2184 : vector<128x1xf32>
    %sub3A_2193 = arith.subf %div3A_2191, %mul3A_2192 : vector<128x1xf32>
    %sub3A_2194 = vector.broadcast %div3A_2184 : vector<128x1xf32> to vector<128x1024xf32>
    %sub3A_2195 = arith.subf %add3A_2178, %sub3A_2194 : vector<128x1024xf32>
    %add3A_2196 = arith.constant 9.99999974E-6 : f32
    %add3A_2197 = vector.broadcast %add3A_2196 : f32 to vector<128x1xf32>
    %add3A_2198 = arith.addf %sub3A_2193, %add3A_2197 : vector<128x1xf32>
    %rsqrt3A_2199 = math.rsqrt %add3A_2198 : vector<128x1xf32>
    %mul3A_2200 = vector.broadcast %rsqrt3A_2199 : vector<128x1xf32> to vector<128x1024xf32>
    %mul3A_2201 = arith.mulf %sub3A_2195, %mul3A_2200 : vector<128x1024xf32>
    %mul3A_2202 = vector.broadcast %get3A_1906 : vector<1x1024xf32> to vector<128x1024xf32>
    %mul3A_2203 = arith.mulf %mul3A_2201, %mul3A_2202 : vector<128x1024xf32>
    %add3A_2204 = vector.broadcast %get3A_1909 : vector<1x1024xf32> to vector<128x1024xf32>
    %add3A_2205 = arith.addf %mul3A_2203, %add3A_2204 : vector<128x1024xf32>
    %concatenate3A = tpu.concatenate %add3A_1946, %add3A_1983, %add3A_2020, %add3A_2057, %add3A_2094, %add3A_2131, %add3A_2168, %add3A_2205 in 0 : vector<128x1024xf32>, vector<128x1024xf32>, vector<128x1024xf32>, vector<128x1024xf32>, vector<128x1024xf32>, vector<128x1024xf32>, vector<128x1024xf32>, vector<128x1024xf32> -> vector<1024x1024xf32>
    %convert_element_type3A = arith.truncf %concatenate3A : vector<1024x1024xf32> to vector<1024x1024xbf16>
    %get3A_2206 = arith.constant 0 : index
    %get3A_2207 = arith.constant 0 : index
    %get3A_2208 = vector.load %arg11[%get3A_2206, %get3A_2207] : memref<1024x675xbf16, #tpu.memory_space<vmem>>, vector<1024x675xbf16>
    %dot_general3A = arith.constant dense<0.000000e+00> : vector<1024x675xf32>
    %dot_general3A_2209 = tpu.matmul %convert_element_type3A, %get3A_2208, %dot_general3A {dimension_numbers = #tpu.dot_dimension_numbers<[1], [0], [0], [1], [0, 0, 1, 1], [], []>, transpose_lhs_hint = false} : vector<1024x1024xbf16>, vector<1024x675xbf16>, vector<1024x675xf32> -> vector<1024x675xf32>
    %get3A_2210 = arith.constant 0 : index
    %get3A_2211 = arith.constant 0 : index
    %get3A_2212 = vector.load %arg12[%get3A_2210, %get3A_2211] : memref<1x675xf32, #tpu.memory_space<vmem>>, vector<1x675xf32>
    %add3A_2213 = vector.broadcast %get3A_2212 : vector<1x675xf32> to vector<1024x675xf32>
    %add3A_2214 = arith.addf %dot_general3A_2209, %add3A_2213 : vector<1024x675xf32>
    %mul3A_2215 = arith.constant 5.000000e-01 : f32
    %mul3A_2216 = vector.broadcast %mul3A_2215 : f32 to vector<1024x675xf32>
    %mul3A_2217 = arith.mulf %mul3A_2216, %add3A_2214 : vector<1024x675xf32>
    %mul3A_2218 = arith.constant 0.707106769 : f32
    %mul3A_2219 = vector.broadcast %mul3A_2218 : f32 to vector<1024x675xf32>
    %mul3A_2220 = arith.mulf %add3A_2214, %mul3A_2219 : vector<1024x675xf32>
    %erf3A_2221 = math.erf %mul3A_2220 : vector<1024x675xf32>
    %add3A_2222 = arith.constant 1.000000e+00 : f32
    %add3A_2223 = vector.broadcast %add3A_2222 : f32 to vector<1024x675xf32>
    %add3A_2224 = arith.addf %add3A_2223, %erf3A_2221 : vector<1024x675xf32>
    %mul3A_2225 = arith.mulf %mul3A_2217, %add3A_2224 : vector<1024x675xf32>
    %reduce_sum3A_2226 = arith.constant dense<0.000000e+00> : vector<1024xf32>
    %reduce_sum3A_2227 = vector.multi_reduction <add>, %mul3A_2225, %reduce_sum3A_2226 [1] : vector<1024x675xf32> to vector<1024xf32>
    %broadcast_in_dim3A_2228 = vector.shape_cast %reduce_sum3A_2227 : vector<1024xf32> to vector<1024x1xf32>
    %div3A_2229 = arith.constant 6.750000e+02 : f32
    %div3A_2230 = vector.broadcast %div3A_2229 : f32 to vector<1024x1xf32>
    %div3A_2231 = arith.divf %broadcast_in_dim3A_2228, %div3A_2230 : vector<1024x1xf32>
    %mul3A_2232 = arith.mulf %mul3A_2225, %mul3A_2225 : vector<1024x675xf32>
    %reduce_sum3A_2233 = arith.constant dense<0.000000e+00> : vector<1024xf32>
    %reduce_sum3A_2234 = vector.multi_reduction <add>, %mul3A_2232, %reduce_sum3A_2233 [1] : vector<1024x675xf32> to vector<1024xf32>
    %broadcast_in_dim3A_2235 = vector.shape_cast %reduce_sum3A_2234 : vector<1024xf32> to vector<1024x1xf32>
    %div3A_2236 = arith.constant 6.750000e+02 : f32
    %div3A_2237 = vector.broadcast %div3A_2236 : f32 to vector<1024x1xf32>
    %div3A_2238 = arith.divf %broadcast_in_dim3A_2235, %div3A_2237 : vector<1024x1xf32>
    %mul3A_2239 = arith.mulf %div3A_2231, %div3A_2231 : vector<1024x1xf32>
    %sub3A_2240 = arith.subf %div3A_2238, %mul3A_2239 : vector<1024x1xf32>
    %add3A_2241 = arith.constant 9.99999974E-6 : f32
    %add3A_2242 = vector.broadcast %add3A_2241 : f32 to vector<1024x1xf32>
    %add3A_2243 = arith.addf %sub3A_2240, %add3A_2242 : vector<1024x1xf32>
    %rsqrt3A_2244 = math.rsqrt %add3A_2243 : vector<1024x1xf32>
    %sub3A_2245 = vector.broadcast %div3A_2231 : vector<1024x1xf32> to vector<1024x675xf32>
    %sub3A_2246 = arith.subf %mul3A_2225, %sub3A_2245 : vector<1024x675xf32>
    %mul3A_2247 = vector.broadcast %rsqrt3A_2244 : vector<1024x1xf32> to vector<1024x675xf32>
    %mul3A_2248 = arith.mulf %sub3A_2246, %mul3A_2247 : vector<1024x675xf32>
    %get3A_2249 = arith.constant 0 : index
    %get3A_2250 = arith.constant 33 : index
    %get3A_2251 = memref.load %arg4[%get3A_2249, %get3A_2250] : memref<1x41xf32, #tpu.memory_space<smem>>
    %slice3A_2252 = vector.extract_strided_slice %mul3A_2248 {offsets = [0, 0], sizes = [128, 675], strides = [1, 1]} : vector<1024x675xf32> to vector<128x675xf32>
    %mul3A_2253 = vector.broadcast %get3A_2251 : f32 to vector<128x675xf32>
    %mul3A_2254 = arith.mulf %mul3A_2253, %slice3A_2252 : vector<128x675xf32>
    %add3A_2255 = arith.addf %add3A_1903, %mul3A_2254 : vector<128x675xf32>
    %get3A_2256 = arith.constant 0 : index
    %get3A_2257 = arith.constant 34 : index
    %get3A_2258 = memref.load %arg4[%get3A_2256, %get3A_2257] : memref<1x41xf32, #tpu.memory_space<smem>>
    %slice3A_2259 = vector.extract_strided_slice %mul3A_2248 {offsets = [128, 0], sizes = [128, 675], strides = [1, 1]} : vector<1024x675xf32> to vector<128x675xf32>
    %mul3A_2260 = vector.broadcast %get3A_2258 : f32 to vector<128x675xf32>
    %mul3A_2261 = arith.mulf %mul3A_2260, %slice3A_2259 : vector<128x675xf32>
    %add3A_2262 = arith.addf %add3A_2255, %mul3A_2261 : vector<128x675xf32>
    %get3A_2263 = arith.constant 0 : index
    %get3A_2264 = arith.constant 35 : index
    %get3A_2265 = memref.load %arg4[%get3A_2263, %get3A_2264] : memref<1x41xf32, #tpu.memory_space<smem>>
    %slice3A_2266 = vector.extract_strided_slice %mul3A_2248 {offsets = [256, 0], sizes = [128, 675], strides = [1, 1]} : vector<1024x675xf32> to vector<128x675xf32>
    %mul3A_2267 = vector.broadcast %get3A_2265 : f32 to vector<128x675xf32>
    %mul3A_2268 = arith.mulf %mul3A_2267, %slice3A_2266 : vector<128x675xf32>
    %add3A_2269 = arith.addf %add3A_2262, %mul3A_2268 : vector<128x675xf32>
    %get3A_2270 = arith.constant 0 : index
    %get3A_2271 = arith.constant 36 : index
    %get3A_2272 = memref.load %arg4[%get3A_2270, %get3A_2271] : memref<1x41xf32, #tpu.memory_space<smem>>
    %slice3A_2273 = vector.extract_strided_slice %mul3A_2248 {offsets = [384, 0], sizes = [128, 675], strides = [1, 1]} : vector<1024x675xf32> to vector<128x675xf32>
    %mul3A_2274 = vector.broadcast %get3A_2272 : f32 to vector<128x675xf32>
    %mul3A_2275 = arith.mulf %mul3A_2274, %slice3A_2273 : vector<128x675xf32>
    %add3A_2276 = arith.addf %add3A_2269, %mul3A_2275 : vector<128x675xf32>
    %get3A_2277 = arith.constant 0 : index
    %get3A_2278 = arith.constant 37 : index
    %get3A_2279 = memref.load %arg4[%get3A_2277, %get3A_2278] : memref<1x41xf32, #tpu.memory_space<smem>>
    %slice3A_2280 = vector.extract_strided_slice %mul3A_2248 {offsets = [512, 0], sizes = [128, 675], strides = [1, 1]} : vector<1024x675xf32> to vector<128x675xf32>
    %mul3A_2281 = vector.broadcast %get3A_2279 : f32 to vector<128x675xf32>
    %mul3A_2282 = arith.mulf %mul3A_2281, %slice3A_2280 : vector<128x675xf32>
    %add3A_2283 = arith.addf %add3A_2276, %mul3A_2282 : vector<128x675xf32>
    %get3A_2284 = arith.constant 0 : index
    %get3A_2285 = arith.constant 38 : index
    %get3A_2286 = memref.load %arg4[%get3A_2284, %get3A_2285] : memref<1x41xf32, #tpu.memory_space<smem>>
    %slice3A_2287 = vector.extract_strided_slice %mul3A_2248 {offsets = [640, 0], sizes = [128, 675], strides = [1, 1]} : vector<1024x675xf32> to vector<128x675xf32>
    %mul3A_2288 = vector.broadcast %get3A_2286 : f32 to vector<128x675xf32>
    %mul3A_2289 = arith.mulf %mul3A_2288, %slice3A_2287 : vector<128x675xf32>
    %add3A_2290 = arith.addf %add3A_2283, %mul3A_2289 : vector<128x675xf32>
    %get3A_2291 = arith.constant 0 : index
    %get3A_2292 = arith.constant 39 : index
    %get3A_2293 = memref.load %arg4[%get3A_2291, %get3A_2292] : memref<1x41xf32, #tpu.memory_space<smem>>
    %slice3A_2294 = vector.extract_strided_slice %mul3A_2248 {offsets = [768, 0], sizes = [128, 675], strides = [1, 1]} : vector<1024x675xf32> to vector<128x675xf32>
    %mul3A_2295 = vector.broadcast %get3A_2293 : f32 to vector<128x675xf32>
    %mul3A_2296 = arith.mulf %mul3A_2295, %slice3A_2294 : vector<128x675xf32>
    %add3A_2297 = arith.addf %add3A_2290, %mul3A_2296 : vector<128x675xf32>
    %get3A_2298 = arith.constant 0 : index
    %get3A_2299 = arith.constant 40 : index
    %get3A_2300 = memref.load %arg4[%get3A_2298, %get3A_2299] : memref<1x41xf32, #tpu.memory_space<smem>>
    %slice3A_2301 = vector.extract_strided_slice %mul3A_2248 {offsets = [896, 0], sizes = [128, 675], strides = [1, 1]} : vector<1024x675xf32> to vector<128x675xf32>
    %mul3A_2302 = vector.broadcast %get3A_2300 : f32 to vector<128x675xf32>
    %mul3A_2303 = arith.mulf %mul3A_2302, %slice3A_2301 : vector<128x675xf32>
    %add3A_2304 = arith.addf %add3A_2297, %mul3A_2303 : vector<128x675xf32>
    %get3A_2305 = arith.constant 0 : index
    %get3A_2306 = arith.constant 0 : index
    %get3A_2307 = vector.load %arg13[%get3A_2305, %get3A_2306] : memref<1x675xf32, #tpu.memory_space<vmem>>, vector<1x675xf32>
    %mul3A_2308 = vector.broadcast %get3A_2307 : vector<1x675xf32> to vector<128x675xf32>
    %mul3A_2309 = arith.mulf %add3A_2304, %mul3A_2308 : vector<128x675xf32>
    %get3A_2310 = arith.constant 0 : index
    %get3A_2311 = arith.constant 0 : index
    %get3A_2312 = vector.load %arg14[%get3A_2310, %get3A_2311] : memref<1x675xf32, #tpu.memory_space<vmem>>, vector<1x675xf32>
    %add3A_2313 = vector.broadcast %get3A_2312 : vector<1x675xf32> to vector<128x675xf32>
    %add3A_2314 = arith.addf %mul3A_2309, %add3A_2313 : vector<128x675xf32>
    %convert_element_type3A_2315 = arith.truncf %add3A_2314 : vector<128x675xf32> to vector<128x675xbf16>
    %get3A_2316 = arith.constant 0 : index
    %get3A_2317 = arith.constant 0 : index
    %get3A_2318 = vector.load %arg15[%get3A_2316, %get3A_2317] : memref<675x1024xbf16, #tpu.memory_space<vmem>>, vector<675x1024xbf16>
    %dot_general3A_2319 = arith.constant dense<0.000000e+00> : vector<128x1024xf32>
    %dot_general3A_2320 = tpu.matmul %convert_element_type3A_2315, %get3A_2318, %dot_general3A_2319 {dimension_numbers = #tpu.dot_dimension_numbers<[1], [0], [0], [1], [0, 0, 1, 1], [], []>, transpose_lhs_hint = false} : vector<128x675xbf16>, vector<675x1024xbf16>, vector<128x1024xf32> -> vector<128x1024xf32>
    %get3A_2321 = arith.constant 0 : index
    %get3A_2322 = arith.constant 0 : index
    %get3A_2323 = vector.load %arg16[%get3A_2321, %get3A_2322] : memref<1x1024xf32, #tpu.memory_space<vmem>>, vector<1x1024xf32>
    %add3A_2324 = vector.broadcast %get3A_2323 : vector<1x1024xf32> to vector<128x1024xf32>
    %add3A_2325 = arith.addf %dot_general3A_2320, %add3A_2324 : vector<128x1024xf32>
    %reduce_sum3A_2326 = arith.constant dense<0.000000e+00> : vector<128xf32>
    %reduce_sum3A_2327 = vector.multi_reduction <add>, %add3A_2325, %reduce_sum3A_2326 [1] : vector<128x1024xf32> to vector<128xf32>
    %broadcast_in_dim3A_2328 = vector.shape_cast %reduce_sum3A_2327 : vector<128xf32> to vector<128x1xf32>
    %div3A_2329 = arith.constant 1.024000e+03 : f32
    %div3A_2330 = vector.broadcast %div3A_2329 : f32 to vector<128x1xf32>
    %div3A_2331 = arith.divf %broadcast_in_dim3A_2328, %div3A_2330 : vector<128x1xf32>
    %mul3A_2332 = arith.mulf %add3A_2325, %add3A_2325 : vector<128x1024xf32>
    %reduce_sum3A_2333 = arith.constant dense<0.000000e+00> : vector<128xf32>
    %reduce_sum3A_2334 = vector.multi_reduction <add>, %mul3A_2332, %reduce_sum3A_2333 [1] : vector<128x1024xf32> to vector<128xf32>
    %broadcast_in_dim3A_2335 = vector.shape_cast %reduce_sum3A_2334 : vector<128xf32> to vector<128x1xf32>
    %div3A_2336 = arith.constant 1.024000e+03 : f32
    %div3A_2337 = vector.broadcast %div3A_2336 : f32 to vector<128x1xf32>
    %div3A_2338 = arith.divf %broadcast_in_dim3A_2335, %div3A_2337 : vector<128x1xf32>
    %mul3A_2339 = arith.mulf %div3A_2331, %div3A_2331 : vector<128x1xf32>
    %sub3A_2340 = arith.subf %div3A_2338, %mul3A_2339 : vector<128x1xf32>
    %sub3A_2341 = vector.broadcast %div3A_2331 : vector<128x1xf32> to vector<128x1024xf32>
    %sub3A_2342 = arith.subf %add3A_2325, %sub3A_2341 : vector<128x1024xf32>
    %add3A_2343 = arith.constant 9.99999974E-6 : f32
    %add3A_2344 = vector.broadcast %add3A_2343 : f32 to vector<128x1xf32>
    %add3A_2345 = arith.addf %sub3A_2340, %add3A_2344 : vector<128x1xf32>
    %rsqrt3A_2346 = math.rsqrt %add3A_2345 : vector<128x1xf32>
    %mul3A_2347 = vector.broadcast %rsqrt3A_2346 : vector<128x1xf32> to vector<128x1024xf32>
    %mul3A_2348 = arith.mulf %sub3A_2342, %mul3A_2347 : vector<128x1024xf32>
    %mul3A_2349 = vector.broadcast %get3A_1906 : vector<1x1024xf32> to vector<128x1024xf32>
    %mul3A_2350 = arith.mulf %mul3A_2348, %mul3A_2349 : vector<128x1024xf32>
    %add3A_2351 = vector.broadcast %get3A_1909 : vector<1x1024xf32> to vector<128x1024xf32>
    %add3A_2352 = arith.addf %mul3A_2350, %add3A_2351 : vector<128x1024xf32>
    %swap3A = arith.constant 0 : index
    %swap3A_2353 = arith.constant 0 : index
    %swap3A_2354 = vector.load %arg17[%swap3A, %swap3A_2353] : memref<128x1024xf32, #tpu.memory_space<vmem>>, vector<128x1024xf32>
    tpu.vector_store %arg17[%swap3A, %swap3A_2353], %add3A_2352 {strides = array<i32>} : memref<128x1024xf32, #tpu.memory_space<vmem>>, vector<128x1024xf32>,
    return
  }
  func.func @transform_0(%arg0: i32) -> (i32, i32) {
    %c0_i32 = arith.constant 0 : i32
    %c0_i32_0 = arith.constant 0 : i32
    return %arg0, %c0_i32 : i32, i32
  }
  func.func @transform_1(%arg0: i32) -> (i32, i32, i32) {
    %c0_i32 = arith.constant 0 : i32
    %c0_i32_0 = arith.constant 0 : i32
    %c0_i32_1 = arith.constant 0 : i32
    return %arg0, %c0_i32, %c0_i32_0 : i32, i32, i32
  }
  func.func @transform_2(%arg0: i32) -> (i32, i32) {
    %c0_i32 = arith.constant 0 : i32
    %c0_i32_0 = arith.constant 0 : i32
    %c0_i32_1 = arith.constant 0 : i32
    return %c0_i32, %c0_i32_0 : i32, i32
  }
  func.func @transform_3(%arg0: i32) -> (i32, i32) {
    %c0_i32 = arith.constant 0 : i32
    %c0_i32_0 = arith.constant 0 : i32
    %c0_i32_1 = arith.constant 0 : i32
    return %c0_i32, %c0_i32_0 : i32, i32
  }
  func.func @transform_4(%arg0: i32) -> (i32, i32) {
    %c0_i32 = arith.constant 0 : i32
    %c0_i32_0 = arith.constant 0 : i32
    %c0_i32_1 = arith.constant 0 : i32
    return %c0_i32, %c0_i32_0 : i32, i32
  }
  func.func @transform_5(%arg0: i32) -> (i32, i32) {
    %c0_i32 = arith.constant 0 : i32
    %c0_i32_0 = arith.constant 0 : i32
    %c0_i32_1 = arith.constant 0 : i32
    return %c0_i32, %c0_i32_0 : i32, i32
  }
  func.func @transform_6(%arg0: i32) -> (i32, i32) {
    %c0_i32 = arith.constant 0 : i32
    %c0_i32_0 = arith.constant 0 : i32
    %c0_i32_1 = arith.constant 0 : i32
    return %c0_i32, %c0_i32_0 : i32, i32
  }
  func.func @transform_7(%arg0: i32) -> (i32, i32) {
    %c0_i32 = arith.constant 0 : i32
    %c0_i32_0 = arith.constant 0 : i32
    %c0_i32_1 = arith.constant 0 : i32
    return %c0_i32, %c0_i32_0 : i32, i32
  }
  func.func @transform_8(%arg0: i32) -> (i32, i32) {
    %c0_i32 = arith.constant 0 : i32
    %c0_i32_0 = arith.constant 0 : i32
    %c0_i32_1 = arith.constant 0 : i32
    return %c0_i32, %c0_i32_0 : i32, i32
  }
  func.func @transform_9(%arg0: i32) -> (i32, i32) {
    %c0_i32 = arith.constant 0 : i32
    %c0_i32_0 = arith.constant 0 : i32
    %c0_i32_1 = arith.constant 0 : i32
    return %c0_i32, %c0_i32_0 : i32, i32
  }
  func.func @transform_10(%arg0: i32) -> (i32, i32) {
    %c0_i32 = arith.constant 0 : i32
    %c0_i32_0 = arith.constant 0 : i32
    %c0_i32_1 = arith.constant 0 : i32
    return %c0_i32, %c0_i32_0 : i32, i32
  }
  func.func @transform_11(%arg0: i32) -> (i32, i32) {
    %c0_i32 = arith.constant 0 : i32
    %c0_i32_0 = arith.constant 0 : i32
    %c0_i32_1 = arith.constant 0 : i32
    return %c0_i32, %c0_i32_0 : i32, i32
  }
  func.func @transform_12(%arg0: i32) -> (i32, i32) {
    %c0_i32 = arith.constant 0 : i32
    %c0_i32_0 = arith.constant 0 : i32
    %c0_i32_1 = arith.constant 0 : i32
    return %c0_i32, %c0_i32_0 : i32, i32
  }
  func.func @transform_13(%arg0: i32) -> (i32, i32) {
    %c0_i32 = arith.constant 0 : i32
    %c0_i32_0 = arith.constant 0 : i32
    %c0_i32_1 = arith.constant 0 : i32
    return %c0_i32, %c0_i32_0 : i32, i32
  }
  func.func @transform_14(%arg0: i32) -> (i32, i32) {
    %c0_i32 = arith.constant 0 : i32
    %c0_i32_0 = arith.constant 0 : i32
    %c0_i32_1 = arith.constant 0 : i32
    return %c0_i32, %c0_i32_0 : i32, i32
  }
  func.func @transform_15(%arg0: i32) -> (i32, i32) {
    %c0_i32 = arith.constant 0 : i32
    %c0_i32_0 = arith.constant 0 : i32
    %c0_i32_1 = arith.constant 0 : i32
    return %c0_i32, %c0_i32_0 : i32, i32
  }
  func.func @transform_16(%arg0: i32) -> (i32, i32) {
    %c0_i32 = arith.constant 0 : i32
    %c0_i32_0 = arith.constant 0 : i32
    return %arg0, %c0_i32 : i32, i32
  }
}

module attributes {stable_mosaic.version = 14 : i64} {
  func.func @_s2_body(%arg0: i32, %arg1: memref<128x1024xf32, #tpu.memory_space<vmem>>, %arg2: memref<1024x769xbf16, #tpu.memory_space<vmem>>, %arg3: memref<1024x256xf32, #tpu.memory_space<vmem>>, %arg4: memref<1x769xf32, #tpu.memory_space<vmem>>, %arg5: memref<1x256xf32, #tpu.memory_space<vmem>>, %arg6: memref<1024x4096xbf16, #tpu.memory_space<vmem>>, %arg7: memref<1x4096xf32, #tpu.memory_space<vmem>>, %arg8: memref<1x4096xf32, #tpu.memory_space<vmem>>, %arg9: memref<1x8xf32, #tpu.memory_space<vmem>>, %arg10: memref<256x8xf32, #tpu.memory_space<vmem>>, %arg11: memref<1x8xf32, #tpu.memory_space<vmem>>, %arg12: memref<512x1xf32, #tpu.memory_space<vmem>>, %arg13: memref<256x1xf32, #tpu.memory_space<vmem>>, %arg14: memref<1x2xf32, #tpu.memory_space<smem>>, %arg15: memref<128x1xf32, #tpu.memory_space<vmem>>) attributes {dimension_semantics = [#tpu.dimension_semantics<parallel>], iteration_bounds = array<i64: 8>, scalar_prefetch = 0 : i64, scratch_operands = 0 : i64, tpu.core_type = #tpu.core_type<tc>, window_params = [{transform_indices = @transform_0, window_bounds = array<i64: 128, 1024>}, {pipeline_mode = #tpu.pipeline_mode<synchronous>, transform_indices = @transform_1, window_bounds = array<i64: 1024, 769>}, {pipeline_mode = #tpu.pipeline_mode<synchronous>, transform_indices = @transform_2, window_bounds = array<i64: 1024, 256>}, {pipeline_mode = #tpu.pipeline_mode<synchronous>, transform_indices = @transform_3, window_bounds = array<i64: 1, 769>}, {pipeline_mode = #tpu.pipeline_mode<synchronous>, transform_indices = @transform_4, window_bounds = array<i64: 1, 256>}, {pipeline_mode = #tpu.pipeline_mode<synchronous>, transform_indices = @transform_5, window_bounds = array<i64: 1024, 4096>}, {pipeline_mode = #tpu.pipeline_mode<synchronous>, transform_indices = @transform_6, window_bounds = array<i64: 1, 4096>}, {pipeline_mode = #tpu.pipeline_mode<synchronous>, transform_indices = @transform_7, window_bounds = array<i64: 1, 4096>}, {pipeline_mode = #tpu.pipeline_mode<synchronous>, transform_indices = @transform_8, window_bounds = array<i64: 1, 8>}, {pipeline_mode = #tpu.pipeline_mode<synchronous>, transform_indices = @transform_9, window_bounds = array<i64: 256, 8>}, {pipeline_mode = #tpu.pipeline_mode<synchronous>, transform_indices = @transform_10, window_bounds = array<i64: 1, 8>}, {pipeline_mode = #tpu.pipeline_mode<synchronous>, transform_indices = @transform_11, window_bounds = array<i64: 512, 1>}, {pipeline_mode = #tpu.pipeline_mode<synchronous>, transform_indices = @transform_12, window_bounds = array<i64: 256, 1>}, {transform_indices = @transform_13, window_bounds = array<i64: 1, 2>}, {transform_indices = @transform_14, window_bounds = array<i64: 128, 1>}]} {
    %get3A = arith.constant 0 : index
    %get3A_0 = arith.constant 0 : index
    %get3A_1 = vector.load %arg1[%get3A, %get3A_0] : memref<128x1024xf32, #tpu.memory_space<vmem>>, vector<128x1024xf32>
    %convert_element_type3A = arith.truncf %get3A_1 : vector<128x1024xf32> to vector<128x1024xbf16>
    %get3A_2 = arith.constant 0 : index
    %get3A_3 = arith.constant 0 : index
    %get3A_4 = vector.load %arg2[%get3A_2, %get3A_3] : memref<1024x769xbf16, #tpu.memory_space<vmem>>, vector<1024x769xbf16>
    %dot_general3A = arith.constant dense<0.000000e+00> : vector<128x769xf32>
    %dot_general3A_5 = tpu.matmul %convert_element_type3A, %get3A_4, %dot_general3A {dimension_numbers = #tpu.dot_dimension_numbers<[1], [0], [0], [1], [0, 0, 1, 1], [], []>, transpose_lhs_hint = false} : vector<128x1024xbf16>, vector<1024x769xbf16>, vector<128x769xf32> -> vector<128x769xf32>
    %get3A_6 = arith.constant 0 : index
    %get3A_7 = arith.constant 0 : index
    %get3A_8 = vector.load %arg4[%get3A_6, %get3A_7] : memref<1x769xf32, #tpu.memory_space<vmem>>, vector<1x769xf32>
    %add3A = vector.broadcast %get3A_8 : vector<1x769xf32> to vector<128x769xf32>
    %add3A_9 = arith.addf %dot_general3A_5, %add3A : vector<128x769xf32>
    %slice3A = vector.extract_strided_slice %add3A_9 {offsets = [0, 0], sizes = [128, 512], strides = [1, 1]} : vector<128x769xf32> to vector<128x512xf32>
    %slice3A_10 = vector.extract_strided_slice %add3A_9 {offsets = [0, 512], sizes = [128, 256], strides = [1, 1]} : vector<128x769xf32> to vector<128x256xf32>
    %slice3A_11 = vector.extract_strided_slice %add3A_9 {offsets = [0, 768], sizes = [128, 1], strides = [1, 1]} : vector<128x769xf32> to vector<128x1xf32>
    %get3A_12 = arith.constant 0 : index
    %get3A_13 = arith.constant 0 : index
    %get3A_14 = vector.load %arg3[%get3A_12, %get3A_13] : memref<1024x256xf32, #tpu.memory_space<vmem>>, vector<1024x256xf32>
    %dot_general3A_15 = arith.constant dense<0.000000e+00> : vector<128x256xf32>
    %dot_general3A_16 = tpu.matmul %get3A_1, %get3A_14, %dot_general3A_15 {dimension_numbers = #tpu.dot_dimension_numbers<[1], [0], [0], [1], [0, 0, 1, 1], [], []>, transpose_lhs_hint = false} : vector<128x1024xf32>, vector<1024x256xf32>, vector<128x256xf32> -> vector<128x256xf32>
    %get3A_17 = arith.constant 0 : index
    %get3A_18 = arith.constant 0 : index
    %get3A_19 = vector.load %arg5[%get3A_17, %get3A_18] : memref<1x256xf32, #tpu.memory_space<vmem>>, vector<1x256xf32>
    %add3A_20 = vector.broadcast %get3A_19 : vector<1x256xf32> to vector<128x256xf32>
    %add3A_21 = arith.addf %dot_general3A_16, %add3A_20 : vector<128x256xf32>
    %max3A = arith.constant 0.000000e+00 : f32
    %max3A_22 = vector.broadcast %max3A : f32 to vector<128x512xf32>
    %max3A_23 = arith.maximumf %slice3A, %max3A_22 : vector<128x512xf32>
    %get3A_24 = arith.constant 0 : index
    %get3A_25 = arith.constant 0 : index
    %get3A_26 = vector.load %arg12[%get3A_24, %get3A_25] : memref<512x1xf32, #tpu.memory_space<vmem>>, vector<512x1xf32>
    %dot_general3A_27 = arith.constant dense<0.000000e+00> : vector<128x1xf32>
    %dot_general3A_28 = tpu.matmul %max3A_23, %get3A_26, %dot_general3A_27 {dimension_numbers = #tpu.dot_dimension_numbers<[1], [0], [0], [1], [0, 0, 1, 1], [], []>, transpose_lhs_hint = false} : vector<128x512xf32>, vector<512x1xf32>, vector<128x1xf32> -> vector<128x1xf32>
    %max3A_29 = arith.constant 0.000000e+00 : f32
    %max3A_30 = vector.broadcast %max3A_29 : f32 to vector<128x256xf32>
    %max3A_31 = arith.maximumf %add3A_21, %max3A_30 : vector<128x256xf32>
    %get3A_32 = arith.constant 0 : index
    %get3A_33 = arith.constant 0 : index
    %get3A_34 = vector.load %arg10[%get3A_32, %get3A_33] : memref<256x8xf32, #tpu.memory_space<vmem>>, vector<256x8xf32>
    %dot_general3A_35 = arith.constant dense<0.000000e+00> : vector<128x8xf32>
    %dot_general3A_36 = tpu.matmul %max3A_31, %get3A_34, %dot_general3A_35 {dimension_numbers = #tpu.dot_dimension_numbers<[1], [0], [0], [1], [0, 0, 1, 1], [], []>, transpose_lhs_hint = false} : vector<128x256xf32>, vector<256x8xf32>, vector<128x8xf32> -> vector<128x8xf32>
    %get3A_37 = arith.constant 0 : index
    %get3A_38 = arith.constant 0 : index
    %get3A_39 = vector.load %arg11[%get3A_37, %get3A_38] : memref<1x8xf32, #tpu.memory_space<vmem>>, vector<1x8xf32>
    %add3A_40 = vector.broadcast %get3A_39 : vector<1x8xf32> to vector<128x8xf32>
    %add3A_41 = arith.addf %dot_general3A_36, %add3A_40 : vector<128x8xf32>
    %max3A_42 = arith.constant 0.000000e+00 : f32
    %max3A_43 = vector.broadcast %max3A_42 : f32 to vector<128x256xf32>
    %max3A_44 = arith.maximumf %slice3A_10, %max3A_43 : vector<128x256xf32>
    %get3A_45 = arith.constant 0 : index
    %get3A_46 = arith.constant 0 : index
    %get3A_47 = vector.load %arg13[%get3A_45, %get3A_46] : memref<256x1xf32, #tpu.memory_space<vmem>>, vector<256x1xf32>
    %dot_general3A_48 = arith.constant dense<0.000000e+00> : vector<128x1xf32>
    %dot_general3A_49 = tpu.matmul %max3A_44, %get3A_47, %dot_general3A_48 {dimension_numbers = #tpu.dot_dimension_numbers<[1], [0], [0], [1], [0, 0, 1, 1], [], []>, transpose_lhs_hint = false} : vector<128x256xf32>, vector<256x1xf32>, vector<128x1xf32> -> vector<128x1xf32>
    %get3A_50 = arith.constant 0 : index
    %get3A_51 = arith.constant 1 : index
    %get3A_52 = memref.load %arg14[%get3A_50, %get3A_51] : memref<1x2xf32, #tpu.memory_space<smem>>
    %add3A_53 = vector.broadcast %get3A_52 : f32 to vector<128x1xf32>
    %add3A_54 = arith.addf %dot_general3A_49, %add3A_53 : vector<128x1xf32>
    %neg3A = arith.constant 0.000000e+00 : f32
    %neg3A_55 = vector.broadcast %neg3A : f32 to vector<128x1xf32>
    %neg3A_56 = arith.subf %neg3A_55, %add3A_54 : vector<128x1xf32>
    %exp3A = math.exp %neg3A_56 : vector<128x1xf32>
    %add3A_57 = arith.constant 1.000000e+00 : f32
    %add3A_58 = vector.broadcast %add3A_57 : f32 to vector<128x1xf32>
    %add3A_59 = arith.addf %add3A_58, %exp3A : vector<128x1xf32>
    %div3A = arith.constant 1.000000e+00 : f32
    %div3A_60 = vector.broadcast %div3A : f32 to vector<128x1xf32>
    %div3A_61 = arith.divf %div3A_60, %add3A_59 : vector<128x1xf32>
    %get3A_62 = arith.constant 0 : index
    %get3A_63 = arith.constant 0 : index
    %get3A_64 = vector.load %arg6[%get3A_62, %get3A_63] : memref<1024x4096xbf16, #tpu.memory_space<vmem>>, vector<1024x4096xbf16>
    %dot_general3A_65 = arith.constant dense<0.000000e+00> : vector<128x4096xf32>
    %dot_general3A_66 = tpu.matmul %convert_element_type3A, %get3A_64, %dot_general3A_65 {dimension_numbers = #tpu.dot_dimension_numbers<[1], [0], [0], [1], [0, 0, 1, 1], [], []>, transpose_lhs_hint = false} : vector<128x1024xbf16>, vector<1024x4096xbf16>, vector<128x4096xf32> -> vector<128x4096xf32>
    %get3A_67 = arith.constant 0 : index
    %get3A_68 = arith.constant 0 : index
    %get3A_69 = vector.load %arg7[%get3A_67, %get3A_68] : memref<1x4096xf32, #tpu.memory_space<vmem>>, vector<1x4096xf32>
    %add3A_70 = vector.broadcast %get3A_69 : vector<1x4096xf32> to vector<128x4096xf32>
    %add3A_71 = arith.addf %dot_general3A_66, %add3A_70 : vector<128x4096xf32>
    %max3A_72 = arith.constant 0.000000e+00 : f32
    %max3A_73 = vector.broadcast %max3A_72 : f32 to vector<128x4096xf32>
    %max3A_74 = arith.maximumf %add3A_71, %max3A_73 : vector<128x4096xf32>
    %get3A_75 = arith.constant 0 : index
    %get3A_76 = arith.constant 0 : index
    %get3A_77 = vector.load %arg8[%get3A_75, %get3A_76] : memref<1x4096xf32, #tpu.memory_space<vmem>>, vector<1x4096xf32>
    %mul3A = vector.broadcast %get3A_77 : vector<1x4096xf32> to vector<128x4096xf32>
    %mul3A_78 = arith.mulf %max3A_74, %mul3A : vector<128x4096xf32>
    %slice3A_79 = vector.extract_strided_slice %mul3A_78 {offsets = [0, 0], sizes = [128, 512], strides = [1, 1]} : vector<128x4096xf32> to vector<128x512xf32>
    %reduce_sum3A = arith.constant dense<0.000000e+00> : vector<128xf32>
    %reduce_sum3A_80 = vector.multi_reduction <add>, %slice3A_79, %reduce_sum3A [1] : vector<128x512xf32> to vector<128xf32>
    %broadcast_in_dim3A = vector.shape_cast %reduce_sum3A_80 : vector<128xf32> to vector<128x1xf32>
    %slice3A_81 = vector.extract_strided_slice %mul3A_78 {offsets = [0, 512], sizes = [128, 512], strides = [1, 1]} : vector<128x4096xf32> to vector<128x512xf32>
    %reduce_sum3A_82 = arith.constant dense<0.000000e+00> : vector<128xf32>
    %reduce_sum3A_83 = vector.multi_reduction <add>, %slice3A_81, %reduce_sum3A_82 [1] : vector<128x512xf32> to vector<128xf32>
    %broadcast_in_dim3A_84 = vector.shape_cast %reduce_sum3A_83 : vector<128xf32> to vector<128x1xf32>
    %slice3A_85 = vector.extract_strided_slice %mul3A_78 {offsets = [0, 1024], sizes = [128, 512], strides = [1, 1]} : vector<128x4096xf32> to vector<128x512xf32>
    %reduce_sum3A_86 = arith.constant dense<0.000000e+00> : vector<128xf32>
    %reduce_sum3A_87 = vector.multi_reduction <add>, %slice3A_85, %reduce_sum3A_86 [1] : vector<128x512xf32> to vector<128xf32>
    %broadcast_in_dim3A_88 = vector.shape_cast %reduce_sum3A_87 : vector<128xf32> to vector<128x1xf32>
    %slice3A_89 = vector.extract_strided_slice %mul3A_78 {offsets = [0, 1536], sizes = [128, 512], strides = [1, 1]} : vector<128x4096xf32> to vector<128x512xf32>
    %reduce_sum3A_90 = arith.constant dense<0.000000e+00> : vector<128xf32>
    %reduce_sum3A_91 = vector.multi_reduction <add>, %slice3A_89, %reduce_sum3A_90 [1] : vector<128x512xf32> to vector<128xf32>
    %broadcast_in_dim3A_92 = vector.shape_cast %reduce_sum3A_91 : vector<128xf32> to vector<128x1xf32>
    %slice3A_93 = vector.extract_strided_slice %mul3A_78 {offsets = [0, 2048], sizes = [128, 512], strides = [1, 1]} : vector<128x4096xf32> to vector<128x512xf32>
    %reduce_sum3A_94 = arith.constant dense<0.000000e+00> : vector<128xf32>
    %reduce_sum3A_95 = vector.multi_reduction <add>, %slice3A_93, %reduce_sum3A_94 [1] : vector<128x512xf32> to vector<128xf32>
    %broadcast_in_dim3A_96 = vector.shape_cast %reduce_sum3A_95 : vector<128xf32> to vector<128x1xf32>
    %slice3A_97 = vector.extract_strided_slice %mul3A_78 {offsets = [0, 2560], sizes = [128, 512], strides = [1, 1]} : vector<128x4096xf32> to vector<128x512xf32>
    %reduce_sum3A_98 = arith.constant dense<0.000000e+00> : vector<128xf32>
    %reduce_sum3A_99 = vector.multi_reduction <add>, %slice3A_97, %reduce_sum3A_98 [1] : vector<128x512xf32> to vector<128xf32>
    %broadcast_in_dim3A_100 = vector.shape_cast %reduce_sum3A_99 : vector<128xf32> to vector<128x1xf32>
    %slice3A_101 = vector.extract_strided_slice %mul3A_78 {offsets = [0, 3072], sizes = [128, 512], strides = [1, 1]} : vector<128x4096xf32> to vector<128x512xf32>
    %reduce_sum3A_102 = arith.constant dense<0.000000e+00> : vector<128xf32>
    %reduce_sum3A_103 = vector.multi_reduction <add>, %slice3A_101, %reduce_sum3A_102 [1] : vector<128x512xf32> to vector<128xf32>
    %broadcast_in_dim3A_104 = vector.shape_cast %reduce_sum3A_103 : vector<128xf32> to vector<128x1xf32>
    %slice3A_105 = vector.extract_strided_slice %mul3A_78 {offsets = [0, 3584], sizes = [128, 512], strides = [1, 1]} : vector<128x4096xf32> to vector<128x512xf32>
    %reduce_sum3A_106 = arith.constant dense<0.000000e+00> : vector<128xf32>
    %reduce_sum3A_107 = vector.multi_reduction <add>, %slice3A_105, %reduce_sum3A_106 [1] : vector<128x512xf32> to vector<128xf32>
    %broadcast_in_dim3A_108 = vector.shape_cast %reduce_sum3A_107 : vector<128xf32> to vector<128x1xf32>
    %concatenate3A = tpu.concatenate %broadcast_in_dim3A, %broadcast_in_dim3A_84, %broadcast_in_dim3A_88, %broadcast_in_dim3A_92, %broadcast_in_dim3A_96, %broadcast_in_dim3A_100, %broadcast_in_dim3A_104, %broadcast_in_dim3A_108 in 1 : vector<128x1xf32>, vector<128x1xf32>, vector<128x1xf32>, vector<128x1xf32>, vector<128x1xf32>, vector<128x1xf32>, vector<128x1xf32>, vector<128x1xf32> -> vector<128x8xf32>
    %get3A_109 = arith.constant 0 : index
    %get3A_110 = arith.constant 0 : index
    %get3A_111 = vector.load %arg9[%get3A_109, %get3A_110] : memref<1x8xf32, #tpu.memory_space<vmem>>, vector<1x8xf32>
    %add3A_112 = vector.broadcast %get3A_111 : vector<1x8xf32> to vector<128x8xf32>
    %add3A_113 = arith.addf %concatenate3A, %add3A_112 : vector<128x8xf32>
    %iota3A = tpu.iota {dimensions = array<i32: 1>} : vector<128x8xi32>
    %reduce_max3A = arith.constant dense<0xFF800000> : vector<128xf32>
    %reduce_max3A_114 = vector.multi_reduction <maximumf>, %add3A_41, %reduce_max3A [1] : vector<128x8xf32> to vector<128xf32>
    %broadcast_in_dim3A_115 = vector.shape_cast %reduce_max3A_114 : vector<128xf32> to vector<128x1xf32>
    %eq3A = vector.broadcast %broadcast_in_dim3A_115 : vector<128x1xf32> to vector<128x8xf32>
    %eq3A_116 = arith.cmpf oeq, %add3A_41, %eq3A : vector<128x8xf32>
    %jit3A = arith.constant 8 : i32
    %broadcast_in_dim3A_117 = vector.broadcast %jit3A : i32 to vector<128x8xi32>
    %select_n3A = arith.select %eq3A_116, %iota3A, %broadcast_in_dim3A_117 : vector<128x8xi1>, vector<128x8xi32>
    %reduce_min3A = arith.constant dense<2147483647> : vector<128xi32>
    %reduce_min3A_118 = vector.multi_reduction <minsi>, %select_n3A, %reduce_min3A [1] : vector<128x8xi32> to vector<128xi32>
    %broadcast_in_dim3A_119 = vector.shape_cast %reduce_min3A_118 : vector<128xi32> to vector<128x1xi32>
    %eq3A_120 = vector.broadcast %broadcast_in_dim3A_119 : vector<128x1xi32> to vector<128x8xi32>
    %eq3A_121 = arith.cmpi eq, %iota3A, %eq3A_120 : vector<128x8xi32>
    %jit3A_122 = arith.constant -3.400000e+38 : f32
    %broadcast_in_dim3A_123 = vector.broadcast %jit3A_122 : f32 to vector<128x8xf32>
    %select_n3A_124 = arith.select %eq3A_121, %broadcast_in_dim3A_123, %add3A_41 : vector<128x8xi1>, vector<128x8xf32>
    %reduce_max3A_125 = arith.constant dense<0xFF800000> : vector<128xf32>
    %reduce_max3A_126 = vector.multi_reduction <maximumf>, %select_n3A_124, %reduce_max3A_125 [1] : vector<128x8xf32> to vector<128xf32>
    %broadcast_in_dim3A_127 = vector.shape_cast %reduce_max3A_126 : vector<128xf32> to vector<128x1xf32>
    %eq3A_128 = vector.broadcast %broadcast_in_dim3A_127 : vector<128x1xf32> to vector<128x8xf32>
    %eq3A_129 = arith.cmpf oeq, %select_n3A_124, %eq3A_128 : vector<128x8xf32>
    %jit3A_130 = arith.constant 8 : i32
    %broadcast_in_dim3A_131 = vector.broadcast %jit3A_130 : i32 to vector<128x8xi32>
    %select_n3A_132 = arith.select %eq3A_129, %iota3A, %broadcast_in_dim3A_131 : vector<128x8xi1>, vector<128x8xi32>
    %reduce_min3A_133 = arith.constant dense<2147483647> : vector<128xi32>
    %reduce_min3A_134 = vector.multi_reduction <minsi>, %select_n3A_132, %reduce_min3A_133 [1] : vector<128x8xi32> to vector<128xi32>
    %broadcast_in_dim3A_135 = vector.shape_cast %reduce_min3A_134 : vector<128xi32> to vector<128x1xi32>
    %sub3A = arith.subf %broadcast_in_dim3A_127, %broadcast_in_dim3A_115 : vector<128x1xf32>
    %exp3A_136 = math.exp %sub3A : vector<128x1xf32>
    %add3A_137 = arith.constant 1.000000e+00 : f32
    %add3A_138 = vector.broadcast %add3A_137 : f32 to vector<128x1xf32>
    %add3A_139 = arith.addf %add3A_138, %exp3A_136 : vector<128x1xf32>
    %div3A_140 = arith.constant 1.000000e+00 : f32
    %div3A_141 = vector.broadcast %div3A_140 : f32 to vector<128x1xf32>
    %div3A_142 = arith.divf %div3A_141, %add3A_139 : vector<128x1xf32>
    %mul3A_143 = arith.mulf %exp3A_136, %div3A_142 : vector<128x1xf32>
    %eq3A_144 = vector.broadcast %broadcast_in_dim3A_119 : vector<128x1xi32> to vector<128x8xi32>
    %eq3A_145 = arith.cmpi eq, %iota3A, %eq3A_144 : vector<128x8xi32>
    %jit3A_146 = arith.constant 0.000000e+00 : f32
    %broadcast_in_dim3A_147 = vector.broadcast %jit3A_146 : f32 to vector<128x8xf32>
    %select_n3A_148 = arith.select %eq3A_145, %add3A_113, %broadcast_in_dim3A_147 : vector<128x8xi1>, vector<128x8xf32>
    %reduce_sum3A_149 = arith.constant dense<0.000000e+00> : vector<128xf32>
    %reduce_sum3A_150 = vector.multi_reduction <add>, %select_n3A_148, %reduce_sum3A_149 [1] : vector<128x8xf32> to vector<128xf32>
    %broadcast_in_dim3A_151 = vector.shape_cast %reduce_sum3A_150 : vector<128xf32> to vector<128x1xf32>
    %eq3A_152 = vector.broadcast %broadcast_in_dim3A_135 : vector<128x1xi32> to vector<128x8xi32>
    %eq3A_153 = arith.cmpi eq, %iota3A, %eq3A_152 : vector<128x8xi32>
    %jit3A_154 = arith.constant 0.000000e+00 : f32
    %broadcast_in_dim3A_155 = vector.broadcast %jit3A_154 : f32 to vector<128x8xf32>
    %select_n3A_156 = arith.select %eq3A_153, %add3A_113, %broadcast_in_dim3A_155 : vector<128x8xi1>, vector<128x8xf32>
    %reduce_sum3A_157 = arith.constant dense<0.000000e+00> : vector<128xf32>
    %reduce_sum3A_158 = vector.multi_reduction <add>, %select_n3A_156, %reduce_sum3A_157 [1] : vector<128x8xf32> to vector<128xf32>
    %broadcast_in_dim3A_159 = vector.shape_cast %reduce_sum3A_158 : vector<128xf32> to vector<128x1xf32>
    %mul3A_160 = arith.mulf %div3A_142, %broadcast_in_dim3A_151 : vector<128x1xf32>
    %mul3A_161 = arith.mulf %mul3A_143, %broadcast_in_dim3A_159 : vector<128x1xf32>
    %add3A_162 = arith.addf %mul3A_160, %mul3A_161 : vector<128x1xf32>
    %add3A_163 = arith.addf %slice3A_11, %dot_general3A_28 : vector<128x1xf32>
    %get3A_164 = arith.constant 0 : index
    %get3A_165 = arith.constant 0 : index
    %get3A_166 = memref.load %arg14[%get3A_164, %get3A_165] : memref<1x2xf32, #tpu.memory_space<smem>>
    %add3A_167 = vector.broadcast %get3A_166 : f32 to vector<128x1xf32>
    %add3A_168 = arith.addf %add3A_163, %add3A_167 : vector<128x1xf32>
    %mul3A_169 = arith.mulf %div3A_61, %add3A_162 : vector<128x1xf32>
    %add3A_170 = arith.addf %add3A_168, %mul3A_169 : vector<128x1xf32>
    %swap3A = arith.constant 0 : index
    %swap3A_171 = arith.constant 0 : index
    %swap3A_172 = vector.load %arg15[%swap3A, %swap3A_171] : memref<128x1xf32, #tpu.memory_space<vmem>>, vector<128x1xf32>
    tpu.vector_store %arg15[%swap3A, %swap3A_171], %add3A_170 {strides = array<i32>} : memref<128x1xf32, #tpu.memory_space<vmem>>, vector<128x1xf32>,
    return
  }
  func.func @transform_0(%arg0: i32) -> (i32, i32) {
    %c0_i32 = arith.constant 0 : i32
    %c0_i32_0 = arith.constant 0 : i32
    return %arg0, %c0_i32 : i32, i32
  }
  func.func @transform_1(%arg0: i32) -> (i32, i32) {
    %c0_i32 = arith.constant 0 : i32
    %c0_i32_0 = arith.constant 0 : i32
    %c0_i32_1 = arith.constant 0 : i32
    return %c0_i32, %c0_i32_0 : i32, i32
  }
  func.func @transform_2(%arg0: i32) -> (i32, i32) {
    %c0_i32 = arith.constant 0 : i32
    %c0_i32_0 = arith.constant 0 : i32
    %c0_i32_1 = arith.constant 0 : i32
    return %c0_i32, %c0_i32_0 : i32, i32
  }
  func.func @transform_3(%arg0: i32) -> (i32, i32) {
    %c0_i32 = arith.constant 0 : i32
    %c0_i32_0 = arith.constant 0 : i32
    %c0_i32_1 = arith.constant 0 : i32
    return %c0_i32, %c0_i32_0 : i32, i32
  }
  func.func @transform_4(%arg0: i32) -> (i32, i32) {
    %c0_i32 = arith.constant 0 : i32
    %c0_i32_0 = arith.constant 0 : i32
    %c0_i32_1 = arith.constant 0 : i32
    return %c0_i32, %c0_i32_0 : i32, i32
  }
  func.func @transform_5(%arg0: i32) -> (i32, i32) {
    %c0_i32 = arith.constant 0 : i32
    %c0_i32_0 = arith.constant 0 : i32
    %c0_i32_1 = arith.constant 0 : i32
    return %c0_i32, %c0_i32_0 : i32, i32
  }
  func.func @transform_6(%arg0: i32) -> (i32, i32) {
    %c0_i32 = arith.constant 0 : i32
    %c0_i32_0 = arith.constant 0 : i32
    %c0_i32_1 = arith.constant 0 : i32
    return %c0_i32, %c0_i32_0 : i32, i32
  }
  func.func @transform_7(%arg0: i32) -> (i32, i32) {
    %c0_i32 = arith.constant 0 : i32
    %c0_i32_0 = arith.constant 0 : i32
    %c0_i32_1 = arith.constant 0 : i32
    return %c0_i32, %c0_i32_0 : i32, i32
  }
  func.func @transform_8(%arg0: i32) -> (i32, i32) {
    %c0_i32 = arith.constant 0 : i32
    %c0_i32_0 = arith.constant 0 : i32
    %c0_i32_1 = arith.constant 0 : i32
    return %c0_i32, %c0_i32_0 : i32, i32
  }
  func.func @transform_9(%arg0: i32) -> (i32, i32) {
    %c0_i32 = arith.constant 0 : i32
    %c0_i32_0 = arith.constant 0 : i32
    %c0_i32_1 = arith.constant 0 : i32
    return %c0_i32, %c0_i32_0 : i32, i32
  }
  func.func @transform_10(%arg0: i32) -> (i32, i32) {
    %c0_i32 = arith.constant 0 : i32
    %c0_i32_0 = arith.constant 0 : i32
    %c0_i32_1 = arith.constant 0 : i32
    return %c0_i32, %c0_i32_0 : i32, i32
  }
  func.func @transform_11(%arg0: i32) -> (i32, i32) {
    %c0_i32 = arith.constant 0 : i32
    %c0_i32_0 = arith.constant 0 : i32
    %c0_i32_1 = arith.constant 0 : i32
    return %c0_i32, %c0_i32_0 : i32, i32
  }
  func.func @transform_12(%arg0: i32) -> (i32, i32) {
    %c0_i32 = arith.constant 0 : i32
    %c0_i32_0 = arith.constant 0 : i32
    %c0_i32_1 = arith.constant 0 : i32
    return %c0_i32, %c0_i32_0 : i32, i32
  }
  func.func @transform_13(%arg0: i32) -> (i32, i32) {
    %c0_i32 = arith.constant 0 : i32
    %c0_i32_0 = arith.constant 0 : i32
    %c0_i32_1 = arith.constant 0 : i32
    return %c0_i32, %c0_i32_0 : i32, i32
  }
  func.func @transform_14(%arg0: i32) -> (i32, i32) {
    %c0_i32 = arith.constant 0 : i32
    %c0_i32_0 = arith.constant 0 : i32
    return %arg0, %c0_i32 : i32, i32
  }
}

</mosaic_0001>

<sc_bundles>
// kernel: kernel.5.cloned.1.call-start
scs
__scs_entry_jumppad:
0x0: {  	(pc) =	sbr.rel $0x88, $3  }
0x1: {  	(tag) =	ssettag $0x0;
	lr =	simm.s32 $0x1  }
0x2: {  	[smem:$0x3F80] =	sst lr;
	_ =	strace $0xD0000000  }
0x3: {  	_ = 	snop  }
0x4: {  	_ = 	snop  }
0x5: {  	_ = 	snop  }
0x6: {  	_ = 	snop  }
0x7: {  	_ = 	snop  }
__scs_overlays_trampoline_lowered:
0x8: {  	[smem:$0x3F8F] =	sst s0  }
0x9: {  	[smem:$0x3F90] =	sst s1  }
0xa: {  	[smem:$0x3F91] =	sst s2  }
0xb: {  	[smem:$0x3F92] =	sst s3  }
0xc: {  	[smem:$0x3F93] =	sst s4  }
0xd: {  	[smem:$0x3F94] =	sst s5  }
0xe: {  	[smem:$0x3F95] =	sst s6  }
0xf: {  	[smem:$0x3F96] =	sst s7  }
0x10: {  	[smem:$0x3F97] =	sst s8  }
0x11: {  	[smem:$0x3F98] =	sst s9;
	s0 =	simm.s32 @!p0 $0x0  }
0x12: {  	s1 =	sld [smem:$0x3F7E];
	s0 =	simm.s32 @p0 $0x1  }
0x13: {  	[smem:$0x3F99] =	sst s0;
	s0 =	simm.s32 @!p1 $0x0  }
0x14: {  	s2 =	sld [smem:$0x3F7D];
	s0 =	simm.s32 @p1 $0x1  }
0x15: {  	[smem:$0x3F9A] =	sst s0;
	s0 =	simm.s32 @!p2 $0x0  }
0x16: {  	s3 =	sld [smem:$0x3FDB];
	s0 =	simm.s32 @p2 $0x1  }
0x17: {  	s4 =	simm.s32 $0x1BF5;
	[smem:$0x3F9C] =	sst s0  }
0x18: {  	s0 =	sld [smem:$0x3F7F];
	_ =	swait.ge [sflag:s4], $0x0  }
0x19: {  	s7 =	sld [smem:$0x3F80]  }
0x1a: {  	s8 =	sadd.s32 $0xFFFFE003, lr  }
0x1b: {  	s9 =	sadd.s32 $0xFFFFFEF7, lr;
	s5 =	simm.s32 $0xFFFFFFFF;
	p2 =	slt.u32 s8, $0xFFFFF086  }
0x1c: {  	p1 =	slt.u32 s9, $0xF7A;
	s5 =	simm.s32 @!p2 $0x0  }
0x1d: {  	s5 =	simm.s32 @p1 $0x1;
	p0 =	seq.s32 s7, s2  }
0x1e: {  	s7 =	smul.u32 @!p0 $0xF7A, s2;
	p2 =	seq.s32 @!p0 s5, $0x0  }
0x1f: {  	s9 =	smul.u32 $0xF7A, s1;
	s8 =	simm.s32 @!p0 $0x1BF5;
	p2 =	por !p2, p0  }
0x20: {  	[sflag:s8] =	ssyncset.s32 @!p0 $0xFFFFF086;
	s6 =	sadd.s32 @!p0 s3, s7;
	s7 =	simm.s32 @!p0 $0x108  }
0x21: {  	s3 =	sadd.s32 s3, s9;
	s6 =	sadd.s32 @!p0 $0x88, s6;
	s7 =	simm.s32 @p2 $0x1082  }
0x22: {  	[simem:s7], [sflag:s8] =	dma.local @!p0 [hbm:s6], $0xF7A  }
0x23: {  	s9 =	sor.u32 $0xD0000000, s2;
	s6 =	simm.s32 $0x108;
	_ =	swait.ge @!p0 [sflag:s8], $0x0  }
0x24: {  	s3 =	sadd.s32 $0x88, s3;
	s6 =	simm.s32 @!p1 $0x1082;
	[sflag:s4] =	ssyncset.s32 $0xFFFFF086  }
0x25: {  	[simem:s6], [sflag:s4] =	dma.local [hbm:s3], $0xF7A  }
0x26: {  	[smem:$0x3F80] =	sst s1;
	(tag) =	ssettag s2;
	_ =	strace s9  }
0x27: {  	s1 =	sld [smem:$0x3F90]  }
0x28: {  	s2 =	sld [smem:$0x3F91]  }
0x29: {  	s4 =	sld [smem:$0x3F93]  }
0x2a: {  	p0 =	seq.s32 s5, $0x0;
	s5 =	sld [smem:$0x3F94]  }
0x2b: {  	s6 =	sld [smem:$0x3F95]  }
0x2c: {  	s7 =	sld [smem:$0x3F96]  }
0x2d: {  	s3 =	simm.s32 $0x108;
	s8 =	sld [smem:$0x3F97]  }
0x2e: {  	s3 =	simm.s32 @!p0 $0x1082;
	s9 =	sld [smem:$0x3F98]  }
0x2f: {  	lr =	sadd.s32 s0, s3;
	s0 =	sld [smem:$0x3F8F]  }
0x30: {  	s3 =	sld [smem:$0x3F92]  }
0x31: {  	[smem:$0x3F9B] =	sst s10  }
0x32: {  	s10 =	sld [smem:$0x3F99];
	_ =	sdelay $0x3  }
0x33: {  	p0 =	seq.s32 s10, $0x1;
	s10 =	sld [smem:$0x3F9B];
	_ =	sdelay $0x3  }
0x34: {  	[smem:$0x3F9B] =	sst s10  }
0x35: {  	s10 =	sld [smem:$0x3F9A];
	_ =	sdelay $0x3  }
0x36: {  	p1 =	seq.s32 s10, $0x1;
	s10 =	sld [smem:$0x3F9B];
	_ =	sdelay $0x3  }
0x37: {  	[smem:$0x3F9B] =	sst s10  }
0x38: {  	s10 =	sld [smem:$0x3F9C]  }
0x39: {  	_ = 	snop;
	(pc) =	sbr.ind lr, $3  }
0x3a: {  	_ = 	snop  }
0x3b: {  	_ = 	snop  }
0x3c: {  	p2 =	seq.s32 s10, $0x1;
	s10 =	sld [smem:$0x3F9B]  }
0x3d: {  	_ =	shalt  }
0x3e: {  	_ =	shalt  }
0x3f: {  	_ =	shalt  }
0x40: {  	_ =	shalt  }
0x41: {  	_ =	shalt  }
0x42: {  	_ =	shalt  }
0x43: {  	_ =	shalt  }
0x44: {  	_ =	shalt  }
0x45: {  	_ =	shalt  }
0x46: {  	_ =	shalt  }
0x47: {  	_ =	shalt  }
0x48: {  	_ =	shalt  }
0x49: {  	_ =	shalt  }
0x4a: {  	_ =	shalt  }
0x4b: {  	_ =	shalt  }
0x4c: {  	_ =	shalt  }
0x4d: {  	_ =	shalt  }
0x4e: {  	_ =	shalt  }
0x4f: {  	_ =	shalt  }
0x50: {  	_ =	shalt  }
0x51: {  	_ =	shalt  }
0x52: {  	_ =	shalt  }
0x53: {  	_ =	shalt  }
0x54: {  	_ =	shalt  }
0x55: {  	_ =	shalt  }
0x56: {  	_ =	shalt  }
0x57: {  	_ =	shalt  }
0x58: {  	_ =	shalt  }
0x59: {  	_ =	shalt  }
0x5a: {  	_ =	shalt  }
0x5b: {  	_ =	shalt  }
0x5c: {  	_ =	shalt  }
0x5d: {  	_ =	shalt  }
0x5e: {  	_ =	shalt  }
0x5f: {  	_ =	shalt  }
0x60: {  	_ =	shalt  }
0x61: {  	_ =	shalt  }
0x62: {  	_ =	shalt  }
0x63: {  	_ =	shalt  }
0x64: {  	_ =	shalt  }
0x65: {  	_ =	shalt  }
0x66: {  	_ =	shalt  }
0x67: {  	_ =	shalt  }
0x68: {  	_ =	shalt  }
0x69: {  	_ =	shalt  }
0x6a: {  	_ =	shalt  }
0x6b: {  	_ =	shalt  }
0x6c: {  	_ =	shalt  }
0x6d: {  	_ =	shalt  }
0x6e: {  	_ =	shalt  }
0x6f: {  	_ =	shalt  }
0x70: {  	_ =	shalt  }
0x71: {  	_ =	shalt  }
0x72: {  	_ =	shalt  }
0x73: {  	_ =	shalt  }
0x74: {  	_ =	shalt  }
0x75: {  	_ =	shalt  }
0x76: {  	_ =	shalt  }
0x77: {  	_ =	shalt  }
0x78: {  	_ =	shalt  }
0x79: {  	_ =	shalt  }
0x7a: {  	_ =	shalt  }
0x7b: {  	_ =	shalt  }
0x7c: {  	_ =	shalt  }
0x7d: {  	_ =	shalt  }
0x7e: {  	_ =	shalt  }
0x7f: {  	_ =	shalt  }
0x80: {  	_ =	shalt  }
0x81: {  	_ =	shalt  }
0x82: {  	_ =	shalt  }
0x83: {  	_ =	shalt  }
0x84: {  	_ =	shalt  }
0x85: {  	_ =	shalt  }
0x86: {  	_ =	shalt  }
0x87: {  	_ =	shalt  }
.Lfunc_end0:
.L_simem_size_0:
called_computation_lowered:
.L_overlay_start_0:
0x88: {  	s2 =	sld [smem:$0x3FD9]  }
0x89: {  	s3 =	sld [smem:$0x3FFE];
	_ =	sdelay $0x1  }
0x8a: {  	s1 =	srdreg.scid  }
0x8b: {  	s0 =	sand.u32 $0x1, s1  }
0x8c: {  	s17 =	sshll.u32 s0, $0xA;
	s2 =	sadd.s32 s3, s2  }
0x8d: {  	s2 =	sadd.s32 s2, s17  }
0x8e: {  	[smem:$0x3FA7] =	sst s2  }
0x8f: {  	_ = 	snop  }
0x90: {  	s2 =	sld [smem:$0x3FBD];
	(tm) =	ssettm $0x1  }
0x91: {  	s18 =	sld [smem:$0x3FFB];
	_ =	sdelay $0x3  }
0x92: {  	_ =	strace s18  }
0x93: {  	s3 =	sld [smem:$0x3FFC];
	_ =	sdelay $0x3  }
0x94: {  	_ =	strace s3  }
0x95: {  	s3 =	sld [smem:$0x3FFD];
	_ =	sdelay $0x3  }
0x96: {  	_ =	strace s3  }
0x97: {  	_ =	strace $0x8FFFFFFF  }
0x98: {  	s19 =	sld [smem:$0x3FDB];
	_ =	sdelay $0x1  }
0x99: {  	s4 =	simm.s32 $_scs_section_size  }
0x9a: {  	s5 =	simm.s32 $_size__tile_overlayer_lowered;
	s6 =	simm.s32 $_tile_overlayer_lowered  }
0x9b: {  	s22 =	simm.s32 $0x1BFF;
	s21 =	sshll.u32 s6, $0x1;
	s3 =	sadd.s32 s4, s19  }
0x9c: {  	s7 =	simm.s32 $0x0;
	s20 =	sshll.u32 s5, $0x1;
	s5 =	sadd.s32 s21, s3  }
0x9d: {  	[timem:s7], [sflag:s22] =	dma.local [hbm:s5], s20  }
0x9e: {  	_ =	swait.ge [sflag:s22], s20  }
0x9f: {  	s4 =	ssub.s32 $0x0, s20;
	[sflag:s22] =	ssyncset.done $0x0  }
0xa0: {  	[sflag:s22] =	ssyncadd.s32 s4;
	_ =	sdelay $0x1  }
0xa1: {  	s23 =	simm.s32 $0x1B8B  }
0xa2: {  	_ =	swait.ge [sflag:s23], $0x1  }
0xa3: {  	[sflag:s23] =	ssyncset.done $0x0  }
0xa4: {  	s25 =	simm.s32 $0x1B8E;
	s24 =	sld [smem:$0x3FFE];
	[sflag:s23] =	ssyncadd.s32 $0xFFFFFFFF  }
0xa5: {  	s26 =	simm.s32 $execute0_lowered;
	[smem:$0x3FD2] =	sst s25  }
0xa6: {  	s5 =	sshll.u32 s26, $0x1;
	_ =	strace $0x80000046;
	[dreg:$0x1] =	wrdreg $0xFFFFFFFF  }
0xa7: {  	s28 =	simm.s32 $_size_execute0_lowered;
	s3 =	sadd.s32 s3, s5;
	[dreg:$0x0] =	wrdreg $0x0  }
0xa8: {  	s5 =	sshll.u32 s28, $0x1;
	[dreg:$0x2] =	wrdreg s3  }
0xa9: {  	[dreg:$0x3] =	wrdreg s5  }
0xaa: {  	[dreg:$0x4] =	wrdreg $0xC0  }
0xab: {  	_ =	task [dreg:s7], $0x5FFFF  }
0xac: {  	[dreg:$0x1] =	wrdreg $0xFFFFFFFF  }
0xad: {  	[dreg:$0x0] =	wrdreg $0x60  }
0xae: {  	[dreg:$0x2] =	wrdreg s2  }
0xaf: {  	[dreg:$0x3] =	wrdreg s24  }
0xb0: {  	[dreg:$0x4] =	wrdreg $0x9  }
0xb1: {  	_ =	task.clear_ibuf [dreg:s7], $0x5FFFF;
	_ =	strace $0x90000046  }
0xb2: {  	s29 =	simm.s32 $0x9;
	_ =	strace $0x80000048  }
0xb3: {  	_ =	swait.ge [sflag:s29], $0x1  }
0xb4: {  	[sflag:s29] =	ssyncadd.s32 $0xFFFFFFFF  }
0xb5: {  	_ =	strace $0x90000048  }
0xb6: {  	_ =	sfence  }
0xb7: {  	s30 =	sld [smem:$0x0];
	_ =	sdelay $0x2  }
0xb8: {  	s31 =	sshll.u32 s1, $0xD;
	s1 =	sshrl.u32 s1, $0x2  }
0xb9: {  	s3 =	sand.u32 $0x4000, s31;
	s1 =	sadd.s32 s1, s30  }
0xba: {  	s0 =	sor.u32 s3, s0;
	s1 =	sshll.u32 s1, $0x11  }
0xbb: {  	s0 =	sor.u32 s1, s0  }
0xbc: {  	s0 =	sadd.s32 $0x8F2B, s0  }
0xbd: {  	[sflag:s0] =	ssyncadd.remote.s32 $0x1  }
0xbe: {  	_ =	sfence.sel $0xFFFF  }
0xbf: {  	[dreg:$0x0] =	wrdreg $0xFFFFFFFF;
	(pc) =	sbr.abs _section_cstart, $3  }
0xc0: {  	[dreg:$0x1] =	wrdreg $0xFFFFFFFF  }
0xc1: {  	_ =	task.clear_ibuf [dreg:s7], $0x2FFFF;
	_ =	strace $0x9FFFFFFF  }
0xc2: {  	(tm) =	ssettm $0x7FFFFFFF  }
0xc3: {  	_ =	shalt  }
tec
execute0_lowered:
.L_overlay_start_1:
0x0: {  	(tag) =	ssettag $0x1  }
0x1: {  	s1 =	rddreg [dreg:$0x0]  }
0x2: {  	s0 =	rddreg [dreg:$0x1]  }
0x3: {  	s2 =	srdreg.scid;
	s3 =	simm.s32 $0x0;
	s4 =	stileid.u32  }
0x4: {  	s18 =	simm.s32 $0x1;
	s2 =	sand.u32 $0x1, s2;
	[smem:$0x7FF] =	sst s3  }
0x5: {  	s4 =	sshll.u32 s4, $0x9;
	s7 =	sadd.s32 $0x400, s0;
	s0 =	sadd.s32 $0x800, s0  }
0x6: {  	s5 =	sshll.u32 s2, $0x8;
	_ =	strace $0x80000047;
	s2 =	ssub.s32 $0x2, s2  }
0x7: {  	s6 =	sor.u32 s5, s4;
	s22 =	sshrl.u32 s2, $0x1;
	s4 =	sadd.s32 $0x100, s1  }
0x8: {  	s5 =	sshrl.u32 s6, $0x3;
	s2 =	ssub.s32 s2, s22;
	s24 =	sshll.u32 s6, $0x7  }
0x9: {  	s8 =	sor.u32 $0x40, s6;
	s26 =	sor.u32 $0x80, s6;
	s6 =	sor.u32 $0xC0, s6  }
0xa: {  	s23 =	sadd.s32 s7, s5;
	s5 =	sadd.s32 s0, s24;
	s9 =	sshrl.u32 s8, $0x3  }
0xb: {  	s8 =	sshll.u32 s8, $0x7;
	s28 =	sshrl.u32 s26, $0x3;
	[dreg:$0x3] =	wrdreg s23  }
0xc: {  	s30 =	sshrl.u32 s6, $0x3;
	[dreg:$0x4] =	wrdreg s5;
	s25 =	sadd.s32 s7, s9  }
0xd: {  	s31 =	sshll.u32 s6, $0x7;
	s8 =	sadd.s32 s0, s8;
	[dreg:$0x5] =	wrdreg s25  }
0xe: {  	s9 =	sshll.u32 s26, $0x7;
	[dreg:$0x6] =	wrdreg s8;
	s8 =	sadd.s32 s7, s28  }
0xf: {  	s6 =	sadd.s32 $0x300, s1;
	s29 =	sadd.s32 s0, s9;
	[dreg:$0x7] =	wrdreg s8  }
0x10: {  	v2 =	vlaneseq.u32;
	s5 =	sadd.s32 $0x200, s1;
	s7 =	sadd.s32 s7, s30;
	[dreg:$0x8] =	wrdreg s29  }
0x11: {  	vm0 =	vmmov $0xffff;
	v1 =	vshrl.u32 v2, $0x3;
	s23 =	simm.s32 $0x80;
	s0 =	sadd.s32 s0, s31;
	[dreg:$0x9] =	wrdreg s7  }
0x12: {  	v0 =	vand.u32 $0x7, v2;
	v2 =	vor.u32 $0x8, v2;
	v1 =	vmul.u32 $0x8, v1;
	[dreg:$0xa] =	wrdreg s0;
	s7 =	smax.u32 s2, $0x1;
	s8 =	simm.s32 $0x2  }
.LBB2_1:
0x13: {  	s19 =	rddreg [dreg:$0x3]  }
0x14: {  	[tilespmem:s3], [sflag:$0x2] =	stream.linear.gather [hbm4b:s19+s3], $0x40, $0x38;
	[tilespmem:$0x10080] =	vst v63  }
0x15: {  	_ =	swait.ge [sflag:s8], $0x40  }
0x16: {  	[sflag:s8] =	ssyncset.done $0x0  }
0x17: {  	[sflag:s8] =	ssyncadd.s32 $0xFFFFFFC0  }
0x18: {  	v3 =	vld [tilespmem:$0x0];
	_ =	sdelay $0x4  }
0x19: {  	v4 =	vshll.u32 v3, $0x3  }
0x1a: {  	v3 =	vand.u32 $0x7, v3;
	v4 =	vand.u32 $0xFFFFFFC0, v4  }
0x1b: {  	v3 =	vor.u32 v3, v4  }
0x1c: {  	v4 =	vperm.xlane v3, v0;
	_ =	sdelay $0x1  }
0x1d: {  	v4 =	vadd.s32 v1, v4;
	_ =	sdelay $0x4  }
0x1e: {  	[tilespmem:s23], [sflag:$0x1] =	stream.indirect_vreg.gather [hbm4b:s1+s3], $0x80, v4, vm0, $0xb8;
	[tilespmem:$0x10080] =	vst v63  }
0x1f: {  	s0 =	simm.s32 $0x880;
	v3 =	vperm.xlane v3, v2  }
0x20: {  	[tilespmem:s0], [sflag:$0x1] =	stream.indirect_vreg.gather [hbm4b:s4+s3], $0x80, v4, vm0, $0xb8;
	[tilespmem:$0x10080] =	vst v63  }
0x21: {  	s12 =	simm.s32 $0x1080;
	v3 =	vadd.s32 v1, v3  }
0x22: {  	[tilespmem:s12], [sflag:$0x1] =	stream.indirect_vreg.gather [hbm4b:s5+s3], $0x80, v4, vm0, $0xb8;
	[tilespmem:$0x10080] =	vst v63  }
0x23: {  	s13 =	simm.s32 $0x1880  }
0x24: {  	[tilespmem:s13], [sflag:$0x1] =	stream.indirect_vreg.gather [hbm4b:s6+s3], $0x80, v4, vm0, $0xb8;
	[tilespmem:$0x10080] =	vst v63  }
0x25: {  	s15 =	simm.s32 $0x2080  }
0x26: {  	[tilespmem:s15], [sflag:$0x1] =	stream.indirect_vreg.gather [hbm4b:s1+s3], $0x80, v3, vm0, $0xb8;
	[tilespmem:$0x10080] =	vst v63  }
0x27: {  	s16 =	simm.s32 $0x2880  }
0x28: {  	[tilespmem:s16], [sflag:$0x1] =	stream.indirect_vreg.gather [hbm4b:s4+s3], $0x80, v3, vm0, $0xb8;
	[tilespmem:$0x10080] =	vst v63  }
0x29: {  	s17 =	simm.s32 $0x3080  }
0x2a: {  	[tilespmem:s17], [sflag:$0x1] =	stream.indirect_vreg.gather [hbm4b:s5+s3], $0x80, v3, vm0, $0xb8;
	[tilespmem:$0x10080] =	vst v63  }
0x2b: {  	s19 =	simm.s32 $0x3880  }
0x2c: {  	[tilespmem:s19], [sflag:$0x1] =	stream.indirect_vreg.gather [hbm4b:s6+s3], $0x80, v3, vm0, $0xb8;
	[tilespmem:$0x10080] =	vst v63  }
0x2d: {  	v3 =	vld [tilespmem:$0x10];
	_ =	sdelay $0x4  }
0x2e: {  	v49 =	vshll.u32 v3, $0x3  }
0x2f: {  	v3 =	vand.u32 $0x7, v3;
	v4 =	vand.u32 $0xFFFFFFC0, v49  }
0x30: {  	v3 =	vor.u32 v3, v4  }
0x31: {  	v4 =	vperm.xlane v3, v0;
	_ =	sdelay $0x1  }
0x32: {  	v4 =	vadd.s32 v1, v4;
	_ =	sdelay $0x3  }
0x33: {  	s20 =	simm.s32 $0x4080  }
0x34: {  	[tilespmem:s20], [sflag:$0x1] =	stream.indirect_vreg.gather [hbm4b:s1+s3], $0x80, v4, vm0, $0xb8;
	[tilespmem:$0x10080] =	vst v63  }
0x35: {  	s21 =	simm.s32 $0x4880;
	v3 =	vperm.xlane v3, v2  }
0x36: {  	[tilespmem:s21], [sflag:$0x1] =	stream.indirect_vreg.gather [hbm4b:s4+s3], $0x80, v4, vm0, $0xb8;
	[tilespmem:$0x10080] =	vst v63  }
0x37: {  	s22 =	simm.s32 $0x5080;
	v3 =	vadd.s32 v1, v3  }
0x38: {  	[tilespmem:s22], [sflag:$0x1] =	stream.indirect_vreg.gather [hbm4b:s5+s3], $0x80, v4, vm0, $0xb8;
	[tilespmem:$0x10080] =	vst v63  }
0x39: {  	s24 =	simm.s32 $0x5880  }
0x3a: {  	[tilespmem:s24], [sflag:$0x1] =	stream.indirect_vreg.gather [hbm4b:s6+s3], $0x80, v4, vm0, $0xb8;
	[tilespmem:$0x10080] =	vst v63  }
0x3b: {  	s25 =	simm.s32 $0x6080  }
0x3c: {  	[tilespmem:s25], [sflag:$0x1] =	stream.indirect_vreg.gather [hbm4b:s1+s3], $0x80, v3, vm0, $0xb8;
	[tilespmem:$0x10080] =	vst v63  }
0x3d: {  	s26 =	simm.s32 $0x6880  }
0x3e: {  	[tilespmem:s26], [sflag:$0x1] =	stream.indirect_vreg.gather [hbm4b:s4+s3], $0x80, v3, vm0, $0xb8;
	[tilespmem:$0x10080] =	vst v63  }
0x3f: {  	s28 =	simm.s32 $0x7080  }
0x40: {  	[tilespmem:s28], [sflag:$0x1] =	stream.indirect_vreg.gather [hbm4b:s5+s3], $0x80, v3, vm0, $0xb8;
	[tilespmem:$0x10080] =	vst v63  }
0x41: {  	s29 =	simm.s32 $0x7880  }
0x42: {  	[tilespmem:s29], [sflag:$0x1] =	stream.indirect_vreg.gather [hbm4b:s6+s3], $0x80, v3, vm0, $0xb8;
	[tilespmem:$0x10080] =	vst v63  }
0x43: {  	v3 =	vld [tilespmem:$0x20];
	_ =	sdelay $0x4  }
0x44: {  	v50 =	vshll.u32 v3, $0x3  }
0x45: {  	v3 =	vand.u32 $0x7, v3;
	v4 =	vand.u32 $0xFFFFFFC0, v50  }
0x46: {  	v3 =	vor.u32 v3, v4  }
0x47: {  	v4 =	vperm.xlane v3, v0;
	_ =	sdelay $0x1  }
0x48: {  	v4 =	vadd.s32 v1, v4;
	_ =	sdelay $0x3  }
0x49: {  	s30 =	simm.s32 $0x8080  }
0x4a: {  	[tilespmem:s30], [sflag:$0x1] =	stream.indirect_vreg.gather [hbm4b:s1+s3], $0x80, v4, vm0, $0xb8;
	[tilespmem:$0x10080] =	vst v63  }
0x4b: {  	s16 =	simm.s32 $0x8880;
	v3 =	vperm.xlane v3, v2  }
0x4c: {  	[tilespmem:s16], [sflag:$0x1] =	stream.indirect_vreg.gather [hbm4b:s4+s3], $0x80, v4, vm0, $0xb8;
	[tilespmem:$0x10080] =	vst v63  }
0x4d: {  	s17 =	simm.s32 $0x9080;
	v3 =	vadd.s32 v1, v3  }
0x4e: {  	[tilespmem:s17], [sflag:$0x1] =	stream.indirect_vreg.gather [hbm4b:s5+s3], $0x80, v4, vm0, $0xb8;
	[tilespmem:$0x10080] =	vst v63  }
0x4f: {  	s19 =	simm.s32 $0x9880  }
0x50: {  	[tilespmem:s19], [sflag:$0x1] =	stream.indirect_vreg.gather [hbm4b:s6+s3], $0x80, v4, vm0, $0xb8;
	[tilespmem:$0x10080] =	vst v63  }
0x51: {  	s20 =	simm.s32 $0xA080  }
0x52: {  	[tilespmem:s20], [sflag:$0x1] =	stream.indirect_vreg.gather [hbm4b:s1+s3], $0x80, v3, vm0, $0xb8;
	[tilespmem:$0x10080] =	vst v63  }
0x53: {  	s21 =	simm.s32 $0xA880  }
0x54: {  	[tilespmem:s21], [sflag:$0x1] =	stream.indirect_vreg.gather [hbm4b:s4+s3], $0x80, v3, vm0, $0xb8;
	[tilespmem:$0x10080] =	vst v63  }
0x55: {  	s22 =	simm.s32 $0xB080  }
0x56: {  	[tilespmem:s22], [sflag:$0x1] =	stream.indirect_vreg.gather [hbm4b:s5+s3], $0x80, v3, vm0, $0xb8;
	[tilespmem:$0x10080] =	vst v63  }
0x57: {  	s24 =	simm.s32 $0xB880  }
0x58: {  	[tilespmem:s24], [sflag:$0x1] =	stream.indirect_vreg.gather [hbm4b:s6+s3], $0x80, v3, vm0, $0xb8;
	[tilespmem:$0x10080] =	vst v63  }
0x59: {  	v3 =	vld [tilespmem:$0x30];
	_ =	sdelay $0x4  }
0x5a: {  	v51 =	vshll.u32 v3, $0x3  }
0x5b: {  	v3 =	vand.u32 $0x7, v3;
	v4 =	vand.u32 $0xFFFFFFC0, v51  }
0x5c: {  	v3 =	vor.u32 v3, v4  }
0x5d: {  	v4 =	vperm.xlane v3, v0;
	_ =	sdelay $0x1  }
0x5e: {  	v4 =	vadd.s32 v1, v4;
	_ =	sdelay $0x3  }
0x5f: {  	s25 =	simm.s32 $0xC080  }
0x60: {  	[tilespmem:s25], [sflag:$0x1] =	stream.indirect_vreg.gather [hbm4b:s1+s3], $0x80, v4, vm0, $0xb8;
	[tilespmem:$0x10080] =	vst v63  }
0x61: {  	s26 =	simm.s32 $0xC880;
	v3 =	vperm.xlane v3, v2  }
0x62: {  	[tilespmem:s26], [sflag:$0x1] =	stream.indirect_vreg.gather [hbm4b:s4+s3], $0x80, v4, vm0, $0xb8;
	[tilespmem:$0x10080] =	vst v63  }
0x63: {  	s29 =	simm.s32 $0xD080;
	v3 =	vadd.s32 v1, v3  }
0x64: {  	[tilespmem:s29], [sflag:$0x1] =	stream.indirect_vreg.gather [hbm4b:s5+s3], $0x80, v4, vm0, $0xb8;
	[tilespmem:$0x10080] =	vst v63  }
0x65: {  	s0 =	simm.s32 $0xD880  }
0x66: {  	[tilespmem:s0], [sflag:$0x1] =	stream.indirect_vreg.gather [hbm4b:s6+s3], $0x80, v4, vm0, $0xb8;
	[tilespmem:$0x10080] =	vst v63  }
0x67: {  	s16 =	simm.s32 $0xE080  }
0x68: {  	[tilespmem:s16], [sflag:$0x1] =	stream.indirect_vreg.gather [hbm4b:s1+s3], $0x80, v3, vm0, $0xb8;
	[tilespmem:$0x10080] =	vst v63  }
0x69: {  	s17 =	simm.s32 $0xE880  }
0x6a: {  	[tilespmem:s17], [sflag:$0x1] =	stream.indirect_vreg.gather [hbm4b:s4+s3], $0x80, v3, vm0, $0xb8;
	[tilespmem:$0x10080] =	vst v63  }
0x6b: {  	s24 =	simm.s32 $0xF080  }
0x6c: {  	[tilespmem:s24], [sflag:$0x1] =	stream.indirect_vreg.gather [hbm4b:s5+s3], $0x80, v3, vm0, $0xb8;
	[tilespmem:$0x10080] =	vst v63  }
0x6d: {  	s25 =	simm.s32 $0xF880  }
0x6e: {  	[tilespmem:s25], [sflag:$0x1] =	stream.indirect_vreg.gather [hbm4b:s6+s3], $0x80, v3, vm0, $0xb8;
	[tilespmem:$0x10080] =	vst v63  }
0x6f: {  	_ =	swait.ge [sflag:s18], $0x10000  }
0x70: {  	[sflag:s18] =	ssyncset.done $0x0  }
0x71: {  	s0 =	rddreg [dreg:$0x4];
	[sflag:s18] =	ssyncadd.s32 $0xFFFF0000  }
0x72: {  	[hbm4b:s0+s3] =	stream.linear.scatter [tilespmem:s23], [sflag:$0x2], $0x10000, $0x38;
	[tilespmem:$0x10080] =	vst v63  }
0x73: {  	_ =	swait.ge [sflag:s8], $0x10000  }
0x74: {  	[sflag:s8] =	ssyncset.done $0x0  }
0x75: {  	s16 =	rddreg [dreg:$0x5];
	[sflag:s8] =	ssyncadd.s32 $0xFFFF0000  }
0x76: {  	[tilespmem:s3], [sflag:$0x2] =	stream.linear.gather [hbm4b:s16+s3], $0x40, $0x38;
	[tilespmem:$0x10080] =	vst v63  }
0x77: {  	_ =	swait.ge [sflag:s8], $0x40  }
0x78: {  	[sflag:s8] =	ssyncset.done $0x0  }
0x79: {  	[sflag:s8] =	ssyncadd.s32 $0xFFFFFFC0  }
0x7a: {  	v3 =	vld [tilespmem:$0x0];
	_ =	sdelay $0x4  }
0x7b: {  	v52 =	vshll.u32 v3, $0x3  }
0x7c: {  	v3 =	vand.u32 $0x7, v3;
	v4 =	vand.u32 $0xFFFFFFC0, v52  }
0x7d: {  	v3 =	vor.u32 v3, v4  }
0x7e: {  	v4 =	vperm.xlane v3, v0;
	_ =	sdelay $0x1  }
0x7f: {  	v4 =	vadd.s32 v1, v4;
	_ =	sdelay $0x4  }
0x80: {  	[tilespmem:s23], [sflag:$0x1] =	stream.indirect_vreg.gather [hbm4b:s1+s3], $0x80, v4, vm0, $0xb8;
	[tilespmem:$0x10080] =	vst v63  }
0x81: {  	s14 =	simm.s32 $0x880;
	v3 =	vperm.xlane v3, v2  }
0x82: {  	[tilespmem:s14], [sflag:$0x1] =	stream.indirect_vreg.gather [hbm4b:s4+s3], $0x80, v4, vm0, $0xb8;
	[tilespmem:$0x10080] =	vst v63  }
0x83: {  	s2 =	simm.s32 $0x1080;
	v3 =	vadd.s32 v1, v3  }
0x84: {  	[tilespmem:s2], [sflag:$0x1] =	stream.indirect_vreg.gather [hbm4b:s5+s3], $0x80, v4, vm0, $0xb8;
	[tilespmem:$0x10080] =	vst v63  }
0x85: {  	s9 =	simm.s32 $0x1880  }
0x86: {  	[tilespmem:s9], [sflag:$0x1] =	stream.indirect_vreg.gather [hbm4b:s6+s3], $0x80, v4, vm0, $0xb8;
	[tilespmem:$0x10080] =	vst v63  }
0x87: {  	s10 =	simm.s32 $0x2080  }
0x88: {  	[tilespmem:s10], [sflag:$0x1] =	stream.indirect_vreg.gather [hbm4b:s1+s3], $0x80, v3, vm0, $0xb8;
	[tilespmem:$0x10080] =	vst v63  }
0x89: {  	s11 =	simm.s32 $0x2880  }
0x8a: {  	[tilespmem:s11], [sflag:$0x1] =	stream.indirect_vreg.gather [hbm4b:s4+s3], $0x80, v3, vm0, $0xb8;
	[tilespmem:$0x10080] =	vst v63  }
0x8b: {  	s12 =	simm.s32 $0x3080  }
0x8c: {  	[tilespmem:s12], [sflag:$0x1] =	stream.indirect_vreg.gather [hbm4b:s5+s3], $0x80, v3, vm0, $0xb8;
	[tilespmem:$0x10080] =	vst v63  }
0x8d: {  	s15 =	simm.s32 $0x3880  }
0x8e: {  	[tilespmem:s15], [sflag:$0x1] =	stream.indirect_vreg.gather [hbm4b:s6+s3], $0x80, v3, vm0, $0xb8;
	[tilespmem:$0x10080] =	vst v63  }
0x8f: {  	v3 =	vld [tilespmem:$0x10];
	_ =	sdelay $0x4  }
0x90: {  	v53 =	vshll.u32 v3, $0x3  }
0x91: {  	v3 =	vand.u32 $0x7, v3;
	v4 =	vand.u32 $0xFFFFFFC0, v53  }
0x92: {  	v3 =	vor.u32 v3, v4  }
0x93: {  	v4 =	vperm.xlane v3, v0;
	_ =	sdelay $0x1  }
0x94: {  	v4 =	vadd.s32 v1, v4;
	_ =	sdelay $0x3  }
0x95: {  	s16 =	simm.s32 $0x4080  }
0x96: {  	[tilespmem:s16], [sflag:$0x1] =	stream.indirect_vreg.gather [hbm4b:s1+s3], $0x80, v4, vm0, $0xb8;
	[tilespmem:$0x10080] =	vst v63  }
0x97: {  	s31 =	simm.s32 $0x4880;
	v3 =	vperm.xlane v3, v2  }
0x98: {  	[tilespmem:s31], [sflag:$0x1] =	stream.indirect_vreg.gather [hbm4b:s4+s3], $0x80, v4, vm0, $0xb8;
	[tilespmem:$0x10080] =	vst v63  }
0x99: {  	s13 =	simm.s32 $0x5080;
	v3 =	vadd.s32 v1, v3  }
0x9a: {  	[tilespmem:s13], [sflag:$0x1] =	stream.indirect_vreg.gather [hbm4b:s5+s3], $0x80, v4, vm0, $0xb8;
	[tilespmem:$0x10080] =	vst v63  }
0x9b: {  	s31 =	simm.s32 $0x5880  }
0x9c: {  	[tilespmem:s31], [sflag:$0x1] =	stream.indirect_vreg.gather [hbm4b:s6+s3], $0x80, v4, vm0, $0xb8;
	[tilespmem:$0x10080] =	vst v63  }
0x9d: {  	s0 =	simm.s32 $0x6080  }
0x9e: {  	[tilespmem:s0], [sflag:$0x1] =	stream.indirect_vreg.gather [hbm4b:s1+s3], $0x80, v3, vm0, $0xb8;
	[tilespmem:$0x10080] =	vst v63  }
0x9f: {  	s2 =	simm.s32 $0x6880  }
0xa0: {  	[tilespmem:s2], [sflag:$0x1] =	stream.indirect_vreg.gather [hbm4b:s4+s3], $0x80, v3, vm0, $0xb8;
	[tilespmem:$0x10080] =	vst v63  }
0xa1: {  	s9 =	simm.s32 $0x7080  }
0xa2: {  	[tilespmem:s9], [sflag:$0x1] =	stream.indirect_vreg.gather [hbm4b:s5+s3], $0x80, v3, vm0, $0xb8;
	[tilespmem:$0x10080] =	vst v63  }
0xa3: {  	s13 =	simm.s32 $0x7880  }
0xa4: {  	[tilespmem:s13], [sflag:$0x1] =	stream.indirect_vreg.gather [hbm4b:s6+s3], $0x80, v3, vm0, $0xb8;
	[tilespmem:$0x10080] =	vst v63  }
0xa5: {  	v3 =	vld [tilespmem:$0x20];
	_ =	sdelay $0x4  }
0xa6: {  	v54 =	vshll.u32 v3, $0x3  }
0xa7: {  	v3 =	vand.u32 $0x7, v3;
	v4 =	vand.u32 $0xFFFFFFC0, v54  }
0xa8: {  	v3 =	vor.u32 v3, v4  }
0xa9: {  	v4 =	vperm.xlane v3, v0;
	_ =	sdelay $0x1  }
0xaa: {  	v4 =	vadd.s32 v1, v4;
	_ =	sdelay $0x3  }
0xab: {  	s14 =	simm.s32 $0x8080  }
0xac: {  	[tilespmem:s14], [sflag:$0x1] =	stream.indirect_vreg.gather [hbm4b:s1+s3], $0x80, v4, vm0, $0xb8;
	[tilespmem:$0x10080] =	vst v63  }
0xad: {  	s15 =	simm.s32 $0x8880;
	v3 =	vperm.xlane v3, v2  }
0xae: {  	[tilespmem:s15], [sflag:$0x1] =	stream.indirect_vreg.gather [hbm4b:s4+s3], $0x80, v4, vm0, $0xb8;
	[tilespmem:$0x10080] =	vst v63  }
0xaf: {  	s10 =	simm.s32 $0x9080;
	v3 =	vadd.s32 v1, v3  }
0xb0: {  	[tilespmem:s10], [sflag:$0x1] =	stream.indirect_vreg.gather [hbm4b:s5+s3], $0x80, v4, vm0, $0xb8;
	[tilespmem:$0x10080] =	vst v63  }
0xb1: {  	s11 =	simm.s32 $0x9880  }
0xb2: {  	[tilespmem:s11], [sflag:$0x1] =	stream.indirect_vreg.gather [hbm4b:s6+s3], $0x80, v4, vm0, $0xb8;
	[tilespmem:$0x10080] =	vst v63  }
0xb3: {  	s12 =	simm.s32 $0xA080  }
0xb4: {  	[tilespmem:s12], [sflag:$0x1] =	stream.indirect_vreg.gather [hbm4b:s1+s3], $0x80, v3, vm0, $0xb8;
	[tilespmem:$0x10080] =	vst v63  }
0xb5: {  	s30 =	simm.s32 $0xA880  }
0xb6: {  	[tilespmem:s30], [sflag:$0x1] =	stream.indirect_vreg.gather [hbm4b:s4+s3], $0x80, v3, vm0, $0xb8;
	[tilespmem:$0x10080] =	vst v63  }
0xb7: {  	s28 =	simm.s32 $0xB080  }
0xb8: {  	[tilespmem:s28], [sflag:$0x1] =	stream.indirect_vreg.gather [hbm4b:s5+s3], $0x80, v3, vm0, $0xb8;
	[tilespmem:$0x10080] =	vst v63  }
0xb9: {  	s20 =	simm.s32 $0xB880  }
0xba: {  	[tilespmem:s20], [sflag:$0x1] =	stream.indirect_vreg.gather [hbm4b:s6+s3], $0x80, v3, vm0, $0xb8;
	[tilespmem:$0x10080] =	vst v63  }
0xbb: {  	v3 =	vld [tilespmem:$0x30];
	_ =	sdelay $0x4  }
0xbc: {  	v55 =	vshll.u32 v3, $0x3  }
0xbd: {  	v3 =	vand.u32 $0x7, v3;
	v4 =	vand.u32 $0xFFFFFFC0, v55  }
0xbe: {  	v3 =	vor.u32 v3, v4  }
0xbf: {  	v4 =	vperm.xlane v3, v0;
	_ =	sdelay $0x1  }
0xc0: {  	v4 =	vadd.s32 v1, v4;
	_ =	sdelay $0x3  }
0xc1: {  	s21 =	simm.s32 $0xC080  }
0xc2: {  	[tilespmem:s21], [sflag:$0x1] =	stream.indirect_vreg.gather [hbm4b:s1+s3], $0x80, v4, vm0, $0xb8;
	[tilespmem:$0x10080] =	vst v63  }
0xc3: {  	s22 =	simm.s32 $0xC880;
	v3 =	vperm.xlane v3, v2  }
0xc4: {  	[tilespmem:s22], [sflag:$0x1] =	stream.indirect_vreg.gather [hbm4b:s4+s3], $0x80, v4, vm0, $0xb8;
	[tilespmem:$0x10080] =	vst v63  }
0xc5: {  	v3 =	vadd.s32 v1, v3;
	s22 =	simm.s32 $0xD080  }
0xc6: {  	[tilespmem:s22], [sflag:$0x1] =	stream.indirect_vreg.gather [hbm4b:s5+s3], $0x80, v4, vm0, $0xb8;
	[tilespmem:$0x10080] =	vst v63  }
0xc7: {  	s26 =	simm.s32 $0xD880  }
0xc8: {  	[tilespmem:s26], [sflag:$0x1] =	stream.indirect_vreg.gather [hbm4b:s6+s3], $0x80, v4, vm0, $0xb8;
	[tilespmem:$0x10080] =	vst v63  }
0xc9: {  	s29 =	simm.s32 $0xE080  }
0xca: {  	[tilespmem:s29], [sflag:$0x1] =	stream.indirect_vreg.gather [hbm4b:s1+s3], $0x80, v3, vm0, $0xb8;
	[tilespmem:$0x10080] =	vst v63  }
0xcb: {  	s26 =	simm.s32 $0xE880  }
0xcc: {  	[tilespmem:s26], [sflag:$0x1] =	stream.indirect_vreg.gather [hbm4b:s4+s3], $0x80, v3, vm0, $0xb8;
	[tilespmem:$0x10080] =	vst v63  }
0xcd: {  	s30 =	simm.s32 $0xF080  }
0xce: {  	[tilespmem:s30], [sflag:$0x1] =	stream.indirect_vreg.gather [hbm4b:s5+s3], $0x80, v3, vm0, $0xb8;
	[tilespmem:$0x10080] =	vst v63  }
0xcf: {  	s17 =	simm.s32 $0xF880  }
0xd0: {  	[tilespmem:s17], [sflag:$0x1] =	stream.indirect_vreg.gather [hbm4b:s6+s3], $0x80, v3, vm0, $0xb8;
	[tilespmem:$0x10080] =	vst v63  }
0xd1: {  	_ =	swait.ge [sflag:s18], $0x10000  }
0xd2: {  	[sflag:s18] =	ssyncset.done $0x0  }
0xd3: {  	s21 =	rddreg [dreg:$0x6];
	[sflag:s18] =	ssyncadd.s32 $0xFFFF0000  }
0xd4: {  	[hbm4b:s21+s3] =	stream.linear.scatter [tilespmem:s23], [sflag:$0x2], $0x10000, $0x38;
	[tilespmem:$0x10080] =	vst v63  }
0xd5: {  	_ =	swait.ge [sflag:s8], $0x10000  }
0xd6: {  	[sflag:s8] =	ssyncset.done $0x0  }
0xd7: {  	s17 =	rddreg [dreg:$0x7];
	[sflag:s8] =	ssyncadd.s32 $0xFFFF0000  }
0xd8: {  	[tilespmem:s3], [sflag:$0x2] =	stream.linear.gather [hbm4b:s17+s3], $0x40, $0x38;
	[tilespmem:$0x10080] =	vst v63  }
0xd9: {  	_ =	swait.ge [sflag:s8], $0x40  }
0xda: {  	[sflag:s8] =	ssyncset.done $0x0  }
0xdb: {  	[sflag:s8] =	ssyncadd.s32 $0xFFFFFFC0  }
0xdc: {  	v3 =	vld [tilespmem:$0x0];
	_ =	sdelay $0x4  }
0xdd: {  	v56 =	vshll.u32 v3, $0x3  }
0xde: {  	v3 =	vand.u32 $0x7, v3;
	v4 =	vand.u32 $0xFFFFFFC0, v56  }
0xdf: {  	v3 =	vor.u32 v3, v4  }
0xe0: {  	v4 =	vperm.xlane v3, v0;
	_ =	sdelay $0x1  }
0xe1: {  	v4 =	vadd.s32 v1, v4;
	_ =	sdelay $0x4  }
0xe2: {  	[tilespmem:s23], [sflag:$0x1] =	stream.indirect_vreg.gather [hbm4b:s1+s3], $0x80, v4, vm0, $0xb8;
	[tilespmem:$0x10080] =	vst v63  }
0xe3: {  	s21 =	simm.s32 $0x880;
	v3 =	vperm.xlane v3, v2  }
0xe4: {  	[tilespmem:s21], [sflag:$0x1] =	stream.indirect_vreg.gather [hbm4b:s4+s3], $0x80, v4, vm0, $0xb8;
	[tilespmem:$0x10080] =	vst v63  }
0xe5: {  	s25 =	simm.s32 $0x1080;
	v3 =	vadd.s32 v1, v3  }
0xe6: {  	[tilespmem:s25], [sflag:$0x1] =	stream.indirect_vreg.gather [hbm4b:s5+s3], $0x80, v4, vm0, $0xb8;
	[tilespmem:$0x10080] =	vst v63  }
0xe7: {  	s25 =	simm.s32 $0x1880  }
0xe8: {  	[tilespmem:s25], [sflag:$0x1] =	stream.indirect_vreg.gather [hbm4b:s6+s3], $0x80, v4, vm0, $0xb8;
	[tilespmem:$0x10080] =	vst v63  }
0xe9: {  	s19 =	simm.s32 $0x2080  }
0xea: {  	[tilespmem:s19], [sflag:$0x1] =	stream.indirect_vreg.gather [hbm4b:s1+s3], $0x80, v3, vm0, $0xb8;
	[tilespmem:$0x10080] =	vst v63  }
0xeb: {  	s25 =	simm.s32 $0x2880  }
0xec: {  	[tilespmem:s25], [sflag:$0x1] =	stream.indirect_vreg.gather [hbm4b:s4+s3], $0x80, v3, vm0, $0xb8;
	[tilespmem:$0x10080] =	vst v63  }
0xed: {  	s19 =	simm.s32 $0x3080  }
0xee: {  	[tilespmem:s19], [sflag:$0x1] =	stream.indirect_vreg.gather [hbm4b:s5+s3], $0x80, v3, vm0, $0xb8;
	[tilespmem:$0x10080] =	vst v63  }
0xef: {  	s25 =	simm.s32 $0x3880  }
0xf0: {  	[tilespmem:s25], [sflag:$0x1] =	stream.indirect_vreg.gather [hbm4b:s6+s3], $0x80, v3, vm0, $0xb8;
	[tilespmem:$0x10080] =	vst v63  }
0xf1: {  	v3 =	vld [tilespmem:$0x10];
	_ =	sdelay $0x4  }
0xf2: {  	v57 =	vshll.u32 v3, $0x3  }
0xf3: {  	v3 =	vand.u32 $0x7, v3;
	v4 =	vand.u32 $0xFFFFFFC0, v57  }
0xf4: {  	v3 =	vor.u32 v3, v4  }
0xf5: {  	v4 =	vperm.xlane v3, v0;
	_ =	sdelay $0x1  }
0xf6: {  	v4 =	vadd.s32 v1, v4;
	_ =	sdelay $0x4  }
0xf7: {  	[tilespmem:s16], [sflag:$0x1] =	stream.indirect_vreg.gather [hbm4b:s1+s3], $0x80, v4, vm0, $0xb8;
	[tilespmem:$0x10080] =	vst v63  }
0xf8: {  	s19 =	simm.s32 $0x4880;
	v3 =	vperm.xlane v3, v2  }
0xf9: {  	[tilespmem:s19], [sflag:$0x1] =	stream.indirect_vreg.gather [hbm4b:s4+s3], $0x80, v4, vm0, $0xb8;
	[tilespmem:$0x10080] =	vst v63  }
0xfa: {  	s25 =	simm.s32 $0x5080;
	v3 =	vadd.s32 v1, v3  }
0xfb: {  	[tilespmem:s25], [sflag:$0x1] =	stream.indirect_vreg.gather [hbm4b:s5+s3], $0x80, v4, vm0, $0xb8;
	[tilespmem:$0x10080] =	vst v63  }
0xfc: {  	_ = 	snop  }
0xfd: {  	[tilespmem:s31], [sflag:$0x1] =	stream.indirect_vreg.gather [hbm4b:s6+s3], $0x80, v4, vm0, $0xb8;
	[tilespmem:$0x10080] =	vst v63  }
0xfe: {  	_ = 	snop  }
0xff: {  	[tilespmem:s0], [sflag:$0x1] =	stream.indirect_vreg.gather [hbm4b:s1+s3], $0x80, v3, vm0, $0xb8;
	[tilespmem:$0x10080] =	vst v63  }
0x100: {  	_ = 	snop  }
0x101: {  	[tilespmem:s2], [sflag:$0x1] =	stream.indirect_vreg.gather [hbm4b:s4+s3], $0x80, v3, vm0, $0xb8;
	[tilespmem:$0x10080] =	vst v63  }
0x102: {  	_ = 	snop  }
0x103: {  	[tilespmem:s9], [sflag:$0x1] =	stream.indirect_vreg.gather [hbm4b:s5+s3], $0x80, v3, vm0, $0xb8;
	[tilespmem:$0x10080] =	vst v63  }
0x104: {  	_ = 	snop  }
0x105: {  	[tilespmem:s13], [sflag:$0x1] =	stream.indirect_vreg.gather [hbm4b:s6+s3], $0x80, v3, vm0, $0xb8;
	[tilespmem:$0x10080] =	vst v63  }
0x106: {  	v3 =	vld [tilespmem:$0x20];
	_ =	sdelay $0x4  }
0x107: {  	v58 =	vshll.u32 v3, $0x3  }
0x108: {  	v3 =	vand.u32 $0x7, v3;
	v4 =	vand.u32 $0xFFFFFFC0, v58  }
0x109: {  	v3 =	vor.u32 v3, v4  }
0x10a: {  	v4 =	vperm.xlane v3, v0;
	_ =	sdelay $0x1  }
0x10b: {  	v4 =	vadd.s32 v1, v4;
	_ =	sdelay $0x4  }
0x10c: {  	[tilespmem:s14], [sflag:$0x1] =	stream.indirect_vreg.gather [hbm4b:s1+s3], $0x80, v4, vm0, $0xb8;
	[tilespmem:$0x10080] =	vst v63  }
0x10d: {  	v3 =	vperm.xlane v3, v2  }
0x10e: {  	[tilespmem:s15], [sflag:$0x1] =	stream.indirect_vreg.gather [hbm4b:s4+s3], $0x80, v4, vm0, $0xb8;
	[tilespmem:$0x10080] =	vst v63  }
0x10f: {  	v3 =	vadd.s32 v1, v3  }
0x110: {  	[tilespmem:s10], [sflag:$0x1] =	stream.indirect_vreg.gather [hbm4b:s5+s3], $0x80, v4, vm0, $0xb8;
	[tilespmem:$0x10080] =	vst v63  }
0x111: {  	_ = 	snop  }
0x112: {  	[tilespmem:s11], [sflag:$0x1] =	stream.indirect_vreg.gather [hbm4b:s6+s3], $0x80, v4, vm0, $0xb8;
	[tilespmem:$0x10080] =	vst v63  }
0x113: {  	_ = 	snop  }
0x114: {  	[tilespmem:s12], [sflag:$0x1] =	stream.indirect_vreg.gather [hbm4b:s1+s3], $0x80, v3, vm0, $0xb8;
	[tilespmem:$0x10080] =	vst v63  }
0x115: {  	s24 =	simm.s32 $0xA880  }
0x116: {  	[tilespmem:s24], [sflag:$0x1] =	stream.indirect_vreg.gather [hbm4b:s4+s3], $0x80, v3, vm0, $0xb8;
	[tilespmem:$0x10080] =	vst v63  }
0x117: {  	s28 =	simm.s32 $0xB080  }
0x118: {  	[tilespmem:s28], [sflag:$0x1] =	stream.indirect_vreg.gather [hbm4b:s5+s3], $0x80, v3, vm0, $0xb8;
	[tilespmem:$0x10080] =	vst v63  }
0x119: {  	s28 =	simm.s32 $0xB880  }
0x11a: {  	[tilespmem:s28], [sflag:$0x1] =	stream.indirect_vreg.gather [hbm4b:s6+s3], $0x80, v3, vm0, $0xb8;
	[tilespmem:$0x10080] =	vst v63  }
0x11b: {  	v3 =	vld [tilespmem:$0x30];
	_ =	sdelay $0x4  }
0x11c: {  	v59 =	vshll.u32 v3, $0x3  }
0x11d: {  	v3 =	vand.u32 $0x7, v3;
	v4 =	vand.u32 $0xFFFFFFC0, v59  }
0x11e: {  	v3 =	vor.u32 v3, v4  }
0x11f: {  	v4 =	vperm.xlane v3, v0;
	_ =	sdelay $0x1  }
0x120: {  	v4 =	vadd.s32 v1, v4;
	_ =	sdelay $0x3  }
0x121: {  	s24 =	simm.s32 $0xC080  }
0x122: {  	[tilespmem:s24], [sflag:$0x1] =	stream.indirect_vreg.gather [hbm4b:s1+s3], $0x80, v4, vm0, $0xb8;
	[tilespmem:$0x10080] =	vst v63  }
0x123: {  	s25 =	simm.s32 $0xC880;
	v3 =	vperm.xlane v3, v2  }
0x124: {  	[tilespmem:s25], [sflag:$0x1] =	stream.indirect_vreg.gather [hbm4b:s4+s3], $0x80, v4, vm0, $0xb8;
	[tilespmem:$0x10080] =	vst v63  }
0x125: {  	s20 =	simm.s32 $0xD080;
	v3 =	vadd.s32 v1, v3  }
0x126: {  	[tilespmem:s20], [sflag:$0x1] =	stream.indirect_vreg.gather [hbm4b:s5+s3], $0x80, v4, vm0, $0xb8;
	[tilespmem:$0x10080] =	vst v63  }
0x127: {  	s22 =	simm.s32 $0xD880  }
0x128: {  	[tilespmem:s22], [sflag:$0x1] =	stream.indirect_vreg.gather [hbm4b:s6+s3], $0x80, v4, vm0, $0xb8;
	[tilespmem:$0x10080] =	vst v63  }
0x129: {  	s29 =	simm.s32 $0xE080  }
0x12a: {  	[tilespmem:s29], [sflag:$0x1] =	stream.indirect_vreg.gather [hbm4b:s1+s3], $0x80, v3, vm0, $0xb8;
	[tilespmem:$0x10080] =	vst v63  }
0x12b: {  	s26 =	simm.s32 $0xE880  }
0x12c: {  	[tilespmem:s26], [sflag:$0x1] =	stream.indirect_vreg.gather [hbm4b:s4+s3], $0x80, v3, vm0, $0xb8;
	[tilespmem:$0x10080] =	vst v63  }
0x12d: {  	s30 =	simm.s32 $0xF080  }
0x12e: {  	[tilespmem:s30], [sflag:$0x1] =	stream.indirect_vreg.gather [hbm4b:s5+s3], $0x80, v3, vm0, $0xb8;
	[tilespmem:$0x10080] =	vst v63  }
0x12f: {  	s26 =	simm.s32 $0xF880  }
0x130: {  	[tilespmem:s26], [sflag:$0x1] =	stream.indirect_vreg.gather [hbm4b:s6+s3], $0x80, v3, vm0, $0xb8;
	[tilespmem:$0x10080] =	vst v63  }
0x131: {  	_ =	swait.ge [sflag:s18], $0x10000  }
0x132: {  	[sflag:s18] =	ssyncset.done $0x0  }
0x133: {  	s29 =	rddreg [dreg:$0x8];
	[sflag:s18] =	ssyncadd.s32 $0xFFFF0000  }
0x134: {  	[hbm4b:s29+s3] =	stream.linear.scatter [tilespmem:s23], [sflag:$0x2], $0x10000, $0x38;
	[tilespmem:$0x10080] =	vst v63  }
0x135: {  	_ =	swait.ge [sflag:s8], $0x10000  }
0x136: {  	[sflag:s8] =	ssyncset.done $0x0  }
0x137: {  	s30 =	rddreg [dreg:$0x9];
	[sflag:s8] =	ssyncadd.s32 $0xFFFF0000  }
0x138: {  	[tilespmem:s3], [sflag:$0x2] =	stream.linear.gather [hbm4b:s30+s3], $0x40, $0x38;
	[tilespmem:$0x10080] =	vst v63  }
0x139: {  	_ =	swait.ge [sflag:s8], $0x40  }
0x13a: {  	[sflag:s8] =	ssyncset.done $0x0  }
0x13b: {  	[sflag:s8] =	ssyncadd.s32 $0xFFFFFFC0  }
0x13c: {  	v3 =	vld [tilespmem:$0x0];
	_ =	sdelay $0x4  }
0x13d: {  	v60 =	vshll.u32 v3, $0x3  }
0x13e: {  	v3 =	vand.u32 $0x7, v3;
	v4 =	vand.u32 $0xFFFFFFC0, v60  }
0x13f: {  	v3 =	vor.u32 v3, v4  }
0x140: {  	v4 =	vperm.xlane v3, v0;
	_ =	sdelay $0x1  }
0x141: {  	v4 =	vadd.s32 v1, v4;
	_ =	sdelay $0x4  }
0x142: {  	[tilespmem:s23], [sflag:$0x1] =	stream.indirect_vreg.gather [hbm4b:s1+s3], $0x80, v4, vm0, $0xb8;
	[tilespmem:$0x10080] =	vst v63  }
0x143: {  	s29 =	simm.s32 $0x880;
	v3 =	vperm.xlane v3, v2  }
0x144: {  	[tilespmem:s29], [sflag:$0x1] =	stream.indirect_vreg.gather [hbm4b:s4+s3], $0x80, v4, vm0, $0xb8;
	[tilespmem:$0x10080] =	vst v63  }
0x145: {  	s21 =	simm.s32 $0x1080;
	v3 =	vadd.s32 v1, v3  }
0x146: {  	[tilespmem:s21], [sflag:$0x1] =	stream.indirect_vreg.gather [hbm4b:s5+s3], $0x80, v4, vm0, $0xb8;
	[tilespmem:$0x10080] =	vst v63  }
0x147: {  	s30 =	simm.s32 $0x1880  }
0x148: {  	[tilespmem:s30], [sflag:$0x1] =	stream.indirect_vreg.gather [hbm4b:s6+s3], $0x80, v4, vm0, $0xb8;
	[tilespmem:$0x10080] =	vst v63  }
0x149: {  	s21 =	simm.s32 $0x2080  }
0x14a: {  	[tilespmem:s21], [sflag:$0x1] =	stream.indirect_vreg.gather [hbm4b:s1+s3], $0x80, v3, vm0, $0xb8;
	[tilespmem:$0x10080] =	vst v63  }
0x14b: {  	s29 =	simm.s32 $0x2880  }
0x14c: {  	[tilespmem:s29], [sflag:$0x1] =	stream.indirect_vreg.gather [hbm4b:s4+s3], $0x80, v3, vm0, $0xb8;
	[tilespmem:$0x10080] =	vst v63  }
0x14d: {  	s30 =	simm.s32 $0x3080  }
0x14e: {  	[tilespmem:s30], [sflag:$0x1] =	stream.indirect_vreg.gather [hbm4b:s5+s3], $0x80, v3, vm0, $0xb8;
	[tilespmem:$0x10080] =	vst v63  }
0x14f: {  	s21 =	simm.s32 $0x3880  }
0x150: {  	[tilespmem:s21], [sflag:$0x1] =	stream.indirect_vreg.gather [hbm4b:s6+s3], $0x80, v3, vm0, $0xb8;
	[tilespmem:$0x10080] =	vst v63  }
0x151: {  	v3 =	vld [tilespmem:$0x10];
	_ =	sdelay $0x4  }
0x152: {  	v61 =	vshll.u32 v3, $0x3  }
0x153: {  	v3 =	vand.u32 $0x7, v3;
	v4 =	vand.u32 $0xFFFFFFC0, v61  }
0x154: {  	v3 =	vor.u32 v3, v4  }
0x155: {  	v4 =	vperm.xlane v3, v0;
	_ =	sdelay $0x1  }
0x156: {  	v4 =	vadd.s32 v1, v4;
	_ =	sdelay $0x3  }
0x157: {  	s16 =	simm.s32 $0x4080  }
0x158: {  	[tilespmem:s16], [sflag:$0x1] =	stream.indirect_vreg.gather [hbm4b:s1+s3], $0x80, v4, vm0, $0xb8;
	[tilespmem:$0x10080] =	vst v63  }
0x159: {  	s29 =	simm.s32 $0x4880;
	v3 =	vperm.xlane v3, v2  }
0x15a: {  	[tilespmem:s29], [sflag:$0x1] =	stream.indirect_vreg.gather [hbm4b:s4+s3], $0x80, v4, vm0, $0xb8;
	[tilespmem:$0x10080] =	vst v63  }
0x15b: {  	s30 =	simm.s32 $0x5080;
	v3 =	vadd.s32 v1, v3  }
0x15c: {  	[tilespmem:s30], [sflag:$0x1] =	stream.indirect_vreg.gather [hbm4b:s5+s3], $0x80, v4, vm0, $0xb8;
	[tilespmem:$0x10080] =	vst v63  }
0x15d: {  	s17 =	simm.s32 $0x5880  }
0x15e: {  	[tilespmem:s17], [sflag:$0x1] =	stream.indirect_vreg.gather [hbm4b:s6+s3], $0x80, v4, vm0, $0xb8;
	[tilespmem:$0x10080] =	vst v63  }
0x15f: {  	s0 =	simm.s32 $0x6080  }
0x160: {  	[tilespmem:s0], [sflag:$0x1] =	stream.indirect_vreg.gather [hbm4b:s1+s3], $0x80, v3, vm0, $0xb8;
	[tilespmem:$0x10080] =	vst v63  }
0x161: {  	s2 =	simm.s32 $0x6880  }
0x162: {  	[tilespmem:s2], [sflag:$0x1] =	stream.indirect_vreg.gather [hbm4b:s4+s3], $0x80, v3, vm0, $0xb8;
	[tilespmem:$0x10080] =	vst v63  }
0x163: {  	s9 =	simm.s32 $0x7080  }
0x164: {  	[tilespmem:s9], [sflag:$0x1] =	stream.indirect_vreg.gather [hbm4b:s5+s3], $0x80, v3, vm0, $0xb8;
	[tilespmem:$0x10080] =	vst v63  }
0x165: {  	s13 =	simm.s32 $0x7880  }
0x166: {  	[tilespmem:s13], [sflag:$0x1] =	stream.indirect_vreg.gather [hbm4b:s6+s3], $0x80, v3, vm0, $0xb8;
	[tilespmem:$0x10080] =	vst v63  }
0x167: {  	v3 =	vld [tilespmem:$0x20];
	_ =	sdelay $0x4  }
0x168: {  	v62 =	vshll.u32 v3, $0x3  }
0x169: {  	v3 =	vand.u32 $0x7, v3;
	v4 =	vand.u32 $0xFFFFFFC0, v62  }
0x16a: {  	v3 =	vor.u32 v3, v4  }
0x16b: {  	v4 =	vperm.xlane v3, v0;
	_ =	sdelay $0x1  }
0x16c: {  	v4 =	vadd.s32 v1, v4;
	_ =	sdelay $0x3  }
0x16d: {  	s14 =	simm.s32 $0x8080  }
0x16e: {  	[tilespmem:s14], [sflag:$0x1] =	stream.indirect_vreg.gather [hbm4b:s1+s3], $0x80, v4, vm0, $0xb8;
	[tilespmem:$0x10080] =	vst v63  }
0x16f: {  	s15 =	simm.s32 $0x8880;
	v3 =	vperm.xlane v3, v2  }
0x170: {  	[tilespmem:s15], [sflag:$0x1] =	stream.indirect_vreg.gather [hbm4b:s4+s3], $0x80, v4, vm0, $0xb8;
	[tilespmem:$0x10080] =	vst v63  }
0x171: {  	s10 =	simm.s32 $0x9080;
	v3 =	vadd.s32 v1, v3  }
0x172: {  	[tilespmem:s10], [sflag:$0x1] =	stream.indirect_vreg.gather [hbm4b:s5+s3], $0x80, v4, vm0, $0xb8;
	[tilespmem:$0x10080] =	vst v63  }
0x173: {  	s11 =	simm.s32 $0x9880  }
0x174: {  	[tilespmem:s11], [sflag:$0x1] =	stream.indirect_vreg.gather [hbm4b:s6+s3], $0x80, v4, vm0, $0xb8;
	[tilespmem:$0x10080] =	vst v63  }
0x175: {  	s12 =	simm.s32 $0xA080  }
0x176: {  	[tilespmem:s12], [sflag:$0x1] =	stream.indirect_vreg.gather [hbm4b:s1+s3], $0x80, v3, vm0, $0xb8;
	[tilespmem:$0x10080] =	vst v63  }
0x177: {  	s31 =	simm.s32 $0xA880  }
0x178: {  	[tilespmem:s31], [sflag:$0x1] =	stream.indirect_vreg.gather [hbm4b:s4+s3], $0x80, v3, vm0, $0xb8;
	[tilespmem:$0x10080] =	vst v63  }
0x179: {  	s19 =	simm.s32 $0xB080  }
0x17a: {  	[tilespmem:s19], [sflag:$0x1] =	stream.indirect_vreg.gather [hbm4b:s5+s3], $0x80, v3, vm0, $0xb8;
	[tilespmem:$0x10080] =	vst v63  }
0x17b: {  	s21 =	simm.s32 $0xB880  }
0x17c: {  	[tilespmem:s21], [sflag:$0x1] =	stream.indirect_vreg.gather [hbm4b:s6+s3], $0x80, v3, vm0, $0xb8;
	[tilespmem:$0x10080] =	vst v63  }
0x17d: {  	v3 =	vld [tilespmem:$0x30];
	_ =	sdelay $0x4  }
0x17e: {  	v63 =	vshll.u32 v3, $0x3  }
0x17f: {  	v3 =	vand.u32 $0x7, v3;
	v4 =	vand.u32 $0xFFFFFFC0, v63  }
0x180: {  	v3 =	vor.u32 v3, v4  }
0x181: {  	v4 =	vperm.xlane v3, v0;
	_ =	sdelay $0x1  }
0x182: {  	v4 =	vadd.s32 v1, v4;
	_ =	sdelay $0x3  }
0x183: {  	s29 =	simm.s32 $0xC080  }
0x184: {  	[tilespmem:s29], [sflag:$0x1] =	stream.indirect_vreg.gather [hbm4b:s1+s3], $0x80, v4, vm0, $0xb8;
	[tilespmem:$0x10080] =	vst v63  }
0x185: {  	s30 =	simm.s32 $0xC880;
	v3 =	vperm.xlane v3, v2  }
0x186: {  	[tilespmem:s30], [sflag:$0x1] =	stream.indirect_vreg.gather [hbm4b:s4+s3], $0x80, v4, vm0, $0xb8;
	[tilespmem:$0x10080] =	vst v63  }
0x187: {  	s28 =	simm.s32 $0xD080;
	v3 =	vadd.s32 v1, v3  }
0x188: {  	[tilespmem:s28], [sflag:$0x1] =	stream.indirect_vreg.gather [hbm4b:s5+s3], $0x80, v4, vm0, $0xb8;
	[tilespmem:$0x10080] =	vst v63  }
0x189: {  	s20 =	simm.s32 $0xD880  }
0x18a: {  	[tilespmem:s20], [sflag:$0x1] =	stream.indirect_vreg.gather [hbm4b:s6+s3], $0x80, v4, vm0, $0xb8;
	[tilespmem:$0x10080] =	vst v63  }
0x18b: {  	s24 =	simm.s32 $0xE080  }
0x18c: {  	[tilespmem:s24], [sflag:$0x1] =	stream.indirect_vreg.gather [hbm4b:s1+s3], $0x80, v3, vm0, $0xb8;
	[tilespmem:$0x10080] =	vst v63  }
0x18d: {  	s22 =	simm.s32 $0xE880  }
0x18e: {  	[tilespmem:s22], [sflag:$0x1] =	stream.indirect_vreg.gather [hbm4b:s4+s3], $0x80, v3, vm0, $0xb8;
	[tilespmem:$0x10080] =	vst v63  }
0x18f: {  	s25 =	simm.s32 $0xF080  }
0x190: {  	[tilespmem:s25], [sflag:$0x1] =	stream.indirect_vreg.gather [hbm4b:s5+s3], $0x80, v3, vm0, $0xb8;
	[tilespmem:$0x10080] =	vst v63  }
0x191: {  	s26 =	simm.s32 $0xF880  }
0x192: {  	[tilespmem:s26], [sflag:$0x1] =	stream.indirect_vreg.gather [hbm4b:s6+s3], $0x80, v3, vm0, $0xb8;
	[tilespmem:$0x10080] =	vst v63  }
0x193: {  	_ =	swait.ge [sflag:s18], $0x10000  }
0x194: {  	p0 =	sne.s32 s7, $0x1;
	[sflag:s18] =	ssyncset.done $0x0  }
.Ltmp0:
0x195: {  	s31 =	rddreg [dreg:$0xa];
	[sflag:s18] =	ssyncadd.s32 $0xFFFF0000;
	(pc) =	sbr.rel @p0 .LBB2_1-.Ltmp0, $4  }
0x196: {  	[hbm4b:s31+s3] =	stream.linear.scatter [tilespmem:s23], [sflag:$0x2], $0x10000, $0x38;
	[tilespmem:$0x10080] =	vst v63  }
0x197: {  	_ =	swait.ge [sflag:s8], $0x10000  }
0x198: {  	[sflag:s8] =	ssyncset.done $0x0  }
0x199: {  	s7 =	sadd.s32 $0xFFFFFFFF, s7;
	[sflag:s8] =	ssyncadd.s32 $0xFFFF0000  }
0x19a: {  	_ =	sfence.sel $0x180000  }
0x19b: {  	[bflag:$0x0] =	sbarrier.arrive $0xFFFF  }
0x19c: {  	_ =	strace $0x90000047  }
0x19d: {  	s0 =	stileid.u32;
	[bflag:$0x2] =	sbarrier.arrive $0xFFFF  }
0x19e: {  	p0 =	sne.s32 s0, $0x0;
	s0 =	rddreg [dreg:$0x2]  }
0x19f: {  	s0 =	sadd.s32 @!p0 $0x100000, s0  }
0x1a0: {  	[sflag:s0] =	ssyncadd.tile.s32 @!p0 $0x1;
	_ =	shalt  }
.Lfunc_end2:
_tile_overlayer_lowered:
.L_overlay_start_2:
0x1a1: {  	(tag) =	ssettag $0x2  }
0x1a2: {  	s0 =	rddreg [dreg:$0x0];
	s2 =	stileid.u32  }
0x1a3: {  	s1 =	rddreg [dreg:$0x1];
	p0 =	sne.s32 s2, $0x0  }
0x1a4: {  	s3 =	rddreg [dreg:$0x2];
	[bflag:$0x3] =	sbarrier.arrive $0xFFFF;
	s2 =	simm.s32 @!p0 $0x1C02  }
0x1a5: {  	[timem:s3], [sflag:s2] =	dma.local @!p0 [hbm:s0], s1  }
0x1a6: {  	s0 =	simm.s32 @!p0 $0x2  }
0x1a7: {  	_ =	swait.ge @!p0 [sflag:s0], s1  }
0x1a8: {  	s1 =	ssub.s32 @!p0 $0x0, s1;
	[sflag:s0] =	ssyncset.done @!p0 $0x0  }
0x1a9: {  	[sflag:s0] =	ssyncadd.s32 @!p0 s1  }
0x1aa: {  	[bflag:$0x3] =	sbarrier.arrive $0xFFFF  }
0x1ab: {  	_ =	shalt  }

</sc_bundles>
